<compile_context>
chip_gen: v7x
topology: tpu7x:2x2x1
jax: 0.10.2.dev20260603
libtpu: 0.0.44.dev20260713+nightly
codegen_flags: <defaults>
</compile_context>

<pallas_src>
import functools

import jax
import jax.numpy as jnp
from jax import lax
from jax.experimental import pallas as pl
from jax.experimental.pallas import tpu as pltpu
from jax.experimental.pallas import tpu_sc as plsc

N0 = 10000
NP = 10240
E = 320000
D = 128
CB = 80
NW = 32
CHUNKS = E // CB
CPW = CHUNKS // NW
RPT = NP // NW
RPS = NP // 16


def _edge_logit_body(ea_ref, we_ref, ate_ref, ae_ref, mx_ref, acc_ref):
    i = pl.program_id(0)
    wv = jnp.dot(we_ref[...], ate_ref[...], preferred_element_type=jnp.float32)
    a = jnp.dot(ea_ref[...], wv, preferred_element_type=jnp.float32)
    ae_ref[...] = a
    bm = jnp.max(a)

    @pl.when(i == 0)
    def _():
        acc_ref[0, 0] = bm

    acc_ref[0, 0] = jnp.maximum(acc_ref[0, 0], bm)

    @pl.when(i == pl.num_programs(0) - 1)
    def _():
        mx_ref[...] = jnp.broadcast_to(acc_ref[0, 0], (1, 1))


def _edge_logits(edge_attr, W_edge, att_edge):
    nb = 100
    rb = E // nb
    return pl.pallas_call(
        _edge_logit_body,
        grid=(nb,),
        in_specs=[
            pl.BlockSpec((rb, D), lambda i: (i, 0)),
            pl.BlockSpec((D, D), lambda i: (0, 0)),
            pl.BlockSpec((D, 1), lambda i: (0, 0)),
        ],
        out_specs=[
            pl.BlockSpec((rb, 1), lambda i: (i, 0)),
            pl.BlockSpec((1, 1), lambda i: (0, 0)),
        ],
        out_shape=[
            jax.ShapeDtypeStruct((E, 1), jnp.float32),
            jax.ShapeDtypeStruct((1, 1), jnp.float32),
        ],
        scratch_shapes=[pltpu.SMEM((1, 1), jnp.float32)],
    )(edge_attr, W_edge, att_edge.reshape(D, 1))


def _node_body(x_ref, w_ref, as_ref, ad_ref, g_ref, b_ref,
               h_ref, asrc_ref, adst_ref, mx_ref, acc_ref):
    i = pl.program_id(0)
    xb = x_ref[...]
    mu = jnp.mean(xb, axis=-1, keepdims=True)
    var = jnp.mean((xb - mu) * (xb - mu), axis=-1, keepdims=True)
    xn = (xb - mu) / jnp.sqrt(var + 1e-5) * g_ref[...] + b_ref[...]
    h = jnp.dot(xn, w_ref[...], preferred_element_type=jnp.float32)
    h_ref[...] = h
    a_s = jnp.dot(h, as_ref[...], preferred_element_type=jnp.float32)
    a_d = jnp.dot(h, ad_ref[...], preferred_element_type=jnp.float32)
    asrc_ref[...] = a_s
    adst_ref[...] = a_d
    bm = jnp.max(a_s)

    @pl.when(i == 0)
    def _():
        acc_ref[0, 0] = bm

    acc_ref[0, 0] = jnp.maximum(acc_ref[0, 0], bm)

    @pl.when(i == pl.num_programs(0) - 1)
    def _():
        mx_ref[...] = jnp.broadcast_to(acc_ref[0, 0], (1, 1))


def _node_stage(xp, W, att_src, att_dst, g1, b1):
    nb = 10
    rb = NP // nb
    return pl.pallas_call(
        _node_body,
        grid=(nb,),
        in_specs=[
            pl.BlockSpec((rb, D), lambda i: (i, 0)),
            pl.BlockSpec((D, D), lambda i: (0, 0)),
            pl.BlockSpec((D, 1), lambda i: (0, 0)),
            pl.BlockSpec((D, 1), lambda i: (0, 0)),
            pl.BlockSpec((1, D), lambda i: (0, 0)),
            pl.BlockSpec((1, D), lambda i: (0, 0)),
        ],
        out_specs=[
            pl.BlockSpec((rb, D), lambda i: (i, 0)),
            pl.BlockSpec((rb, 1), lambda i: (i, 0)),
            pl.BlockSpec((rb, 1), lambda i: (i, 0)),
            pl.BlockSpec((1, 1), lambda i: (0, 0)),
        ],
        out_shape=[
            jax.ShapeDtypeStruct((NP, D), jnp.float32),
            jax.ShapeDtypeStruct((NP, 1), jnp.float32),
            jax.ShapeDtypeStruct((NP, 1), jnp.float32),
            jax.ShapeDtypeStruct((1, 1), jnp.float32),
        ],
        scratch_shapes=[pltpu.SMEM((1, 1), jnp.float32)],
    )(xp, W, att_src.reshape(D, 1), att_dst.reshape(D, 1),
      g1.reshape(1, D), b1.reshape(1, D))


def _sc_body(src_hbm, dst_hbm, ae_hbm, asrc_hbm, adst_hbm, g2_hbm, h_hbm,
             aggp_hbm, den_hbm,
             srcs, dsts, aes, w_v, rows0, rows1,
             asrc_t, adst_t, g2_t, agg_sh, den_sh, sem0, sem1):
    cid = lax.axis_index("c")
    sid = lax.axis_index("s")
    wid = cid * 16 + sid
    base0 = wid * CPW * CB

    @plsc.parallel_loop(0, CB, unroll=8)
    def _zr(r):
        for q in range(8):
            rows0[r, pl.ds(q * 16, 16)] = jnp.zeros((16,), jnp.float32)
    for k in range(RPS // CB):
        pltpu.sync_copy(rows0, agg_sh.at[pl.ds(sid * RPS + k * CB, CB)])
    for k in range(RPS // 128):
        pltpu.sync_copy(rows0.at[0], den_sh.at[pl.ds(sid * RPS + k * 128, 128)])

    pltpu.sync_copy(asrc_hbm, asrc_t)
    pltpu.sync_copy(adst_hbm, adst_t)
    pltpu.sync_copy(g2_hbm, g2_t)
    plsc.subcore_barrier()

    g2v = g2_t[...]

    def _load_idx(cbase, b):
        pltpu.sync_copy(src_hbm.at[pl.ds(cbase, CB)], srcs.at[b])
        pltpu.sync_copy(dst_hbm.at[pl.ds(cbase, CB)], dsts.at[b])
        pltpu.sync_copy(ae_hbm.at[pl.ds(cbase, CB)], aes.at[b])

    def _weights(b):
        for t in range(CB // 16):
            sidx = srcs[b, pl.ds(t * 16, 16)]
            didx = dsts[b, pl.ds(t * 16, 16)]
            a_s = plsc.load_gather(asrc_t, [sidx])
            a_d = plsc.load_gather(adst_t, [didx])
            al = a_s + a_d + aes[b, pl.ds(t * 16, 16)]
            al = jnp.where(al >= 0.0, al, al * 0.2)
            cc = a_d + g2v
            cc = jnp.where(cc >= 0.0, cc, cc * 0.2)
            w_v[pl.ds(t * 16, 16)] = jnp.exp(al - cc)

    def _scale_scatter(b, rows):
        @plsc.parallel_loop(0, CB, unroll=8)
        def _scale(e):
            ws = w_v[pl.ds(e, 16)][0]
            for q in range(8):
                rows[e, pl.ds(q * 16, 16)] = rows[e, pl.ds(q * 16, 16)] * ws

        pltpu.sync_copy(w_v.at[pl.ds(0, CB)], den_sh.at[dsts.at[b]], add=True)
        pltpu.sync_copy(rows, agg_sh.at[dsts.at[b]], add=True)

    _load_idx(base0, 0)
    pltpu.async_copy(h_hbm.at[srcs.at[0]], rows0, sem0)

    def _pair(jj, carry):
        cA = jj * 2
        _load_idx(base0 + (cA + 1) * CB, 1)
        pltpu.async_copy(h_hbm.at[srcs.at[1]], rows1, sem1)
        _weights(0)
        pltpu.make_async_copy(h_hbm.at[srcs.at[0]], rows0, sem0).wait()
        _scale_scatter(0, rows0)
        _load_idx(base0 + (cA + 2) * CB, 0)
        pltpu.async_copy(h_hbm.at[srcs.at[0]], rows0, sem0)
        _weights(1)
        pltpu.make_async_copy(h_hbm.at[srcs.at[1]], rows1, sem1).wait()
        _scale_scatter(1, rows1)
        return carry

    lax.fori_loop(0, CPW // 2, _pair, 0)
    _weights(0)
    pltpu.make_async_copy(h_hbm.at[srcs.at[0]], rows0, sem0).wait()
    _scale_scatter(0, rows0)
    plsc.subcore_barrier()

    pltpu.sync_copy(agg_sh.at[pl.ds(sid * RPS, RPS)],
                    aggp_hbm.at[cid, pl.ds(sid * RPS, RPS)])
    pltpu.sync_copy(den_sh.at[pl.ds(sid * RPS, RPS)],
                    den_hbm.at[cid, pl.ds(sid * RPS, RPS)])


def _sc_aggregate(src2, dst2, ae2, asrc, adst, g2v, h):
    mesh = plsc.VectorSubcoreMesh(core_axis_name="c", subcore_axis_name="s")
    kfn = pl.kernel(
        _sc_body,
        out_type=[
            jax.ShapeDtypeStruct((2, NP, D), jnp.float32),
            jax.ShapeDtypeStruct((2, NP), jnp.float32),
        ],
        mesh=mesh,
        compiler_params=pltpu.CompilerParams(needs_layout_passes=False),
        scratch_types=[
            pltpu.VMEM((2, CB), jnp.int32),
            pltpu.VMEM((2, CB), jnp.int32),
            pltpu.VMEM((2, CB), jnp.float32),
            pltpu.VMEM((CB + 16,), jnp.float32),
            pltpu.VMEM((CB, D), jnp.float32),
            pltpu.VMEM((CB, D), jnp.float32),
            pltpu.VMEM((NP,), jnp.float32),
            pltpu.VMEM((NP,), jnp.float32),
            pltpu.VMEM((16,), jnp.float32),
            pltpu.VMEM_SHARED((NP, D), jnp.float32),
            pltpu.VMEM_SHARED((NP,), jnp.float32),
            pltpu.SemaphoreType.DMA,
            pltpu.SemaphoreType.DMA,
        ],
    )
    return kfn(src2, dst2, ae2, asrc, adst, g2v, h)


def _ffn_body(x_ref, ap_ref, db_ref, bias_ref, g_ref, b_ref,
              w1_ref, bf1_ref, w2_ref, bf2_ref, o_ref):
    agg = (ap_ref[0] + ap_ref[1]) / (db_ref[0] + db_ref[1] + 1e-16)
    x2 = x_ref[...] + agg + bias_ref[...]
    mu = jnp.mean(x2, axis=-1, keepdims=True)
    var = jnp.mean((x2 - mu) * (x2 - mu), axis=-1, keepdims=True)
    xn = (x2 - mu) / jnp.sqrt(var + 1e-5) * g_ref[...] + b_ref[...]
    f1 = jnp.maximum(
        jnp.dot(xn, w1_ref[...], preferred_element_type=jnp.float32)
        + bf1_ref[...], 0.0)
    f2 = jnp.dot(f1, w2_ref[...], preferred_element_type=jnp.float32) \
        + bf2_ref[...]
    o_ref[...] = x2 + f2


def _ffn_stage(xp, aggp, denb, bias, g2, b2, W1, bf1, W2, bf2):
    nb = 10
    rb = NP // nb
    return pl.pallas_call(
        _ffn_body,
        grid=(nb,),
        in_specs=[
            pl.BlockSpec((rb, D), lambda i: (i, 0)),
            pl.BlockSpec((2, rb, D), lambda i: (0, i, 0)),
            pl.BlockSpec((2, rb, 1), lambda i: (0, i, 0)),
            pl.BlockSpec((1, D), lambda i: (0, 0)),
            pl.BlockSpec((1, D), lambda i: (0, 0)),
            pl.BlockSpec((1, D), lambda i: (0, 0)),
            pl.BlockSpec((D, 4 * D), lambda i: (0, 0)),
            pl.BlockSpec((1, 4 * D), lambda i: (0, 0)),
            pl.BlockSpec((4 * D, D), lambda i: (0, 0)),
            pl.BlockSpec((1, D), lambda i: (0, 0)),
        ],
        out_specs=pl.BlockSpec((rb, D), lambda i: (i, 0)),
        out_shape=jax.ShapeDtypeStruct((NP, D), jnp.float32),
    )(xp, aggp, denb, bias.reshape(1, D), g2.reshape(1, D), b2.reshape(1, D),
      W1, bf1.reshape(1, 4 * D), W2, bf2.reshape(1, D))


@jax.jit
def kernel(x, edge_index, edge_attr, W, W_edge, att_src, att_dst, att_edge,
           bias, g1, b1, W1, bf1, W2, bf2, g2, b2):
    xp = jnp.pad(x, ((0, NP - N0), (0, 0)))
    a_edge, aemax = _edge_logits(edge_attr, W_edge, att_edge)
    h, asrc, adst, asmax = _node_stage(xp, W, att_src, att_dst, g1, b1)

    g2v = jnp.broadcast_to(jnp.squeeze(asmax) + jnp.squeeze(aemax), (16,))
    aggp, den = _sc_aggregate(edge_index[0], edge_index[1],
                              a_edge.reshape(E), asrc.reshape(NP),
                              adst.reshape(NP), g2v, h)

    outp = _ffn_stage(xp, aggp, den[:, :, None], bias, g2, b2, W1, bf1, W2, bf2)
    return outp[:N0]

# --- scband reference (transcript-rebuilt; emitter-appended) ---
"""Pipeline reference for scband-gnnplus-layer-87419764343138 (READ-ONLY COPY).

The authoritative reference and input builder live on the scoring server;
editing this copy changes nothing except your own understanding.
"""

import jax, jax.numpy as jnp
import numpy as np


def _ln(x, g, b):
    m = jnp.mean(x, axis=-1, keepdims=True)
    v = jnp.var(x, axis=-1, keepdims=True)
    return (x - m) / jnp.sqrt(v + 1e-5) * g + b


def setup_inputs(seed: int = 0):
    N, E, D = 10000, 320000, 128
    key = jax.random.key(seed)
    ks = jax.random.split(key, 12)
    s = 1.0 / np.sqrt(D)
    inp = {}
    inp["x"] = jax.random.normal(ks[0], (N, D), dtype=jnp.float32)
    inp["edge_index"] = jax.random.randint(ks[1], (2, E), 0, N, dtype=jnp.int32)
    inp["edge_attr"] = jax.random.normal(ks[2], (E, D), dtype=jnp.float32)
    inp["W"] = jax.random.normal(ks[3], (D, D), dtype=jnp.float32) * s
    inp["W_edge"] = jax.random.normal(ks[4], (D, D), dtype=jnp.float32) * s
    inp["att_src"] = jax.random.normal(ks[5], (D,), dtype=jnp.float32) * s
    inp["att_dst"] = jax.random.normal(ks[6], (D,), dtype=jnp.float32) * s
    inp["att_edge"] = jax.random.normal(ks[7], (D,), dtype=jnp.float32) * s
    inp["bias"] = jnp.zeros((D,), dtype=jnp.float32)
    inp["g1"] = jnp.ones((D,), dtype=jnp.float32)
    inp["b1"] = jnp.zeros((D,), dtype=jnp.float32)
    inp["W1"] = jax.random.normal(ks[8], (D, 4 * D), dtype=jnp.float32) * s
    inp["bf1"] = jnp.zeros((4 * D,), dtype=jnp.float32)
    inp["W2"] = jax.random.normal(ks[9], (4 * D, D), dtype=jnp.float32) * (1.0 / np.sqrt(4 * D))
    inp["bf2"] = jnp.zeros((D,), dtype=jnp.float32)
    inp["g2"] = jnp.ones((D,), dtype=jnp.float32)
    inp["b2"] = jnp.zeros((D,), dtype=jnp.float32)
    return inp


def reference(x, edge_index, edge_attr, W, W_edge, att_src, att_dst, att_edge, bias, g1, b1, W1, bf1, W2, bf2, g2, b2):
    # GNN+ layer: pre-norm GATConv (heads=1, concat=False, edge_dim=D, no self loops)
    # + residual, then pre-norm FFN + residual. Dropout is identity (eval mode).
    N = x.shape[0]
    src = edge_index[0]
    dst = edge_index[1]
    xn = _ln(x, g1, b1)
    h = xn @ W                      # shared lin for src/dst (PyG GATConv with int in_channels)
    he = edge_attr @ W_edge         # lin_edge
    a_src = (h * att_src).sum(axis=-1)    # [N]
    a_dst = (h * att_dst).sum(axis=-1)    # [N]
    a_edge = (he * att_edge).sum(axis=-1) # [E]
    alpha = a_src[src] + a_dst[dst] + a_edge
    alpha = jax.nn.leaky_relu(alpha, negative_slope=0.2)
    # softmax over incoming edges of each dst node
    amax = jax.ops.segment_max(alpha, dst, num_segments=N)
    amax = jnp.where(jnp.isfinite(amax), amax, 0.0)
    ex = jnp.exp(alpha - amax[dst])
    denom = jax.ops.segment_sum(ex, dst, num_segments=N)
    alpha = ex / (denom[dst] + 1e-16)
    msg = h[src] * alpha[:, None]
    agg = jax.ops.segment_sum(msg, dst, num_segments=N) + bias
    x = x + agg
    xn2 = _ln(x, g2, b2)
    ffn = jax.nn.relu(xn2 @ W1 + bf1) @ W2 + bf2
    return x + ffn

if __name__ == "__main__":
    import jax
    _d = setup_inputs()
    print(jax.jit(kernel)(*tuple(_d.values())))

</pallas_src>

<mosaic_0001>
#map = affine_map<(d0, d1) -> (0)>
#map1 = affine_map<(d0, d1) -> (0, 0)>
#map2 = affine_map<(d0, d1) -> (0, 0, 0)>
module attributes {stable_mosaic.version = 14 : i64} {
  func.func @_sc_body(%arg0: i32, %arg1: i32, %arg2: memref<320000xi32, #tpu.memory_space<hbm>>, %arg3: memref<320000xi32, #tpu.memory_space<hbm>>, %arg4: memref<320000xf32, #tpu.memory_space<hbm>>, %arg5: memref<10240xf32, #tpu.memory_space<hbm>>, %arg6: memref<10240xf32, #tpu.memory_space<hbm>>, %arg7: memref<16xf32, #tpu.memory_space<hbm>>, %arg8: memref<10240x128xf32, #tpu.memory_space<hbm>>, %arg9: memref<2x10240x128xf32, #tpu.memory_space<hbm>>, %arg10: memref<2x10240xf32, #tpu.memory_space<hbm>>, %arg11: memref<2x80xi32, #tpu.memory_space<vmem>>, %arg12: memref<2x80xi32, #tpu.memory_space<vmem>>, %arg13: memref<2x80xf32, #tpu.memory_space<vmem>>, %arg14: memref<96xf32, #tpu.memory_space<vmem>>, %arg15: memref<80x128xf32, #tpu.memory_space<vmem>>, %arg16: memref<80x128xf32, #tpu.memory_space<vmem>>, %arg17: memref<10240xf32, #tpu.memory_space<vmem>>, %arg18: memref<10240xf32, #tpu.memory_space<vmem>>, %arg19: memref<16xf32, #tpu.memory_space<vmem>>, %arg20: memref<10240x128xf32, #tpu.memory_space<vmem_shared>>, %arg21: memref<10240xf32, #tpu.memory_space<vmem_shared>>, %arg22: memref<!tpu.dma_semaphore, #tpu.memory_space<semaphore_mem>>, %arg23: memref<!tpu.dma_semaphore, #tpu.memory_space<semaphore_mem>>) attributes {dimension_semantics = [#tpu.dimension_semantics<core_parallel>, #tpu.dimension_semantics<subcore_parallel>], iteration_bounds = array<i64: 2, 16>, scalar_prefetch = 0 : i64, scratch_operands = 13 : i64, tpu.core_type = #tpu.core_type<sc_vector_subcore>, window_params = [{transform_indices = #map}, {transform_indices = #map}, {transform_indices = #map}, {transform_indices = #map}, {transform_indices = #map}, {transform_indices = #map}, {transform_indices = #map1}, {transform_indices = #map2}, {transform_indices = #map1}]} {
    %mul3A = arith.constant 16 : i32
    %mul3A_0 = arith.muli %arg0, %mul3A : i32
    %add3A = arith.addi %mul3A_0, %arg1 : i32
    %mul3A_1 = arith.constant 125 : i32
    %mul3A_2 = arith.muli %add3A, %mul3A_1 : i32
    %mul3A_3 = arith.constant 80 : i32
    %mul3A_4 = arith.muli %mul3A_2, %mul3A_3 : i32
    %parallel_loop3A = arith.constant 0 : i32
    %parallel_loop3A_5 = arith.constant 80 : i32
    %parallel_loop3A_6 = arith.constant 1 : i32
    scf.for %parallel_loop3A_267 = %parallel_loop3A to %parallel_loop3A_5 step %parallel_loop3A_6  : i32 {
      %parallel_loop3A_268 = arith.constant 0.000000e+00 : f32
      %parallel_loop3A_269 = vector.broadcast %parallel_loop3A_268 : f32 to vector<16xf32>
      %parallel_loop3A_270 = arith.index_cast %parallel_loop3A_267 : i32 to index
      %parallel_loop3A_271 = arith.constant 0 : index
      %parallel_loop3A_272 = tpu.vector_load %arg15[%parallel_loop3A_270, %parallel_loop3A_271] {strides = array<i32>} : memref<80x128xf32, #tpu.memory_space<vmem>>, vector<16xf32>,
      tpu.vector_store %arg15[%parallel_loop3A_270, %parallel_loop3A_271], %parallel_loop3A_269 {strides = array<i32>} : memref<80x128xf32, #tpu.memory_space<vmem>>, vector<16xf32>,
      %parallel_loop3A_273 = arith.constant 0.000000e+00 : f32
      %parallel_loop3A_274 = vector.broadcast %parallel_loop3A_273 : f32 to vector<16xf32>
      %parallel_loop3A_275 = arith.index_cast %parallel_loop3A_267 : i32 to index
      %parallel_loop3A_276 = arith.constant 16 : index
      %parallel_loop3A_277 = tpu.vector_load %arg15[%parallel_loop3A_275, %parallel_loop3A_276] {strides = array<i32>} : memref<80x128xf32, #tpu.memory_space<vmem>>, vector<16xf32>,
      tpu.vector_store %arg15[%parallel_loop3A_275, %parallel_loop3A_276], %parallel_loop3A_274 {strides = array<i32>} : memref<80x128xf32, #tpu.memory_space<vmem>>, vector<16xf32>,
      %parallel_loop3A_278 = arith.constant 0.000000e+00 : f32
      %parallel_loop3A_279 = vector.broadcast %parallel_loop3A_278 : f32 to vector<16xf32>
      %parallel_loop3A_280 = arith.index_cast %parallel_loop3A_267 : i32 to index
      %parallel_loop3A_281 = arith.constant 32 : index
      %parallel_loop3A_282 = tpu.vector_load %arg15[%parallel_loop3A_280, %parallel_loop3A_281] {strides = array<i32>} : memref<80x128xf32, #tpu.memory_space<vmem>>, vector<16xf32>,
      tpu.vector_store %arg15[%parallel_loop3A_280, %parallel_loop3A_281], %parallel_loop3A_279 {strides = array<i32>} : memref<80x128xf32, #tpu.memory_space<vmem>>, vector<16xf32>,
      %parallel_loop3A_283 = arith.constant 0.000000e+00 : f32
      %parallel_loop3A_284 = vector.broadcast %parallel_loop3A_283 : f32 to vector<16xf32>
      %parallel_loop3A_285 = arith.index_cast %parallel_loop3A_267 : i32 to index
      %parallel_loop3A_286 = arith.constant 48 : index
      %parallel_loop3A_287 = tpu.vector_load %arg15[%parallel_loop3A_285, %parallel_loop3A_286] {strides = array<i32>} : memref<80x128xf32, #tpu.memory_space<vmem>>, vector<16xf32>,
      tpu.vector_store %arg15[%parallel_loop3A_285, %parallel_loop3A_286], %parallel_loop3A_284 {strides = array<i32>} : memref<80x128xf32, #tpu.memory_space<vmem>>, vector<16xf32>,
      %parallel_loop3A_288 = arith.constant 0.000000e+00 : f32
      %parallel_loop3A_289 = vector.broadcast %parallel_loop3A_288 : f32 to vector<16xf32>
      %parallel_loop3A_290 = arith.index_cast %parallel_loop3A_267 : i32 to index
      %parallel_loop3A_291 = arith.constant 64 : index
      %parallel_loop3A_292 = tpu.vector_load %arg15[%parallel_loop3A_290, %parallel_loop3A_291] {strides = array<i32>} : memref<80x128xf32, #tpu.memory_space<vmem>>, vector<16xf32>,
      tpu.vector_store %arg15[%parallel_loop3A_290, %parallel_loop3A_291], %parallel_loop3A_289 {strides = array<i32>} : memref<80x128xf32, #tpu.memory_space<vmem>>, vector<16xf32>,
      %parallel_loop3A_293 = arith.constant 0.000000e+00 : f32
      %parallel_loop3A_294 = vector.broadcast %parallel_loop3A_293 : f32 to vector<16xf32>
      %parallel_loop3A_295 = arith.index_cast %parallel_loop3A_267 : i32 to index
      %parallel_loop3A_296 = arith.constant 80 : index
      %parallel_loop3A_297 = tpu.vector_load %arg15[%parallel_loop3A_295, %parallel_loop3A_296] {strides = array<i32>} : memref<80x128xf32, #tpu.memory_space<vmem>>, vector<16xf32>,
      tpu.vector_store %arg15[%parallel_loop3A_295, %parallel_loop3A_296], %parallel_loop3A_294 {strides = array<i32>} : memref<80x128xf32, #tpu.memory_space<vmem>>, vector<16xf32>,
      %parallel_loop3A_298 = arith.constant 0.000000e+00 : f32
      %parallel_loop3A_299 = vector.broadcast %parallel_loop3A_298 : f32 to vector<16xf32>
      %parallel_loop3A_300 = arith.index_cast %parallel_loop3A_267 : i32 to index
      %parallel_loop3A_301 = arith.constant 96 : index
      %parallel_loop3A_302 = tpu.vector_load %arg15[%parallel_loop3A_300, %parallel_loop3A_301] {strides = array<i32>} : memref<80x128xf32, #tpu.memory_space<vmem>>, vector<16xf32>,
      tpu.vector_store %arg15[%parallel_loop3A_300, %parallel_loop3A_301], %parallel_loop3A_299 {strides = array<i32>} : memref<80x128xf32, #tpu.memory_space<vmem>>, vector<16xf32>,
      %parallel_loop3A_303 = arith.constant 0.000000e+00 : f32
      %parallel_loop3A_304 = vector.broadcast %parallel_loop3A_303 : f32 to vector<16xf32>
      %parallel_loop3A_305 = arith.index_cast %parallel_loop3A_267 : i32 to index
      %parallel_loop3A_306 = arith.constant 112 : index
      %parallel_loop3A_307 = tpu.vector_load %arg15[%parallel_loop3A_305, %parallel_loop3A_306] {strides = array<i32>} : memref<80x128xf32, #tpu.memory_space<vmem>>, vector<16xf32>,
      tpu.vector_store %arg15[%parallel_loop3A_305, %parallel_loop3A_306], %parallel_loop3A_304 {strides = array<i32>} : memref<80x128xf32, #tpu.memory_space<vmem>>, vector<16xf32>,
    } {sc.loop_unroll_factor = 8 : i64, sc.parallel_access}
    %mul3A_7 = arith.constant 640 : i32
    %mul3A_8 = arith.muli %arg1, %mul3A_7 : i32
    %add3A_9 = arith.constant 0 : i32
    %add3A_10 = arith.addi %mul3A_8, %add3A_9 : i32
    "tpu.region"() ({
      %run_scoped3A_267 = tpu.sem_alloc : memref<!tpu.dma_semaphore, #tpu.memory_space<semaphore_mem>>
      %dma_start3A_268 = arith.constant 0 : i32
      %dma_start3A_269 = tpu.memref_slice %arg20[%add3A_10, %dma_start3A_268] : memref<10240x128xf32, #tpu.memory_space<vmem_shared>> -> memref<80x128xf32, #tpu.memory_space<vmem_shared>>
      %dma_start3A_270 = arith.constant 0 : i32
      %dma_start3A_271 = tpu.memref_slice %arg20[%add3A_10, %dma_start3A_270] : memref<10240x128xf32, #tpu.memory_space<vmem_shared>> -> memref<80x128xf32, #tpu.memory_space<vmem_shared>>
      tpu.enqueue_dma source(%arg15 : memref<80x128xf32, #tpu.memory_space<vmem>>) target(%dma_start3A_271 : memref<80x128xf32, #tpu.memory_space<vmem_shared>>) target_semaphore(%run_scoped3A_267 : memref<!tpu.dma_semaphore, #tpu.memory_space<semaphore_mem>>)
      %dma_wait3A_272 = arith.constant 0 : i32
      %dma_wait3A_273 = tpu.memref_slice %arg20[%add3A_10, %dma_wait3A_272] : memref<10240x128xf32, #tpu.memory_space<vmem_shared>> -> memref<80x128xf32, #tpu.memory_space<vmem_shared>>
      %dma_wait3A_274 = arith.constant 0 : i32
      %dma_wait3A_275 = tpu.memref_slice %arg20[%add3A_10, %dma_wait3A_274] : memref<10240x128xf32, #tpu.memory_space<vmem_shared>> -> memref<80x128xf32, #tpu.memory_space<vmem_shared>>
      tpu.wait_dma2 semaphore(%run_scoped3A_267 : memref<!tpu.dma_semaphore, #tpu.memory_space<semaphore_mem>>) src(%arg15 : memref<80x128xf32, #tpu.memory_space<vmem>>) dst(%dma_wait3A_275 : memref<80x128xf32, #tpu.memory_space<vmem_shared>>)
      tpu.yield
    }) : () -> ()
    %mul3A_11 = arith.constant 640 : i32
    %mul3A_12 = arith.muli %arg1, %mul3A_11 : i32
    %add3A_13 = arith.constant 80 : i32
    %add3A_14 = arith.addi %mul3A_12, %add3A_13 : i32
    "tpu.region"() ({
      %run_scoped3A_267 = tpu.sem_alloc : memref<!tpu.dma_semaphore, #tpu.memory_space<semaphore_mem>>
      %dma_start3A_268 = arith.constant 0 : i32
      %dma_start3A_269 = tpu.memref_slice %arg20[%add3A_14, %dma_start3A_268] : memref<10240x128xf32, #tpu.memory_space<vmem_shared>> -> memref<80x128xf32, #tpu.memory_space<vmem_shared>>
      %dma_start3A_270 = arith.constant 0 : i32
      %dma_start3A_271 = tpu.memref_slice %arg20[%add3A_14, %dma_start3A_270] : memref<10240x128xf32, #tpu.memory_space<vmem_shared>> -> memref<80x128xf32, #tpu.memory_space<vmem_shared>>
      tpu.enqueue_dma source(%arg15 : memref<80x128xf32, #tpu.memory_space<vmem>>) target(%dma_start3A_271 : memref<80x128xf32, #tpu.memory_space<vmem_shared>>) target_semaphore(%run_scoped3A_267 : memref<!tpu.dma_semaphore, #tpu.memory_space<semaphore_mem>>)
      %dma_wait3A_272 = arith.constant 0 : i32
      %dma_wait3A_273 = tpu.memref_slice %arg20[%add3A_14, %dma_wait3A_272] : memref<10240x128xf32, #tpu.memory_space<vmem_shared>> -> memref<80x128xf32, #tpu.memory_space<vmem_shared>>
      %dma_wait3A_274 = arith.constant 0 : i32
      %dma_wait3A_275 = tpu.memref_slice %arg20[%add3A_14, %dma_wait3A_274] : memref<10240x128xf32, #tpu.memory_space<vmem_shared>> -> memref<80x128xf32, #tpu.memory_space<vmem_shared>>
      tpu.wait_dma2 semaphore(%run_scoped3A_267 : memref<!tpu.dma_semaphore, #tpu.memory_space<semaphore_mem>>) src(%arg15 : memref<80x128xf32, #tpu.memory_space<vmem>>) dst(%dma_wait3A_275 : memref<80x128xf32, #tpu.memory_space<vmem_shared>>)
      tpu.yield
    }) : () -> ()
    %mul3A_15 = arith.constant 640 : i32
    %mul3A_16 = arith.muli %arg1, %mul3A_15 : i32
    %add3A_17 = arith.constant 160 : i32
    %add3A_18 = arith.addi %mul3A_16, %add3A_17 : i32
    "tpu.region"() ({
      %run_scoped3A_267 = tpu.sem_alloc : memref<!tpu.dma_semaphore, #tpu.memory_space<semaphore_mem>>
      %dma_start3A_268 = arith.constant 0 : i32
      %dma_start3A_269 = tpu.memref_slice %arg20[%add3A_18, %dma_start3A_268] : memref<10240x128xf32, #tpu.memory_space<vmem_shared>> -> memref<80x128xf32, #tpu.memory_space<vmem_shared>>
      %dma_start3A_270 = arith.constant 0 : i32
      %dma_start3A_271 = tpu.memref_slice %arg20[%add3A_18, %dma_start3A_270] : memref<10240x128xf32, #tpu.memory_space<vmem_shared>> -> memref<80x128xf32, #tpu.memory_space<vmem_shared>>
      tpu.enqueue_dma source(%arg15 : memref<80x128xf32, #tpu.memory_space<vmem>>) target(%dma_start3A_271 : memref<80x128xf32, #tpu.memory_space<vmem_shared>>) target_semaphore(%run_scoped3A_267 : memref<!tpu.dma_semaphore, #tpu.memory_space<semaphore_mem>>)
      %dma_wait3A_272 = arith.constant 0 : i32
      %dma_wait3A_273 = tpu.memref_slice %arg20[%add3A_18, %dma_wait3A_272] : memref<10240x128xf32, #tpu.memory_space<vmem_shared>> -> memref<80x128xf32, #tpu.memory_space<vmem_shared>>
      %dma_wait3A_274 = arith.constant 0 : i32
      %dma_wait3A_275 = tpu.memref_slice %arg20[%add3A_18, %dma_wait3A_274] : memref<10240x128xf32, #tpu.memory_space<vmem_shared>> -> memref<80x128xf32, #tpu.memory_space<vmem_shared>>
      tpu.wait_dma2 semaphore(%run_scoped3A_267 : memref<!tpu.dma_semaphore, #tpu.memory_space<semaphore_mem>>) src(%arg15 : memref<80x128xf32, #tpu.memory_space<vmem>>) dst(%dma_wait3A_275 : memref<80x128xf32, #tpu.memory_space<vmem_shared>>)
      tpu.yield
    }) : () -> ()
    %mul3A_19 = arith.constant 640 : i32
    %mul3A_20 = arith.muli %arg1, %mul3A_19 : i32
    %add3A_21 = arith.constant 240 : i32
    %add3A_22 = arith.addi %mul3A_20, %add3A_21 : i32
    "tpu.region"() ({
      %run_scoped3A_267 = tpu.sem_alloc : memref<!tpu.dma_semaphore, #tpu.memory_space<semaphore_mem>>
      %dma_start3A_268 = arith.constant 0 : i32
      %dma_start3A_269 = tpu.memref_slice %arg20[%add3A_22, %dma_start3A_268] : memref<10240x128xf32, #tpu.memory_space<vmem_shared>> -> memref<80x128xf32, #tpu.memory_space<vmem_shared>>
      %dma_start3A_270 = arith.constant 0 : i32
      %dma_start3A_271 = tpu.memref_slice %arg20[%add3A_22, %dma_start3A_270] : memref<10240x128xf32, #tpu.memory_space<vmem_shared>> -> memref<80x128xf32, #tpu.memory_space<vmem_shared>>
      tpu.enqueue_dma source(%arg15 : memref<80x128xf32, #tpu.memory_space<vmem>>) target(%dma_start3A_271 : memref<80x128xf32, #tpu.memory_space<vmem_shared>>) target_semaphore(%run_scoped3A_267 : memref<!tpu.dma_semaphore, #tpu.memory_space<semaphore_mem>>)
      %dma_wait3A_272 = arith.constant 0 : i32
      %dma_wait3A_273 = tpu.memref_slice %arg20[%add3A_22, %dma_wait3A_272] : memref<10240x128xf32, #tpu.memory_space<vmem_shared>> -> memref<80x128xf32, #tpu.memory_space<vmem_shared>>
      %dma_wait3A_274 = arith.constant 0 : i32
      %dma_wait3A_275 = tpu.memref_slice %arg20[%add3A_22, %dma_wait3A_274] : memref<10240x128xf32, #tpu.memory_space<vmem_shared>> -> memref<80x128xf32, #tpu.memory_space<vmem_shared>>
      tpu.wait_dma2 semaphore(%run_scoped3A_267 : memref<!tpu.dma_semaphore, #tpu.memory_space<semaphore_mem>>) src(%arg15 : memref<80x128xf32, #tpu.memory_space<vmem>>) dst(%dma_wait3A_275 : memref<80x128xf32, #tpu.memory_space<vmem_shared>>)
      tpu.yield
    }) : () -> ()
    %mul3A_23 = arith.constant 640 : i32
    %mul3A_24 = arith.muli %arg1, %mul3A_23 : i32
    %add3A_25 = arith.constant 320 : i32
    %add3A_26 = arith.addi %mul3A_24, %add3A_25 : i32
    "tpu.region"() ({
      %run_scoped3A_267 = tpu.sem_alloc : memref<!tpu.dma_semaphore, #tpu.memory_space<semaphore_mem>>
      %dma_start3A_268 = arith.constant 0 : i32
      %dma_start3A_269 = tpu.memref_slice %arg20[%add3A_26, %dma_start3A_268] : memref<10240x128xf32, #tpu.memory_space<vmem_shared>> -> memref<80x128xf32, #tpu.memory_space<vmem_shared>>
      %dma_start3A_270 = arith.constant 0 : i32
      %dma_start3A_271 = tpu.memref_slice %arg20[%add3A_26, %dma_start3A_270] : memref<10240x128xf32, #tpu.memory_space<vmem_shared>> -> memref<80x128xf32, #tpu.memory_space<vmem_shared>>
      tpu.enqueue_dma source(%arg15 : memref<80x128xf32, #tpu.memory_space<vmem>>) target(%dma_start3A_271 : memref<80x128xf32, #tpu.memory_space<vmem_shared>>) target_semaphore(%run_scoped3A_267 : memref<!tpu.dma_semaphore, #tpu.memory_space<semaphore_mem>>)
      %dma_wait3A_272 = arith.constant 0 : i32
      %dma_wait3A_273 = tpu.memref_slice %arg20[%add3A_26, %dma_wait3A_272] : memref<10240x128xf32, #tpu.memory_space<vmem_shared>> -> memref<80x128xf32, #tpu.memory_space<vmem_shared>>
      %dma_wait3A_274 = arith.constant 0 : i32
      %dma_wait3A_275 = tpu.memref_slice %arg20[%add3A_26, %dma_wait3A_274] : memref<10240x128xf32, #tpu.memory_space<vmem_shared>> -> memref<80x128xf32, #tpu.memory_space<vmem_shared>>
      tpu.wait_dma2 semaphore(%run_scoped3A_267 : memref<!tpu.dma_semaphore, #tpu.memory_space<semaphore_mem>>) src(%arg15 : memref<80x128xf32, #tpu.memory_space<vmem>>) dst(%dma_wait3A_275 : memref<80x128xf32, #tpu.memory_space<vmem_shared>>)
      tpu.yield
    }) : () -> ()
    %mul3A_27 = arith.constant 640 : i32
    %mul3A_28 = arith.muli %arg1, %mul3A_27 : i32
    %add3A_29 = arith.constant 400 : i32
    %add3A_30 = arith.addi %mul3A_28, %add3A_29 : i32
    "tpu.region"() ({
      %run_scoped3A_267 = tpu.sem_alloc : memref<!tpu.dma_semaphore, #tpu.memory_space<semaphore_mem>>
      %dma_start3A_268 = arith.constant 0 : i32
      %dma_start3A_269 = tpu.memref_slice %arg20[%add3A_30, %dma_start3A_268] : memref<10240x128xf32, #tpu.memory_space<vmem_shared>> -> memref<80x128xf32, #tpu.memory_space<vmem_shared>>
      %dma_start3A_270 = arith.constant 0 : i32
      %dma_start3A_271 = tpu.memref_slice %arg20[%add3A_30, %dma_start3A_270] : memref<10240x128xf32, #tpu.memory_space<vmem_shared>> -> memref<80x128xf32, #tpu.memory_space<vmem_shared>>
      tpu.enqueue_dma source(%arg15 : memref<80x128xf32, #tpu.memory_space<vmem>>) target(%dma_start3A_271 : memref<80x128xf32, #tpu.memory_space<vmem_shared>>) target_semaphore(%run_scoped3A_267 : memref<!tpu.dma_semaphore, #tpu.memory_space<semaphore_mem>>)
      %dma_wait3A_272 = arith.constant 0 : i32
      %dma_wait3A_273 = tpu.memref_slice %arg20[%add3A_30, %dma_wait3A_272] : memref<10240x128xf32, #tpu.memory_space<vmem_shared>> -> memref<80x128xf32, #tpu.memory_space<vmem_shared>>
      %dma_wait3A_274 = arith.constant 0 : i32
      %dma_wait3A_275 = tpu.memref_slice %arg20[%add3A_30, %dma_wait3A_274] : memref<10240x128xf32, #tpu.memory_space<vmem_shared>> -> memref<80x128xf32, #tpu.memory_space<vmem_shared>>
      tpu.wait_dma2 semaphore(%run_scoped3A_267 : memref<!tpu.dma_semaphore, #tpu.memory_space<semaphore_mem>>) src(%arg15 : memref<80x128xf32, #tpu.memory_space<vmem>>) dst(%dma_wait3A_275 : memref<80x128xf32, #tpu.memory_space<vmem_shared>>)
      tpu.yield
    }) : () -> ()
    %mul3A_31 = arith.constant 640 : i32
    %mul3A_32 = arith.muli %arg1, %mul3A_31 : i32
    %add3A_33 = arith.constant 480 : i32
    %add3A_34 = arith.addi %mul3A_32, %add3A_33 : i32
    "tpu.region"() ({
      %run_scoped3A_267 = tpu.sem_alloc : memref<!tpu.dma_semaphore, #tpu.memory_space<semaphore_mem>>
      %dma_start3A_268 = arith.constant 0 : i32
      %dma_start3A_269 = tpu.memref_slice %arg20[%add3A_34, %dma_start3A_268] : memref<10240x128xf32, #tpu.memory_space<vmem_shared>> -> memref<80x128xf32, #tpu.memory_space<vmem_shared>>
      %dma_start3A_270 = arith.constant 0 : i32
      %dma_start3A_271 = tpu.memref_slice %arg20[%add3A_34, %dma_start3A_270] : memref<10240x128xf32, #tpu.memory_space<vmem_shared>> -> memref<80x128xf32, #tpu.memory_space<vmem_shared>>
      tpu.enqueue_dma source(%arg15 : memref<80x128xf32, #tpu.memory_space<vmem>>) target(%dma_start3A_271 : memref<80x128xf32, #tpu.memory_space<vmem_shared>>) target_semaphore(%run_scoped3A_267 : memref<!tpu.dma_semaphore, #tpu.memory_space<semaphore_mem>>)
      %dma_wait3A_272 = arith.constant 0 : i32
      %dma_wait3A_273 = tpu.memref_slice %arg20[%add3A_34, %dma_wait3A_272] : memref<10240x128xf32, #tpu.memory_space<vmem_shared>> -> memref<80x128xf32, #tpu.memory_space<vmem_shared>>
      %dma_wait3A_274 = arith.constant 0 : i32
      %dma_wait3A_275 = tpu.memref_slice %arg20[%add3A_34, %dma_wait3A_274] : memref<10240x128xf32, #tpu.memory_space<vmem_shared>> -> memref<80x128xf32, #tpu.memory_space<vmem_shared>>
      tpu.wait_dma2 semaphore(%run_scoped3A_267 : memref<!tpu.dma_semaphore, #tpu.memory_space<semaphore_mem>>) src(%arg15 : memref<80x128xf32, #tpu.memory_space<vmem>>) dst(%dma_wait3A_275 : memref<80x128xf32, #tpu.memory_space<vmem_shared>>)
      tpu.yield
    }) : () -> ()
    %mul3A_35 = arith.constant 640 : i32
    %mul3A_36 = arith.muli %arg1, %mul3A_35 : i32
    %add3A_37 = arith.constant 560 : i32
    %add3A_38 = arith.addi %mul3A_36, %add3A_37 : i32
    "tpu.region"() ({
      %run_scoped3A_267 = tpu.sem_alloc : memref<!tpu.dma_semaphore, #tpu.memory_space<semaphore_mem>>
      %dma_start3A_268 = arith.constant 0 : i32
      %dma_start3A_269 = tpu.memref_slice %arg20[%add3A_38, %dma_start3A_268] : memref<10240x128xf32, #tpu.memory_space<vmem_shared>> -> memref<80x128xf32, #tpu.memory_space<vmem_shared>>
      %dma_start3A_270 = arith.constant 0 : i32
      %dma_start3A_271 = tpu.memref_slice %arg20[%add3A_38, %dma_start3A_270] : memref<10240x128xf32, #tpu.memory_space<vmem_shared>> -> memref<80x128xf32, #tpu.memory_space<vmem_shared>>
      tpu.enqueue_dma source(%arg15 : memref<80x128xf32, #tpu.memory_space<vmem>>) target(%dma_start3A_271 : memref<80x128xf32, #tpu.memory_space<vmem_shared>>) target_semaphore(%run_scoped3A_267 : memref<!tpu.dma_semaphore, #tpu.memory_space<semaphore_mem>>)
      %dma_wait3A_272 = arith.constant 0 : i32
      %dma_wait3A_273 = tpu.memref_slice %arg20[%add3A_38, %dma_wait3A_272] : memref<10240x128xf32, #tpu.memory_space<vmem_shared>> -> memref<80x128xf32, #tpu.memory_space<vmem_shared>>
      %dma_wait3A_274 = arith.constant 0 : i32
      %dma_wait3A_275 = tpu.memref_slice %arg20[%add3A_38, %dma_wait3A_274] : memref<10240x128xf32, #tpu.memory_space<vmem_shared>> -> memref<80x128xf32, #tpu.memory_space<vmem_shared>>
      tpu.wait_dma2 semaphore(%run_scoped3A_267 : memref<!tpu.dma_semaphore, #tpu.memory_space<semaphore_mem>>) src(%arg15 : memref<80x128xf32, #tpu.memory_space<vmem>>) dst(%dma_wait3A_275 : memref<80x128xf32, #tpu.memory_space<vmem_shared>>)
      tpu.yield
    }) : () -> ()
    %mul3A_39 = arith.constant 640 : i32
    %mul3A_40 = arith.muli %arg1, %mul3A_39 : i32
    %add3A_41 = arith.constant 0 : i32
    %add3A_42 = arith.addi %mul3A_40, %add3A_41 : i32
    %run_scoped3A = arith.constant 0 : i32
    "tpu.region"() ({
      %run_scoped3A_267 = tpu.sem_alloc : memref<!tpu.dma_semaphore, #tpu.memory_space<semaphore_mem>>
      %dma_start3A_268 = arith.constant 0 : i32
      %dma_start3A_269 = tpu.memref_slice %arg15[%run_scoped3A, %dma_start3A_268] : memref<80x128xf32, #tpu.memory_space<vmem>> -> memref<1x128xf32, #tpu.memory_space<vmem>>
      %dma_start3A_270 = tpu.memref_squeeze %dma_start3A_269 : memref<1x128xf32, #tpu.memory_space<vmem>> -> memref<128xf32, #tpu.memory_space<vmem>>
      %dma_start3A_271 = tpu.memref_slice %arg21[%add3A_42] : memref<10240xf32, #tpu.memory_space<vmem_shared>> -> memref<128xf32, #tpu.memory_space<vmem_shared>>
      %dma_start3A_272 = tpu.memref_slice %arg21[%add3A_42] : memref<10240xf32, #tpu.memory_space<vmem_shared>> -> memref<128xf32, #tpu.memory_space<vmem_shared>>
      %dma_start3A_273 = arith.constant 0 : i32
      %dma_start3A_274 = tpu.memref_slice %arg15[%run_scoped3A, %dma_start3A_273] : memref<80x128xf32, #tpu.memory_space<vmem>> -> memref<1x128xf32, #tpu.memory_space<vmem>>
      %dma_start3A_275 = tpu.memref_squeeze %dma_start3A_274 : memref<1x128xf32, #tpu.memory_space<vmem>> -> memref<128xf32, #tpu.memory_space<vmem>>
      tpu.enqueue_dma source(%dma_start3A_275 : memref<128xf32, #tpu.memory_space<vmem>>) target(%dma_start3A_272 : memref<128xf32, #tpu.memory_space<vmem_shared>>) target_semaphore(%run_scoped3A_267 : memref<!tpu.dma_semaphore, #tpu.memory_space<semaphore_mem>>)
      %dma_wait3A_276 = arith.constant 0 : i32
      %dma_wait3A_277 = tpu.memref_slice %arg15[%run_scoped3A, %dma_wait3A_276] : memref<80x128xf32, #tpu.memory_space<vmem>> -> memref<1x128xf32, #tpu.memory_space<vmem>>
      %dma_wait3A_278 = tpu.memref_squeeze %dma_wait3A_277 : memref<1x128xf32, #tpu.memory_space<vmem>> -> memref<128xf32, #tpu.memory_space<vmem>>
      %dma_wait3A_279 = tpu.memref_slice %arg21[%add3A_42] : memref<10240xf32, #tpu.memory_space<vmem_shared>> -> memref<128xf32, #tpu.memory_space<vmem_shared>>
      %dma_wait3A_280 = tpu.memref_slice %arg21[%add3A_42] : memref<10240xf32, #tpu.memory_space<vmem_shared>> -> memref<128xf32, #tpu.memory_space<vmem_shared>>
      %dma_wait3A_281 = arith.constant 0 : i32
      %dma_wait3A_282 = tpu.memref_slice %arg15[%run_scoped3A, %dma_wait3A_281] : memref<80x128xf32, #tpu.memory_space<vmem>> -> memref<1x128xf32, #tpu.memory_space<vmem>>
      %dma_wait3A_283 = tpu.memref_squeeze %dma_wait3A_282 : memref<1x128xf32, #tpu.memory_space<vmem>> -> memref<128xf32, #tpu.memory_space<vmem>>
      tpu.wait_dma2 semaphore(%run_scoped3A_267 : memref<!tpu.dma_semaphore, #tpu.memory_space<semaphore_mem>>) src(%dma_wait3A_283 : memref<128xf32, #tpu.memory_space<vmem>>) dst(%dma_wait3A_280 : memref<128xf32, #tpu.memory_space<vmem_shared>>)
      tpu.yield
    }) : () -> ()
    %mul3A_43 = arith.constant 640 : i32
    %mul3A_44 = arith.muli %arg1, %mul3A_43 : i32
    %add3A_45 = arith.constant 128 : i32
    %add3A_46 = arith.addi %mul3A_44, %add3A_45 : i32
    %run_scoped3A_47 = arith.constant 0 : i32
    "tpu.region"() ({
      %run_scoped3A_267 = tpu.sem_alloc : memref<!tpu.dma_semaphore, #tpu.memory_space<semaphore_mem>>
      %dma_start3A_268 = arith.constant 0 : i32
      %dma_start3A_269 = tpu.memref_slice %arg15[%run_scoped3A_47, %dma_start3A_268] : memref<80x128xf32, #tpu.memory_space<vmem>> -> memref<1x128xf32, #tpu.memory_space<vmem>>
      %dma_start3A_270 = tpu.memref_squeeze %dma_start3A_269 : memref<1x128xf32, #tpu.memory_space<vmem>> -> memref<128xf32, #tpu.memory_space<vmem>>
      %dma_start3A_271 = tpu.memref_slice %arg21[%add3A_46] : memref<10240xf32, #tpu.memory_space<vmem_shared>> -> memref<128xf32, #tpu.memory_space<vmem_shared>>
      %dma_start3A_272 = tpu.memref_slice %arg21[%add3A_46] : memref<10240xf32, #tpu.memory_space<vmem_shared>> -> memref<128xf32, #tpu.memory_space<vmem_shared>>
      %dma_start3A_273 = arith.constant 0 : i32
      %dma_start3A_274 = tpu.memref_slice %arg15[%run_scoped3A_47, %dma_start3A_273] : memref<80x128xf32, #tpu.memory_space<vmem>> -> memref<1x128xf32, #tpu.memory_space<vmem>>
      %dma_start3A_275 = tpu.memref_squeeze %dma_start3A_274 : memref<1x128xf32, #tpu.memory_space<vmem>> -> memref<128xf32, #tpu.memory_space<vmem>>
      tpu.enqueue_dma source(%dma_start3A_275 : memref<128xf32, #tpu.memory_space<vmem>>) target(%dma_start3A_272 : memref<128xf32, #tpu.memory_space<vmem_shared>>) target_semaphore(%run_scoped3A_267 : memref<!tpu.dma_semaphore, #tpu.memory_space<semaphore_mem>>)
      %dma_wait3A_276 = arith.constant 0 : i32
      %dma_wait3A_277 = tpu.memref_slice %arg15[%run_scoped3A_47, %dma_wait3A_276] : memref<80x128xf32, #tpu.memory_space<vmem>> -> memref<1x128xf32, #tpu.memory_space<vmem>>
      %dma_wait3A_278 = tpu.memref_squeeze %dma_wait3A_277 : memref<1x128xf32, #tpu.memory_space<vmem>> -> memref<128xf32, #tpu.memory_space<vmem>>
      %dma_wait3A_279 = tpu.memref_slice %arg21[%add3A_46] : memref<10240xf32, #tpu.memory_space<vmem_shared>> -> memref<128xf32, #tpu.memory_space<vmem_shared>>
      %dma_wait3A_280 = tpu.memref_slice %arg21[%add3A_46] : memref<10240xf32, #tpu.memory_space<vmem_shared>> -> memref<128xf32, #tpu.memory_space<vmem_shared>>
      %dma_wait3A_281 = arith.constant 0 : i32
      %dma_wait3A_282 = tpu.memref_slice %arg15[%run_scoped3A_47, %dma_wait3A_281] : memref<80x128xf32, #tpu.memory_space<vmem>> -> memref<1x128xf32, #tpu.memory_space<vmem>>
      %dma_wait3A_283 = tpu.memref_squeeze %dma_wait3A_282 : memref<1x128xf32, #tpu.memory_space<vmem>> -> memref<128xf32, #tpu.memory_space<vmem>>
      tpu.wait_dma2 semaphore(%run_scoped3A_267 : memref<!tpu.dma_semaphore, #tpu.memory_space<semaphore_mem>>) src(%dma_wait3A_283 : memref<128xf32, #tpu.memory_space<vmem>>) dst(%dma_wait3A_280 : memref<128xf32, #tpu.memory_space<vmem_shared>>)
      tpu.yield
    }) : () -> ()
    %mul3A_48 = arith.constant 640 : i32
    %mul3A_49 = arith.muli %arg1, %mul3A_48 : i32
    %add3A_50 = arith.constant 256 : i32
    %add3A_51 = arith.addi %mul3A_49, %add3A_50 : i32
    %run_scoped3A_52 = arith.constant 0 : i32
    "tpu.region"() ({
      %run_scoped3A_267 = tpu.sem_alloc : memref<!tpu.dma_semaphore, #tpu.memory_space<semaphore_mem>>
      %dma_start3A_268 = arith.constant 0 : i32
      %dma_start3A_269 = tpu.memref_slice %arg15[%run_scoped3A_52, %dma_start3A_268] : memref<80x128xf32, #tpu.memory_space<vmem>> -> memref<1x128xf32, #tpu.memory_space<vmem>>
      %dma_start3A_270 = tpu.memref_squeeze %dma_start3A_269 : memref<1x128xf32, #tpu.memory_space<vmem>> -> memref<128xf32, #tpu.memory_space<vmem>>
      %dma_start3A_271 = tpu.memref_slice %arg21[%add3A_51] : memref<10240xf32, #tpu.memory_space<vmem_shared>> -> memref<128xf32, #tpu.memory_space<vmem_shared>>
      %dma_start3A_272 = tpu.memref_slice %arg21[%add3A_51] : memref<10240xf32, #tpu.memory_space<vmem_shared>> -> memref<128xf32, #tpu.memory_space<vmem_shared>>
      %dma_start3A_273 = arith.constant 0 : i32
      %dma_start3A_274 = tpu.memref_slice %arg15[%run_scoped3A_52, %dma_start3A_273] : memref<80x128xf32, #tpu.memory_space<vmem>> -> memref<1x128xf32, #tpu.memory_space<vmem>>
      %dma_start3A_275 = tpu.memref_squeeze %dma_start3A_274 : memref<1x128xf32, #tpu.memory_space<vmem>> -> memref<128xf32, #tpu.memory_space<vmem>>
      tpu.enqueue_dma source(%dma_start3A_275 : memref<128xf32, #tpu.memory_space<vmem>>) target(%dma_start3A_272 : memref<128xf32, #tpu.memory_space<vmem_shared>>) target_semaphore(%run_scoped3A_267 : memref<!tpu.dma_semaphore, #tpu.memory_space<semaphore_mem>>)
      %dma_wait3A_276 = arith.constant 0 : i32
      %dma_wait3A_277 = tpu.memref_slice %arg15[%run_scoped3A_52, %dma_wait3A_276] : memref<80x128xf32, #tpu.memory_space<vmem>> -> memref<1x128xf32, #tpu.memory_space<vmem>>
      %dma_wait3A_278 = tpu.memref_squeeze %dma_wait3A_277 : memref<1x128xf32, #tpu.memory_space<vmem>> -> memref<128xf32, #tpu.memory_space<vmem>>
      %dma_wait3A_279 = tpu.memref_slice %arg21[%add3A_51] : memref<10240xf32, #tpu.memory_space<vmem_shared>> -> memref<128xf32, #tpu.memory_space<vmem_shared>>
      %dma_wait3A_280 = tpu.memref_slice %arg21[%add3A_51] : memref<10240xf32, #tpu.memory_space<vmem_shared>> -> memref<128xf32, #tpu.memory_space<vmem_shared>>
      %dma_wait3A_281 = arith.constant 0 : i32
      %dma_wait3A_282 = tpu.memref_slice %arg15[%run_scoped3A_52, %dma_wait3A_281] : memref<80x128xf32, #tpu.memory_space<vmem>> -> memref<1x128xf32, #tpu.memory_space<vmem>>
      %dma_wait3A_283 = tpu.memref_squeeze %dma_wait3A_282 : memref<1x128xf32, #tpu.memory_space<vmem>> -> memref<128xf32, #tpu.memory_space<vmem>>
      tpu.wait_dma2 semaphore(%run_scoped3A_267 : memref<!tpu.dma_semaphore, #tpu.memory_space<semaphore_mem>>) src(%dma_wait3A_283 : memref<128xf32, #tpu.memory_space<vmem>>) dst(%dma_wait3A_280 : memref<128xf32, #tpu.memory_space<vmem_shared>>)
      tpu.yield
    }) : () -> ()
    %mul3A_53 = arith.constant 640 : i32
    %mul3A_54 = arith.muli %arg1, %mul3A_53 : i32
    %add3A_55 = arith.constant 384 : i32
    %add3A_56 = arith.addi %mul3A_54, %add3A_55 : i32
    %run_scoped3A_57 = arith.constant 0 : i32
    "tpu.region"() ({
      %run_scoped3A_267 = tpu.sem_alloc : memref<!tpu.dma_semaphore, #tpu.memory_space<semaphore_mem>>
      %dma_start3A_268 = arith.constant 0 : i32
      %dma_start3A_269 = tpu.memref_slice %arg15[%run_scoped3A_57, %dma_start3A_268] : memref<80x128xf32, #tpu.memory_space<vmem>> -> memref<1x128xf32, #tpu.memory_space<vmem>>
      %dma_start3A_270 = tpu.memref_squeeze %dma_start3A_269 : memref<1x128xf32, #tpu.memory_space<vmem>> -> memref<128xf32, #tpu.memory_space<vmem>>
      %dma_start3A_271 = tpu.memref_slice %arg21[%add3A_56] : memref<10240xf32, #tpu.memory_space<vmem_shared>> -> memref<128xf32, #tpu.memory_space<vmem_shared>>
      %dma_start3A_272 = tpu.memref_slice %arg21[%add3A_56] : memref<10240xf32, #tpu.memory_space<vmem_shared>> -> memref<128xf32, #tpu.memory_space<vmem_shared>>
      %dma_start3A_273 = arith.constant 0 : i32
      %dma_start3A_274 = tpu.memref_slice %arg15[%run_scoped3A_57, %dma_start3A_273] : memref<80x128xf32, #tpu.memory_space<vmem>> -> memref<1x128xf32, #tpu.memory_space<vmem>>
      %dma_start3A_275 = tpu.memref_squeeze %dma_start3A_274 : memref<1x128xf32, #tpu.memory_space<vmem>> -> memref<128xf32, #tpu.memory_space<vmem>>
      tpu.enqueue_dma source(%dma_start3A_275 : memref<128xf32, #tpu.memory_space<vmem>>) target(%dma_start3A_272 : memref<128xf32, #tpu.memory_space<vmem_shared>>) target_semaphore(%run_scoped3A_267 : memref<!tpu.dma_semaphore, #tpu.memory_space<semaphore_mem>>)
      %dma_wait3A_276 = arith.constant 0 : i32
      %dma_wait3A_277 = tpu.memref_slice %arg15[%run_scoped3A_57, %dma_wait3A_276] : memref<80x128xf32, #tpu.memory_space<vmem>> -> memref<1x128xf32, #tpu.memory_space<vmem>>
      %dma_wait3A_278 = tpu.memref_squeeze %dma_wait3A_277 : memref<1x128xf32, #tpu.memory_space<vmem>> -> memref<128xf32, #tpu.memory_space<vmem>>
      %dma_wait3A_279 = tpu.memref_slice %arg21[%add3A_56] : memref<10240xf32, #tpu.memory_space<vmem_shared>> -> memref<128xf32, #tpu.memory_space<vmem_shared>>
      %dma_wait3A_280 = tpu.memref_slice %arg21[%add3A_56] : memref<10240xf32, #tpu.memory_space<vmem_shared>> -> memref<128xf32, #tpu.memory_space<vmem_shared>>
      %dma_wait3A_281 = arith.constant 0 : i32
      %dma_wait3A_282 = tpu.memref_slice %arg15[%run_scoped3A_57, %dma_wait3A_281] : memref<80x128xf32, #tpu.memory_space<vmem>> -> memref<1x128xf32, #tpu.memory_space<vmem>>
      %dma_wait3A_283 = tpu.memref_squeeze %dma_wait3A_282 : memref<1x128xf32, #tpu.memory_space<vmem>> -> memref<128xf32, #tpu.memory_space<vmem>>
      tpu.wait_dma2 semaphore(%run_scoped3A_267 : memref<!tpu.dma_semaphore, #tpu.memory_space<semaphore_mem>>) src(%dma_wait3A_283 : memref<128xf32, #tpu.memory_space<vmem>>) dst(%dma_wait3A_280 : memref<128xf32, #tpu.memory_space<vmem_shared>>)
      tpu.yield
    }) : () -> ()
    %mul3A_58 = arith.constant 640 : i32
    %mul3A_59 = arith.muli %arg1, %mul3A_58 : i32
    %add3A_60 = arith.constant 512 : i32
    %add3A_61 = arith.addi %mul3A_59, %add3A_60 : i32
    %run_scoped3A_62 = arith.constant 0 : i32
    "tpu.region"() ({
      %run_scoped3A_267 = tpu.sem_alloc : memref<!tpu.dma_semaphore, #tpu.memory_space<semaphore_mem>>
      %dma_start3A_268 = arith.constant 0 : i32
      %dma_start3A_269 = tpu.memref_slice %arg15[%run_scoped3A_62, %dma_start3A_268] : memref<80x128xf32, #tpu.memory_space<vmem>> -> memref<1x128xf32, #tpu.memory_space<vmem>>
      %dma_start3A_270 = tpu.memref_squeeze %dma_start3A_269 : memref<1x128xf32, #tpu.memory_space<vmem>> -> memref<128xf32, #tpu.memory_space<vmem>>
      %dma_start3A_271 = tpu.memref_slice %arg21[%add3A_61] : memref<10240xf32, #tpu.memory_space<vmem_shared>> -> memref<128xf32, #tpu.memory_space<vmem_shared>>
      %dma_start3A_272 = tpu.memref_slice %arg21[%add3A_61] : memref<10240xf32, #tpu.memory_space<vmem_shared>> -> memref<128xf32, #tpu.memory_space<vmem_shared>>
      %dma_start3A_273 = arith.constant 0 : i32
      %dma_start3A_274 = tpu.memref_slice %arg15[%run_scoped3A_62, %dma_start3A_273] : memref<80x128xf32, #tpu.memory_space<vmem>> -> memref<1x128xf32, #tpu.memory_space<vmem>>
      %dma_start3A_275 = tpu.memref_squeeze %dma_start3A_274 : memref<1x128xf32, #tpu.memory_space<vmem>> -> memref<128xf32, #tpu.memory_space<vmem>>
      tpu.enqueue_dma source(%dma_start3A_275 : memref<128xf32, #tpu.memory_space<vmem>>) target(%dma_start3A_272 : memref<128xf32, #tpu.memory_space<vmem_shared>>) target_semaphore(%run_scoped3A_267 : memref<!tpu.dma_semaphore, #tpu.memory_space<semaphore_mem>>)
      %dma_wait3A_276 = arith.constant 0 : i32
      %dma_wait3A_277 = tpu.memref_slice %arg15[%run_scoped3A_62, %dma_wait3A_276] : memref<80x128xf32, #tpu.memory_space<vmem>> -> memref<1x128xf32, #tpu.memory_space<vmem>>
      %dma_wait3A_278 = tpu.memref_squeeze %dma_wait3A_277 : memref<1x128xf32, #tpu.memory_space<vmem>> -> memref<128xf32, #tpu.memory_space<vmem>>
      %dma_wait3A_279 = tpu.memref_slice %arg21[%add3A_61] : memref<10240xf32, #tpu.memory_space<vmem_shared>> -> memref<128xf32, #tpu.memory_space<vmem_shared>>
      %dma_wait3A_280 = tpu.memref_slice %arg21[%add3A_61] : memref<10240xf32, #tpu.memory_space<vmem_shared>> -> memref<128xf32, #tpu.memory_space<vmem_shared>>
      %dma_wait3A_281 = arith.constant 0 : i32
      %dma_wait3A_282 = tpu.memref_slice %arg15[%run_scoped3A_62, %dma_wait3A_281] : memref<80x128xf32, #tpu.memory_space<vmem>> -> memref<1x128xf32, #tpu.memory_space<vmem>>
      %dma_wait3A_283 = tpu.memref_squeeze %dma_wait3A_282 : memref<1x128xf32, #tpu.memory_space<vmem>> -> memref<128xf32, #tpu.memory_space<vmem>>
      tpu.wait_dma2 semaphore(%run_scoped3A_267 : memref<!tpu.dma_semaphore, #tpu.memory_space<semaphore_mem>>) src(%dma_wait3A_283 : memref<128xf32, #tpu.memory_space<vmem>>) dst(%dma_wait3A_280 : memref<128xf32, #tpu.memory_space<vmem_shared>>)
      tpu.yield
    }) : () -> ()
    "tpu.region"() ({
      %run_scoped3A_267 = tpu.sem_alloc : memref<!tpu.dma_semaphore, #tpu.memory_space<semaphore_mem>>
      tpu.enqueue_dma source(%arg5 : memref<10240xf32, #tpu.memory_space<hbm>>) target(%arg17 : memref<10240xf32, #tpu.memory_space<vmem>>) target_semaphore(%run_scoped3A_267 : memref<!tpu.dma_semaphore, #tpu.memory_space<semaphore_mem>>)
      tpu.wait_dma2 semaphore(%run_scoped3A_267 : memref<!tpu.dma_semaphore, #tpu.memory_space<semaphore_mem>>) src(%arg5 : memref<10240xf32, #tpu.memory_space<hbm>>) dst(%arg17 : memref<10240xf32, #tpu.memory_space<vmem>>)
      tpu.yield
    }) : () -> ()
    "tpu.region"() ({
      %run_scoped3A_267 = tpu.sem_alloc : memref<!tpu.dma_semaphore, #tpu.memory_space<semaphore_mem>>
      tpu.enqueue_dma source(%arg6 : memref<10240xf32, #tpu.memory_space<hbm>>) target(%arg18 : memref<10240xf32, #tpu.memory_space<vmem>>) target_semaphore(%run_scoped3A_267 : memref<!tpu.dma_semaphore, #tpu.memory_space<semaphore_mem>>)
      tpu.wait_dma2 semaphore(%run_scoped3A_267 : memref<!tpu.dma_semaphore, #tpu.memory_space<semaphore_mem>>) src(%arg6 : memref<10240xf32, #tpu.memory_space<hbm>>) dst(%arg18 : memref<10240xf32, #tpu.memory_space<vmem>>)
      tpu.yield
    }) : () -> ()
    "tpu.region"() ({
      %run_scoped3A_267 = tpu.sem_alloc : memref<!tpu.dma_semaphore, #tpu.memory_space<semaphore_mem>>
      tpu.enqueue_dma source(%arg7 : memref<16xf32, #tpu.memory_space<hbm>>) target(%arg19 : memref<16xf32, #tpu.memory_space<vmem>>) target_semaphore(%run_scoped3A_267 : memref<!tpu.dma_semaphore, #tpu.memory_space<semaphore_mem>>)
      tpu.wait_dma2 semaphore(%run_scoped3A_267 : memref<!tpu.dma_semaphore, #tpu.memory_space<semaphore_mem>>) src(%arg7 : memref<16xf32, #tpu.memory_space<hbm>>) dst(%arg19 : memref<16xf32, #tpu.memory_space<vmem>>)
      tpu.yield
    }) : () -> ()
    %barrier3A = arith.constant 0 : index
    tpu.barrier barrier_id(%barrier3A)
    %get3A = arith.constant 0 : index
    %get3A_63 = tpu.vector_load %arg19[%get3A] {strides = array<i32>} : memref<16xf32, #tpu.memory_space<vmem>>, vector<16xf32>,
    %run_scoped3A_64 = arith.constant 0 : i32
    "tpu.region"() ({
      %run_scoped3A_267 = tpu.sem_alloc : memref<!tpu.dma_semaphore, #tpu.memory_space<semaphore_mem>>
      %dma_start3A_268 = arith.constant 0 : i32
      %dma_start3A_269 = tpu.memref_slice %arg11[%run_scoped3A_64, %dma_start3A_268] : memref<2x80xi32, #tpu.memory_space<vmem>> -> memref<1x80xi32, #tpu.memory_space<vmem>>
      %dma_start3A_270 = tpu.memref_squeeze %dma_start3A_269 : memref<1x80xi32, #tpu.memory_space<vmem>> -> memref<80xi32, #tpu.memory_space<vmem>>
      %dma_start3A_271 = tpu.memref_slice %arg2[%mul3A_4] : memref<320000xi32, #tpu.memory_space<hbm>> -> memref<80xi32, #tpu.memory_space<hbm>>
      %dma_start3A_272 = arith.constant 0 : i32
      %dma_start3A_273 = tpu.memref_slice %arg11[%run_scoped3A_64, %dma_start3A_272] : memref<2x80xi32, #tpu.memory_space<vmem>> -> memref<1x80xi32, #tpu.memory_space<vmem>>
      %dma_start3A_274 = tpu.memref_squeeze %dma_start3A_273 : memref<1x80xi32, #tpu.memory_space<vmem>> -> memref<80xi32, #tpu.memory_space<vmem>>
      %dma_start3A_275 = tpu.memref_slice %arg2[%mul3A_4] : memref<320000xi32, #tpu.memory_space<hbm>> -> memref<80xi32, #tpu.memory_space<hbm>>
      tpu.enqueue_dma source(%dma_start3A_275 : memref<80xi32, #tpu.memory_space<hbm>>) target(%dma_start3A_274 : memref<80xi32, #tpu.memory_space<vmem>>) target_semaphore(%run_scoped3A_267 : memref<!tpu.dma_semaphore, #tpu.memory_space<semaphore_mem>>)
      %dma_wait3A_276 = arith.constant 0 : i32
      %dma_wait3A_277 = tpu.memref_slice %arg11[%run_scoped3A_64, %dma_wait3A_276] : memref<2x80xi32, #tpu.memory_space<vmem>> -> memref<1x80xi32, #tpu.memory_space<vmem>>
      %dma_wait3A_278 = tpu.memref_squeeze %dma_wait3A_277 : memref<1x80xi32, #tpu.memory_space<vmem>> -> memref<80xi32, #tpu.memory_space<vmem>>
      %dma_wait3A_279 = tpu.memref_slice %arg2[%mul3A_4] : memref<320000xi32, #tpu.memory_space<hbm>> -> memref<80xi32, #tpu.memory_space<hbm>>
      %dma_wait3A_280 = arith.constant 0 : i32
      %dma_wait3A_281 = tpu.memref_slice %arg11[%run_scoped3A_64, %dma_wait3A_280] : memref<2x80xi32, #tpu.memory_space<vmem>> -> memref<1x80xi32, #tpu.memory_space<vmem>>
      %dma_wait3A_282 = tpu.memref_squeeze %dma_wait3A_281 : memref<1x80xi32, #tpu.memory_space<vmem>> -> memref<80xi32, #tpu.memory_space<vmem>>
      %dma_wait3A_283 = tpu.memref_slice %arg2[%mul3A_4] : memref<320000xi32, #tpu.memory_space<hbm>> -> memref<80xi32, #tpu.memory_space<hbm>>
      tpu.wait_dma2 semaphore(%run_scoped3A_267 : memref<!tpu.dma_semaphore, #tpu.memory_space<semaphore_mem>>) src(%dma_wait3A_283 : memref<80xi32, #tpu.memory_space<hbm>>) dst(%dma_wait3A_282 : memref<80xi32, #tpu.memory_space<vmem>>)
      tpu.yield
    }) : () -> ()
    %run_scoped3A_65 = arith.constant 0 : i32
    "tpu.region"() ({
      %run_scoped3A_267 = tpu.sem_alloc : memref<!tpu.dma_semaphore, #tpu.memory_space<semaphore_mem>>
      %dma_start3A_268 = arith.constant 0 : i32
      %dma_start3A_269 = tpu.memref_slice %arg12[%run_scoped3A_65, %dma_start3A_268] : memref<2x80xi32, #tpu.memory_space<vmem>> -> memref<1x80xi32, #tpu.memory_space<vmem>>
      %dma_start3A_270 = tpu.memref_squeeze %dma_start3A_269 : memref<1x80xi32, #tpu.memory_space<vmem>> -> memref<80xi32, #tpu.memory_space<vmem>>
      %dma_start3A_271 = tpu.memref_slice %arg3[%mul3A_4] : memref<320000xi32, #tpu.memory_space<hbm>> -> memref<80xi32, #tpu.memory_space<hbm>>
      %dma_start3A_272 = arith.constant 0 : i32
      %dma_start3A_273 = tpu.memref_slice %arg12[%run_scoped3A_65, %dma_start3A_272] : memref<2x80xi32, #tpu.memory_space<vmem>> -> memref<1x80xi32, #tpu.memory_space<vmem>>
      %dma_start3A_274 = tpu.memref_squeeze %dma_start3A_273 : memref<1x80xi32, #tpu.memory_space<vmem>> -> memref<80xi32, #tpu.memory_space<vmem>>
      %dma_start3A_275 = tpu.memref_slice %arg3[%mul3A_4] : memref<320000xi32, #tpu.memory_space<hbm>> -> memref<80xi32, #tpu.memory_space<hbm>>
      tpu.enqueue_dma source(%dma_start3A_275 : memref<80xi32, #tpu.memory_space<hbm>>) target(%dma_start3A_274 : memref<80xi32, #tpu.memory_space<vmem>>) target_semaphore(%run_scoped3A_267 : memref<!tpu.dma_semaphore, #tpu.memory_space<semaphore_mem>>)
      %dma_wait3A_276 = arith.constant 0 : i32
      %dma_wait3A_277 = tpu.memref_slice %arg12[%run_scoped3A_65, %dma_wait3A_276] : memref<2x80xi32, #tpu.memory_space<vmem>> -> memref<1x80xi32, #tpu.memory_space<vmem>>
      %dma_wait3A_278 = tpu.memref_squeeze %dma_wait3A_277 : memref<1x80xi32, #tpu.memory_space<vmem>> -> memref<80xi32, #tpu.memory_space<vmem>>
      %dma_wait3A_279 = tpu.memref_slice %arg3[%mul3A_4] : memref<320000xi32, #tpu.memory_space<hbm>> -> memref<80xi32, #tpu.memory_space<hbm>>
      %dma_wait3A_280 = arith.constant 0 : i32
      %dma_wait3A_281 = tpu.memref_slice %arg12[%run_scoped3A_65, %dma_wait3A_280] : memref<2x80xi32, #tpu.memory_space<vmem>> -> memref<1x80xi32, #tpu.memory_space<vmem>>
      %dma_wait3A_282 = tpu.memref_squeeze %dma_wait3A_281 : memref<1x80xi32, #tpu.memory_space<vmem>> -> memref<80xi32, #tpu.memory_space<vmem>>
      %dma_wait3A_283 = tpu.memref_slice %arg3[%mul3A_4] : memref<320000xi32, #tpu.memory_space<hbm>> -> memref<80xi32, #tpu.memory_space<hbm>>
      tpu.wait_dma2 semaphore(%run_scoped3A_267 : memref<!tpu.dma_semaphore, #tpu.memory_space<semaphore_mem>>) src(%dma_wait3A_283 : memref<80xi32, #tpu.memory_space<hbm>>) dst(%dma_wait3A_282 : memref<80xi32, #tpu.memory_space<vmem>>)
      tpu.yield
    }) : () -> ()
    %run_scoped3A_66 = arith.constant 0 : i32
    "tpu.region"() ({
      %run_scoped3A_267 = tpu.sem_alloc : memref<!tpu.dma_semaphore, #tpu.memory_space<semaphore_mem>>
      %dma_start3A_268 = arith.constant 0 : i32
      %dma_start3A_269 = tpu.memref_slice %arg13[%run_scoped3A_66, %dma_start3A_268] : memref<2x80xf32, #tpu.memory_space<vmem>> -> memref<1x80xf32, #tpu.memory_space<vmem>>
      %dma_start3A_270 = tpu.memref_squeeze %dma_start3A_269 : memref<1x80xf32, #tpu.memory_space<vmem>> -> memref<80xf32, #tpu.memory_space<vmem>>
      %dma_start3A_271 = tpu.memref_slice %arg4[%mul3A_4] : memref<320000xf32, #tpu.memory_space<hbm>> -> memref<80xf32, #tpu.memory_space<hbm>>
      %dma_start3A_272 = arith.constant 0 : i32
      %dma_start3A_273 = tpu.memref_slice %arg13[%run_scoped3A_66, %dma_start3A_272] : memref<2x80xf32, #tpu.memory_space<vmem>> -> memref<1x80xf32, #tpu.memory_space<vmem>>
      %dma_start3A_274 = tpu.memref_squeeze %dma_start3A_273 : memref<1x80xf32, #tpu.memory_space<vmem>> -> memref<80xf32, #tpu.memory_space<vmem>>
      %dma_start3A_275 = tpu.memref_slice %arg4[%mul3A_4] : memref<320000xf32, #tpu.memory_space<hbm>> -> memref<80xf32, #tpu.memory_space<hbm>>
      tpu.enqueue_dma source(%dma_start3A_275 : memref<80xf32, #tpu.memory_space<hbm>>) target(%dma_start3A_274 : memref<80xf32, #tpu.memory_space<vmem>>) target_semaphore(%run_scoped3A_267 : memref<!tpu.dma_semaphore, #tpu.memory_space<semaphore_mem>>)
      %dma_wait3A_276 = arith.constant 0 : i32
      %dma_wait3A_277 = tpu.memref_slice %arg13[%run_scoped3A_66, %dma_wait3A_276] : memref<2x80xf32, #tpu.memory_space<vmem>> -> memref<1x80xf32, #tpu.memory_space<vmem>>
      %dma_wait3A_278 = tpu.memref_squeeze %dma_wait3A_277 : memref<1x80xf32, #tpu.memory_space<vmem>> -> memref<80xf32, #tpu.memory_space<vmem>>
      %dma_wait3A_279 = tpu.memref_slice %arg4[%mul3A_4] : memref<320000xf32, #tpu.memory_space<hbm>> -> memref<80xf32, #tpu.memory_space<hbm>>
      %dma_wait3A_280 = arith.constant 0 : i32
      %dma_wait3A_281 = tpu.memref_slice %arg13[%run_scoped3A_66, %dma_wait3A_280] : memref<2x80xf32, #tpu.memory_space<vmem>> -> memref<1x80xf32, #tpu.memory_space<vmem>>
      %dma_wait3A_282 = tpu.memref_squeeze %dma_wait3A_281 : memref<1x80xf32, #tpu.memory_space<vmem>> -> memref<80xf32, #tpu.memory_space<vmem>>
      %dma_wait3A_283 = tpu.memref_slice %arg4[%mul3A_4] : memref<320000xf32, #tpu.memory_space<hbm>> -> memref<80xf32, #tpu.memory_space<hbm>>
      tpu.wait_dma2 semaphore(%run_scoped3A_267 : memref<!tpu.dma_semaphore, #tpu.memory_space<semaphore_mem>>) src(%dma_wait3A_283 : memref<80xf32, #tpu.memory_space<hbm>>) dst(%dma_wait3A_282 : memref<80xf32, #tpu.memory_space<vmem>>)
      tpu.yield
    }) : () -> ()
    %dma_start3A = arith.constant 0 : i32
    %dma_start3A_67 = arith.constant 0 : i32
    %dma_start3A_68 = tpu.memref_slice %arg11[%dma_start3A, %dma_start3A_67] : memref<2x80xi32, #tpu.memory_space<vmem>> -> memref<1x80xi32, #tpu.memory_space<vmem>>
    %dma_start3A_69 = tpu.memref_squeeze %dma_start3A_68 : memref<1x80xi32, #tpu.memory_space<vmem>> -> memref<80xi32, #tpu.memory_space<vmem>>
    %dma_start3A_70 = arith.constant 0 : i32
    %dma_start3A_71 = arith.constant 0 : i32
    %dma_start3A_72 = tpu.memref_slice %arg8[%dma_start3A_70, %dma_start3A_71] : memref<10240x128xf32, #tpu.memory_space<hbm>> -> memref<10240x128xf32, #tpu.memory_space<hbm>>
    tpu.enqueue_indirect_dma source(%dma_start3A_72 : memref<10240x128xf32, #tpu.memory_space<hbm>>) target(%arg15 : memref<80x128xf32, #tpu.memory_space<vmem>>) offsets(%dma_start3A_69 : memref<80xi32, #tpu.memory_space<vmem>>) semaphore(%arg22 : memref<!tpu.dma_semaphore, #tpu.memory_space<semaphore_mem>>)
    %scan3A = arith.constant 0 : i32
    %scan3A_73 = arith.constant 0 : i32
    %scan3A_74 = arith.constant 62 : i32
    %scan3A_75 = arith.addi %scan3A_73, %scan3A_74 : i32
    %scan3A_76 = arith.constant 1 : i32
    scf.for %scan3A_267 = %scan3A_73 to %scan3A_75 step %scan3A_76  : i32 {
      %mul3A_268 = arith.constant 2 : i32
      %mul3A_269 = arith.muli %scan3A_267, %mul3A_268 : i32
      %add3A_270 = arith.constant 1 : i32
      %add3A_271 = arith.addi %mul3A_269, %add3A_270 : i32
      %mul3A_272 = arith.constant 80 : i32
      %mul3A_273 = arith.muli %add3A_271, %mul3A_272 : i32
      %add3A_274 = arith.addi %mul3A_4, %mul3A_273 : i32
      %run_scoped3A_275 = arith.constant 1 : i32
      "tpu.region"() ({
        %run_scoped3A_674 = tpu.sem_alloc : memref<!tpu.dma_semaphore, #tpu.memory_space<semaphore_mem>>
        %dma_start3A_675 = arith.constant 0 : i32
        %dma_start3A_676 = tpu.memref_slice %arg11[%run_scoped3A_275, %dma_start3A_675] : memref<2x80xi32, #tpu.memory_space<vmem>> -> memref<1x80xi32, #tpu.memory_space<vmem>>
        %dma_start3A_677 = tpu.memref_squeeze %dma_start3A_676 : memref<1x80xi32, #tpu.memory_space<vmem>> -> memref<80xi32, #tpu.memory_space<vmem>>
        %dma_start3A_678 = tpu.memref_slice %arg2[%add3A_274] : memref<320000xi32, #tpu.memory_space<hbm>> -> memref<80xi32, #tpu.memory_space<hbm>>
        %dma_start3A_679 = arith.constant 0 : i32
        %dma_start3A_680 = tpu.memref_slice %arg11[%run_scoped3A_275, %dma_start3A_679] : memref<2x80xi32, #tpu.memory_space<vmem>> -> memref<1x80xi32, #tpu.memory_space<vmem>>
        %dma_start3A_681 = tpu.memref_squeeze %dma_start3A_680 : memref<1x80xi32, #tpu.memory_space<vmem>> -> memref<80xi32, #tpu.memory_space<vmem>>
        %dma_start3A_682 = tpu.memref_slice %arg2[%add3A_274] : memref<320000xi32, #tpu.memory_space<hbm>> -> memref<80xi32, #tpu.memory_space<hbm>>
        tpu.enqueue_dma source(%dma_start3A_682 : memref<80xi32, #tpu.memory_space<hbm>>) target(%dma_start3A_681 : memref<80xi32, #tpu.memory_space<vmem>>) target_semaphore(%run_scoped3A_674 : memref<!tpu.dma_semaphore, #tpu.memory_space<semaphore_mem>>)
        %dma_wait3A_683 = arith.constant 0 : i32
        %dma_wait3A_684 = tpu.memref_slice %arg11[%run_scoped3A_275, %dma_wait3A_683] : memref<2x80xi32, #tpu.memory_space<vmem>> -> memref<1x80xi32, #tpu.memory_space<vmem>>
        %dma_wait3A_685 = tpu.memref_squeeze %dma_wait3A_684 : memref<1x80xi32, #tpu.memory_space<vmem>> -> memref<80xi32, #tpu.memory_space<vmem>>
        %dma_wait3A_686 = tpu.memref_slice %arg2[%add3A_274] : memref<320000xi32, #tpu.memory_space<hbm>> -> memref<80xi32, #tpu.memory_space<hbm>>
        %dma_wait3A_687 = arith.constant 0 : i32
        %dma_wait3A_688 = tpu.memref_slice %arg11[%run_scoped3A_275, %dma_wait3A_687] : memref<2x80xi32, #tpu.memory_space<vmem>> -> memref<1x80xi32, #tpu.memory_space<vmem>>
        %dma_wait3A_689 = tpu.memref_squeeze %dma_wait3A_688 : memref<1x80xi32, #tpu.memory_space<vmem>> -> memref<80xi32, #tpu.memory_space<vmem>>
        %dma_wait3A_690 = tpu.memref_slice %arg2[%add3A_274] : memref<320000xi32, #tpu.memory_space<hbm>> -> memref<80xi32, #tpu.memory_space<hbm>>
        tpu.wait_dma2 semaphore(%run_scoped3A_674 : memref<!tpu.dma_semaphore, #tpu.memory_space<semaphore_mem>>) src(%dma_wait3A_690 : memref<80xi32, #tpu.memory_space<hbm>>) dst(%dma_wait3A_689 : memref<80xi32, #tpu.memory_space<vmem>>)
        tpu.yield
      }) : () -> ()
      %run_scoped3A_276 = arith.constant 1 : i32
      "tpu.region"() ({
        %run_scoped3A_674 = tpu.sem_alloc : memref<!tpu.dma_semaphore, #tpu.memory_space<semaphore_mem>>
        %dma_start3A_675 = arith.constant 0 : i32
        %dma_start3A_676 = tpu.memref_slice %arg12[%run_scoped3A_276, %dma_start3A_675] : memref<2x80xi32, #tpu.memory_space<vmem>> -> memref<1x80xi32, #tpu.memory_space<vmem>>
        %dma_start3A_677 = tpu.memref_squeeze %dma_start3A_676 : memref<1x80xi32, #tpu.memory_space<vmem>> -> memref<80xi32, #tpu.memory_space<vmem>>
        %dma_start3A_678 = tpu.memref_slice %arg3[%add3A_274] : memref<320000xi32, #tpu.memory_space<hbm>> -> memref<80xi32, #tpu.memory_space<hbm>>
        %dma_start3A_679 = arith.constant 0 : i32
        %dma_start3A_680 = tpu.memref_slice %arg12[%run_scoped3A_276, %dma_start3A_679] : memref<2x80xi32, #tpu.memory_space<vmem>> -> memref<1x80xi32, #tpu.memory_space<vmem>>
        %dma_start3A_681 = tpu.memref_squeeze %dma_start3A_680 : memref<1x80xi32, #tpu.memory_space<vmem>> -> memref<80xi32, #tpu.memory_space<vmem>>
        %dma_start3A_682 = tpu.memref_slice %arg3[%add3A_274] : memref<320000xi32, #tpu.memory_space<hbm>> -> memref<80xi32, #tpu.memory_space<hbm>>
        tpu.enqueue_dma source(%dma_start3A_682 : memref<80xi32, #tpu.memory_space<hbm>>) target(%dma_start3A_681 : memref<80xi32, #tpu.memory_space<vmem>>) target_semaphore(%run_scoped3A_674 : memref<!tpu.dma_semaphore, #tpu.memory_space<semaphore_mem>>)
        %dma_wait3A_683 = arith.constant 0 : i32
        %dma_wait3A_684 = tpu.memref_slice %arg12[%run_scoped3A_276, %dma_wait3A_683] : memref<2x80xi32, #tpu.memory_space<vmem>> -> memref<1x80xi32, #tpu.memory_space<vmem>>
        %dma_wait3A_685 = tpu.memref_squeeze %dma_wait3A_684 : memref<1x80xi32, #tpu.memory_space<vmem>> -> memref<80xi32, #tpu.memory_space<vmem>>
        %dma_wait3A_686 = tpu.memref_slice %arg3[%add3A_274] : memref<320000xi32, #tpu.memory_space<hbm>> -> memref<80xi32, #tpu.memory_space<hbm>>
        %dma_wait3A_687 = arith.constant 0 : i32
        %dma_wait3A_688 = tpu.memref_slice %arg12[%run_scoped3A_276, %dma_wait3A_687] : memref<2x80xi32, #tpu.memory_space<vmem>> -> memref<1x80xi32, #tpu.memory_space<vmem>>
        %dma_wait3A_689 = tpu.memref_squeeze %dma_wait3A_688 : memref<1x80xi32, #tpu.memory_space<vmem>> -> memref<80xi32, #tpu.memory_space<vmem>>
        %dma_wait3A_690 = tpu.memref_slice %arg3[%add3A_274] : memref<320000xi32, #tpu.memory_space<hbm>> -> memref<80xi32, #tpu.memory_space<hbm>>
        tpu.wait_dma2 semaphore(%run_scoped3A_674 : memref<!tpu.dma_semaphore, #tpu.memory_space<semaphore_mem>>) src(%dma_wait3A_690 : memref<80xi32, #tpu.memory_space<hbm>>) dst(%dma_wait3A_689 : memref<80xi32, #tpu.memory_space<vmem>>)
        tpu.yield
      }) : () -> ()
      %run_scoped3A_277 = arith.constant 1 : i32
      "tpu.region"() ({
        %run_scoped3A_674 = tpu.sem_alloc : memref<!tpu.dma_semaphore, #tpu.memory_space<semaphore_mem>>
        %dma_start3A_675 = arith.constant 0 : i32
        %dma_start3A_676 = tpu.memref_slice %arg13[%run_scoped3A_277, %dma_start3A_675] : memref<2x80xf32, #tpu.memory_space<vmem>> -> memref<1x80xf32, #tpu.memory_space<vmem>>
        %dma_start3A_677 = tpu.memref_squeeze %dma_start3A_676 : memref<1x80xf32, #tpu.memory_space<vmem>> -> memref<80xf32, #tpu.memory_space<vmem>>
        %dma_start3A_678 = tpu.memref_slice %arg4[%add3A_274] : memref<320000xf32, #tpu.memory_space<hbm>> -> memref<80xf32, #tpu.memory_space<hbm>>
        %dma_start3A_679 = arith.constant 0 : i32
        %dma_start3A_680 = tpu.memref_slice %arg13[%run_scoped3A_277, %dma_start3A_679] : memref<2x80xf32, #tpu.memory_space<vmem>> -> memref<1x80xf32, #tpu.memory_space<vmem>>
        %dma_start3A_681 = tpu.memref_squeeze %dma_start3A_680 : memref<1x80xf32, #tpu.memory_space<vmem>> -> memref<80xf32, #tpu.memory_space<vmem>>
        %dma_start3A_682 = tpu.memref_slice %arg4[%add3A_274] : memref<320000xf32, #tpu.memory_space<hbm>> -> memref<80xf32, #tpu.memory_space<hbm>>
        tpu.enqueue_dma source(%dma_start3A_682 : memref<80xf32, #tpu.memory_space<hbm>>) target(%dma_start3A_681 : memref<80xf32, #tpu.memory_space<vmem>>) target_semaphore(%run_scoped3A_674 : memref<!tpu.dma_semaphore, #tpu.memory_space<semaphore_mem>>)
        %dma_wait3A_683 = arith.constant 0 : i32
        %dma_wait3A_684 = tpu.memref_slice %arg13[%run_scoped3A_277, %dma_wait3A_683] : memref<2x80xf32, #tpu.memory_space<vmem>> -> memref<1x80xf32, #tpu.memory_space<vmem>>
        %dma_wait3A_685 = tpu.memref_squeeze %dma_wait3A_684 : memref<1x80xf32, #tpu.memory_space<vmem>> -> memref<80xf32, #tpu.memory_space<vmem>>
        %dma_wait3A_686 = tpu.memref_slice %arg4[%add3A_274] : memref<320000xf32, #tpu.memory_space<hbm>> -> memref<80xf32, #tpu.memory_space<hbm>>
        %dma_wait3A_687 = arith.constant 0 : i32
        %dma_wait3A_688 = tpu.memref_slice %arg13[%run_scoped3A_277, %dma_wait3A_687] : memref<2x80xf32, #tpu.memory_space<vmem>> -> memref<1x80xf32, #tpu.memory_space<vmem>>
        %dma_wait3A_689 = tpu.memref_squeeze %dma_wait3A_688 : memref<1x80xf32, #tpu.memory_space<vmem>> -> memref<80xf32, #tpu.memory_space<vmem>>
        %dma_wait3A_690 = tpu.memref_slice %arg4[%add3A_274] : memref<320000xf32, #tpu.memory_space<hbm>> -> memref<80xf32, #tpu.memory_space<hbm>>
        tpu.wait_dma2 semaphore(%run_scoped3A_674 : memref<!tpu.dma_semaphore, #tpu.memory_space<semaphore_mem>>) src(%dma_wait3A_690 : memref<80xf32, #tpu.memory_space<hbm>>) dst(%dma_wait3A_689 : memref<80xf32, #tpu.memory_space<vmem>>)
        tpu.yield
      }) : () -> ()
      %dma_start3A_278 = arith.constant 1 : i32
      %dma_start3A_279 = arith.constant 0 : i32
      %dma_start3A_280 = tpu.memref_slice %arg11[%dma_start3A_278, %dma_start3A_279] : memref<2x80xi32, #tpu.memory_space<vmem>> -> memref<1x80xi32, #tpu.memory_space<vmem>>
      %dma_start3A_281 = tpu.memref_squeeze %dma_start3A_280 : memref<1x80xi32, #tpu.memory_space<vmem>> -> memref<80xi32, #tpu.memory_space<vmem>>
      %dma_start3A_282 = arith.constant 0 : i32
      %dma_start3A_283 = arith.constant 0 : i32
      %dma_start3A_284 = tpu.memref_slice %arg8[%dma_start3A_282, %dma_start3A_283] : memref<10240x128xf32, #tpu.memory_space<hbm>> -> memref<10240x128xf32, #tpu.memory_space<hbm>>
      tpu.enqueue_indirect_dma source(%dma_start3A_284 : memref<10240x128xf32, #tpu.memory_space<hbm>>) target(%arg16 : memref<80x128xf32, #tpu.memory_space<vmem>>) offsets(%dma_start3A_281 : memref<80xi32, #tpu.memory_space<vmem>>) semaphore(%arg23 : memref<!tpu.dma_semaphore, #tpu.memory_space<semaphore_mem>>)
      %get3A_285 = arith.constant 0 : i32
      %get3A_286 = arith.index_cast %get3A_285 : i32 to index
      %get3A_287 = arith.constant 0 : index
      %get3A_288 = tpu.vector_load %arg11[%get3A_286, %get3A_287] {strides = array<i32>} : memref<2x80xi32, #tpu.memory_space<vmem>>, vector<16xi32>,
      %get3A_289 = arith.constant 0 : i32
      %get3A_290 = arith.index_cast %get3A_289 : i32 to index
      %get3A_291 = arith.constant 0 : index
      %get3A_292 = tpu.vector_load %arg12[%get3A_290, %get3A_291] {strides = array<i32>} : memref<2x80xi32, #tpu.memory_space<vmem>>, vector<16xi32>,
      %gather3A_293 = tpu.vector_load_idx %arg17[%get3A_288] : memref<10240xf32, #tpu.memory_space<vmem>>[vector<16xi32>], vector<16xf32>,
      %gather3A_294 = tpu.vector_load_idx %arg18[%get3A_292] : memref<10240xf32, #tpu.memory_space<vmem>>[vector<16xi32>], vector<16xf32>,
      %add3A_295 = arith.addf %gather3A_293, %gather3A_294 : vector<16xf32>
      %get3A_296 = arith.constant 0 : i32
      %get3A_297 = arith.index_cast %get3A_296 : i32 to index
      %get3A_298 = arith.constant 0 : index
      %get3A_299 = tpu.vector_load %arg13[%get3A_297, %get3A_298] {strides = array<i32>} : memref<2x80xf32, #tpu.memory_space<vmem>>, vector<16xf32>,
      %add3A_300 = arith.addf %add3A_295, %get3A_299 : vector<16xf32>
      %ge3A_301 = arith.constant 0.000000e+00 : f32
      %ge3A_302 = vector.broadcast %ge3A_301 : f32 to vector<16xf32>
      %ge3A_303 = arith.cmpf oge, %add3A_300, %ge3A_302 : vector<16xf32>
      %mul3A_304 = arith.constant 2.000000e-01 : f32
      %mul3A_305 = vector.broadcast %mul3A_304 : f32 to vector<16xf32>
      %mul3A_306 = arith.mulf %add3A_300, %mul3A_305 : vector<16xf32>
      %select_n3A_307 = arith.select %ge3A_303, %add3A_300, %mul3A_306 : vector<16xi1>, vector<16xf32>
      %add3A_308 = arith.addf %gather3A_294, %get3A_63 : vector<16xf32>
      %ge3A_309 = arith.constant 0.000000e+00 : f32
      %ge3A_310 = vector.broadcast %ge3A_309 : f32 to vector<16xf32>
      %ge3A_311 = arith.cmpf oge, %add3A_308, %ge3A_310 : vector<16xf32>
      %mul3A_312 = arith.constant 2.000000e-01 : f32
      %mul3A_313 = vector.broadcast %mul3A_312 : f32 to vector<16xf32>
      %mul3A_314 = arith.mulf %add3A_308, %mul3A_313 : vector<16xf32>
      %select_n3A_315 = arith.select %ge3A_311, %add3A_308, %mul3A_314 : vector<16xi1>, vector<16xf32>
      %sub3A_316 = arith.subf %select_n3A_307, %select_n3A_315 : vector<16xf32>
      %exp3A_317 = math.exp %sub3A_316 : vector<16xf32>
      %swap3A_318 = arith.constant 0 : index
      %swap3A_319 = tpu.vector_load %arg14[%swap3A_318] {strides = array<i32>} : memref<96xf32, #tpu.memory_space<vmem>>, vector<16xf32>,
      tpu.vector_store %arg14[%swap3A_318], %exp3A_317 {strides = array<i32>} : memref<96xf32, #tpu.memory_space<vmem>>, vector<16xf32>,
      %get3A_320 = arith.constant 0 : i32
      %get3A_321 = arith.index_cast %get3A_320 : i32 to index
      %get3A_322 = arith.constant 16 : index
      %get3A_323 = tpu.vector_load %arg11[%get3A_321, %get3A_322] {strides = array<i32>} : memref<2x80xi32, #tpu.memory_space<vmem>>, vector<16xi32>,
      %get3A_324 = arith.constant 0 : i32
      %get3A_325 = arith.index_cast %get3A_324 : i32 to index
      %get3A_326 = arith.constant 16 : index
      %get3A_327 = tpu.vector_load %arg12[%get3A_325, %get3A_326] {strides = array<i32>} : memref<2x80xi32, #tpu.memory_space<vmem>>, vector<16xi32>,
      %gather3A_328 = tpu.vector_load_idx %arg17[%get3A_323] : memref<10240xf32, #tpu.memory_space<vmem>>[vector<16xi32>], vector<16xf32>,
      %gather3A_329 = tpu.vector_load_idx %arg18[%get3A_327] : memref<10240xf32, #tpu.memory_space<vmem>>[vector<16xi32>], vector<16xf32>,
      %add3A_330 = arith.addf %gather3A_328, %gather3A_329 : vector<16xf32>
      %get3A_331 = arith.constant 0 : i32
      %get3A_332 = arith.index_cast %get3A_331 : i32 to index
      %get3A_333 = arith.constant 16 : index
      %get3A_334 = tpu.vector_load %arg13[%get3A_332, %get3A_333] {strides = array<i32>} : memref<2x80xf32, #tpu.memory_space<vmem>>, vector<16xf32>,
      %add3A_335 = arith.addf %add3A_330, %get3A_334 : vector<16xf32>
      %ge3A_336 = arith.constant 0.000000e+00 : f32
      %ge3A_337 = vector.broadcast %ge3A_336 : f32 to vector<16xf32>
      %ge3A_338 = arith.cmpf oge, %add3A_335, %ge3A_337 : vector<16xf32>
      %mul3A_339 = arith.constant 2.000000e-01 : f32
      %mul3A_340 = vector.broadcast %mul3A_339 : f32 to vector<16xf32>
      %mul3A_341 = arith.mulf %add3A_335, %mul3A_340 : vector<16xf32>
      %select_n3A_342 = arith.select %ge3A_338, %add3A_335, %mul3A_341 : vector<16xi1>, vector<16xf32>
      %add3A_343 = arith.addf %gather3A_329, %get3A_63 : vector<16xf32>
      %ge3A_344 = arith.constant 0.000000e+00 : f32
      %ge3A_345 = vector.broadcast %ge3A_344 : f32 to vector<16xf32>
      %ge3A_346 = arith.cmpf oge, %add3A_343, %ge3A_345 : vector<16xf32>
      %mul3A_347 = arith.constant 2.000000e-01 : f32
      %mul3A_348 = vector.broadcast %mul3A_347 : f32 to vector<16xf32>
      %mul3A_349 = arith.mulf %add3A_343, %mul3A_348 : vector<16xf32>
      %select_n3A_350 = arith.select %ge3A_346, %add3A_343, %mul3A_349 : vector<16xi1>, vector<16xf32>
      %sub3A_351 = arith.subf %select_n3A_342, %select_n3A_350 : vector<16xf32>
      %exp3A_352 = math.exp %sub3A_351 : vector<16xf32>
      %swap3A_353 = arith.constant 16 : index
      %swap3A_354 = tpu.vector_load %arg14[%swap3A_353] {strides = array<i32>} : memref<96xf32, #tpu.memory_space<vmem>>, vector<16xf32>,
      tpu.vector_store %arg14[%swap3A_353], %exp3A_352 {strides = array<i32>} : memref<96xf32, #tpu.memory_space<vmem>>, vector<16xf32>,
      %get3A_355 = arith.constant 0 : i32
      %get3A_356 = arith.index_cast %get3A_355 : i32 to index
      %get3A_357 = arith.constant 32 : index
      %get3A_358 = tpu.vector_load %arg11[%get3A_356, %get3A_357] {strides = array<i32>} : memref<2x80xi32, #tpu.memory_space<vmem>>, vector<16xi32>,
      %get3A_359 = arith.constant 0 : i32
      %get3A_360 = arith.index_cast %get3A_359 : i32 to index
      %get3A_361 = arith.constant 32 : index
      %get3A_362 = tpu.vector_load %arg12[%get3A_360, %get3A_361] {strides = array<i32>} : memref<2x80xi32, #tpu.memory_space<vmem>>, vector<16xi32>,
      %gather3A_363 = tpu.vector_load_idx %arg17[%get3A_358] : memref<10240xf32, #tpu.memory_space<vmem>>[vector<16xi32>], vector<16xf32>,
      %gather3A_364 = tpu.vector_load_idx %arg18[%get3A_362] : memref<10240xf32, #tpu.memory_space<vmem>>[vector<16xi32>], vector<16xf32>,
      %add3A_365 = arith.addf %gather3A_363, %gather3A_364 : vector<16xf32>
      %get3A_366 = arith.constant 0 : i32
      %get3A_367 = arith.index_cast %get3A_366 : i32 to index
      %get3A_368 = arith.constant 32 : index
      %get3A_369 = tpu.vector_load %arg13[%get3A_367, %get3A_368] {strides = array<i32>} : memref<2x80xf32, #tpu.memory_space<vmem>>, vector<16xf32>,
      %add3A_370 = arith.addf %add3A_365, %get3A_369 : vector<16xf32>
      %ge3A_371 = arith.constant 0.000000e+00 : f32
      %ge3A_372 = vector.broadcast %ge3A_371 : f32 to vector<16xf32>
      %ge3A_373 = arith.cmpf oge, %add3A_370, %ge3A_372 : vector<16xf32>
      %mul3A_374 = arith.constant 2.000000e-01 : f32
      %mul3A_375 = vector.broadcast %mul3A_374 : f32 to vector<16xf32>
      %mul3A_376 = arith.mulf %add3A_370, %mul3A_375 : vector<16xf32>
      %select_n3A_377 = arith.select %ge3A_373, %add3A_370, %mul3A_376 : vector<16xi1>, vector<16xf32>
      %add3A_378 = arith.addf %gather3A_364, %get3A_63 : vector<16xf32>
      %ge3A_379 = arith.constant 0.000000e+00 : f32
      %ge3A_380 = vector.broadcast %ge3A_379 : f32 to vector<16xf32>
      %ge3A_381 = arith.cmpf oge, %add3A_378, %ge3A_380 : vector<16xf32>
      %mul3A_382 = arith.constant 2.000000e-01 : f32
      %mul3A_383 = vector.broadcast %mul3A_382 : f32 to vector<16xf32>
      %mul3A_384 = arith.mulf %add3A_378, %mul3A_383 : vector<16xf32>
      %select_n3A_385 = arith.select %ge3A_381, %add3A_378, %mul3A_384 : vector<16xi1>, vector<16xf32>
      %sub3A_386 = arith.subf %select_n3A_377, %select_n3A_385 : vector<16xf32>
      %exp3A_387 = math.exp %sub3A_386 : vector<16xf32>
      %swap3A_388 = arith.constant 32 : index
      %swap3A_389 = tpu.vector_load %arg14[%swap3A_388] {strides = array<i32>} : memref<96xf32, #tpu.memory_space<vmem>>, vector<16xf32>,
      tpu.vector_store %arg14[%swap3A_388], %exp3A_387 {strides = array<i32>} : memref<96xf32, #tpu.memory_space<vmem>>, vector<16xf32>,
      %get3A_390 = arith.constant 0 : i32
      %get3A_391 = arith.index_cast %get3A_390 : i32 to index
      %get3A_392 = arith.constant 48 : index
      %get3A_393 = tpu.vector_load %arg11[%get3A_391, %get3A_392] {strides = array<i32>} : memref<2x80xi32, #tpu.memory_space<vmem>>, vector<16xi32>,
      %get3A_394 = arith.constant 0 : i32
      %get3A_395 = arith.index_cast %get3A_394 : i32 to index
      %get3A_396 = arith.constant 48 : index
      %get3A_397 = tpu.vector_load %arg12[%get3A_395, %get3A_396] {strides = array<i32>} : memref<2x80xi32, #tpu.memory_space<vmem>>, vector<16xi32>,
      %gather3A_398 = tpu.vector_load_idx %arg17[%get3A_393] : memref<10240xf32, #tpu.memory_space<vmem>>[vector<16xi32>], vector<16xf32>,
      %gather3A_399 = tpu.vector_load_idx %arg18[%get3A_397] : memref<10240xf32, #tpu.memory_space<vmem>>[vector<16xi32>], vector<16xf32>,
      %add3A_400 = arith.addf %gather3A_398, %gather3A_399 : vector<16xf32>
      %get3A_401 = arith.constant 0 : i32
      %get3A_402 = arith.index_cast %get3A_401 : i32 to index
      %get3A_403 = arith.constant 48 : index
      %get3A_404 = tpu.vector_load %arg13[%get3A_402, %get3A_403] {strides = array<i32>} : memref<2x80xf32, #tpu.memory_space<vmem>>, vector<16xf32>,
      %add3A_405 = arith.addf %add3A_400, %get3A_404 : vector<16xf32>
      %ge3A_406 = arith.constant 0.000000e+00 : f32
      %ge3A_407 = vector.broadcast %ge3A_406 : f32 to vector<16xf32>
      %ge3A_408 = arith.cmpf oge, %add3A_405, %ge3A_407 : vector<16xf32>
      %mul3A_409 = arith.constant 2.000000e-01 : f32
      %mul3A_410 = vector.broadcast %mul3A_409 : f32 to vector<16xf32>
      %mul3A_411 = arith.mulf %add3A_405, %mul3A_410 : vector<16xf32>
      %select_n3A_412 = arith.select %ge3A_408, %add3A_405, %mul3A_411 : vector<16xi1>, vector<16xf32>
      %add3A_413 = arith.addf %gather3A_399, %get3A_63 : vector<16xf32>
      %ge3A_414 = arith.constant 0.000000e+00 : f32
      %ge3A_415 = vector.broadcast %ge3A_414 : f32 to vector<16xf32>
      %ge3A_416 = arith.cmpf oge, %add3A_413, %ge3A_415 : vector<16xf32>
      %mul3A_417 = arith.constant 2.000000e-01 : f32
      %mul3A_418 = vector.broadcast %mul3A_417 : f32 to vector<16xf32>
      %mul3A_419 = arith.mulf %add3A_413, %mul3A_418 : vector<16xf32>
      %select_n3A_420 = arith.select %ge3A_416, %add3A_413, %mul3A_419 : vector<16xi1>, vector<16xf32>
      %sub3A_421 = arith.subf %select_n3A_412, %select_n3A_420 : vector<16xf32>
      %exp3A_422 = math.exp %sub3A_421 : vector<16xf32>
      %swap3A_423 = arith.constant 48 : index
      %swap3A_424 = tpu.vector_load %arg14[%swap3A_423] {strides = array<i32>} : memref<96xf32, #tpu.memory_space<vmem>>, vector<16xf32>,
      tpu.vector_store %arg14[%swap3A_423], %exp3A_422 {strides = array<i32>} : memref<96xf32, #tpu.memory_space<vmem>>, vector<16xf32>,
      %get3A_425 = arith.constant 0 : i32
      %get3A_426 = arith.index_cast %get3A_425 : i32 to index
      %get3A_427 = arith.constant 64 : index
      %get3A_428 = tpu.vector_load %arg11[%get3A_426, %get3A_427] {strides = array<i32>} : memref<2x80xi32, #tpu.memory_space<vmem>>, vector<16xi32>,
      %get3A_429 = arith.constant 0 : i32
      %get3A_430 = arith.index_cast %get3A_429 : i32 to index
      %get3A_431 = arith.constant 64 : index
      %get3A_432 = tpu.vector_load %arg12[%get3A_430, %get3A_431] {strides = array<i32>} : memref<2x80xi32, #tpu.memory_space<vmem>>, vector<16xi32>,
      %gather3A_433 = tpu.vector_load_idx %arg17[%get3A_428] : memref<10240xf32, #tpu.memory_space<vmem>>[vector<16xi32>], vector<16xf32>,
      %gather3A_434 = tpu.vector_load_idx %arg18[%get3A_432] : memref<10240xf32, #tpu.memory_space<vmem>>[vector<16xi32>], vector<16xf32>,
      %add3A_435 = arith.addf %gather3A_433, %gather3A_434 : vector<16xf32>
      %get3A_436 = arith.constant 0 : i32
      %get3A_437 = arith.index_cast %get3A_436 : i32 to index
      %get3A_438 = arith.constant 64 : index
      %get3A_439 = tpu.vector_load %arg13[%get3A_437, %get3A_438] {strides = array<i32>} : memref<2x80xf32, #tpu.memory_space<vmem>>, vector<16xf32>,
      %add3A_440 = arith.addf %add3A_435, %get3A_439 : vector<16xf32>
      %ge3A_441 = arith.constant 0.000000e+00 : f32
      %ge3A_442 = vector.broadcast %ge3A_441 : f32 to vector<16xf32>
      %ge3A_443 = arith.cmpf oge, %add3A_440, %ge3A_442 : vector<16xf32>
      %mul3A_444 = arith.constant 2.000000e-01 : f32
      %mul3A_445 = vector.broadcast %mul3A_444 : f32 to vector<16xf32>
      %mul3A_446 = arith.mulf %add3A_440, %mul3A_445 : vector<16xf32>
      %select_n3A_447 = arith.select %ge3A_443, %add3A_440, %mul3A_446 : vector<16xi1>, vector<16xf32>
      %add3A_448 = arith.addf %gather3A_434, %get3A_63 : vector<16xf32>
      %ge3A_449 = arith.constant 0.000000e+00 : f32
      %ge3A_450 = vector.broadcast %ge3A_449 : f32 to vector<16xf32>
      %ge3A_451 = arith.cmpf oge, %add3A_448, %ge3A_450 : vector<16xf32>
      %mul3A_452 = arith.constant 2.000000e-01 : f32
      %mul3A_453 = vector.broadcast %mul3A_452 : f32 to vector<16xf32>
      %mul3A_454 = arith.mulf %add3A_448, %mul3A_453 : vector<16xf32>
      %select_n3A_455 = arith.select %ge3A_451, %add3A_448, %mul3A_454 : vector<16xi1>, vector<16xf32>
      %sub3A_456 = arith.subf %select_n3A_447, %select_n3A_455 : vector<16xf32>
      %exp3A_457 = math.exp %sub3A_456 : vector<16xf32>
      %swap3A_458 = arith.constant 64 : index
      %swap3A_459 = tpu.vector_load %arg14[%swap3A_458] {strides = array<i32>} : memref<96xf32, #tpu.memory_space<vmem>>, vector<16xf32>,
      tpu.vector_store %arg14[%swap3A_458], %exp3A_457 {strides = array<i32>} : memref<96xf32, #tpu.memory_space<vmem>>, vector<16xf32>,
      %dma_wait3A_460 = arith.constant 0 : i32
      %dma_wait3A_461 = arith.constant 0 : i32
      %dma_wait3A_462 = tpu.memref_slice %arg11[%dma_wait3A_460, %dma_wait3A_461] : memref<2x80xi32, #tpu.memory_space<vmem>> -> memref<1x80xi32, #tpu.memory_space<vmem>>
      %dma_wait3A_463 = tpu.memref_squeeze %dma_wait3A_462 : memref<1x80xi32, #tpu.memory_space<vmem>> -> memref<80xi32, #tpu.memory_space<vmem>>
      %dma_wait3A_464 = arith.constant 0 : i32
      %dma_wait3A_465 = arith.constant 0 : i32
      %dma_wait3A_466 = tpu.memref_slice %arg8[%dma_wait3A_464, %dma_wait3A_465] : memref<10240x128xf32, #tpu.memory_space<hbm>> -> memref<10240x128xf32, #tpu.memory_space<hbm>>
      tpu.wait_indirect_dma semaphore(%arg22 : memref<!tpu.dma_semaphore, #tpu.memory_space<semaphore_mem>>) src(%dma_wait3A_466 : memref<10240x128xf32, #tpu.memory_space<hbm>>) dst(%arg15 : memref<80x128xf32, #tpu.memory_space<vmem>>)
      %parallel_loop3A_467 = arith.constant 0 : i32
      %parallel_loop3A_468 = arith.constant 80 : i32
      %parallel_loop3A_469 = arith.constant 1 : i32
      scf.for %parallel_loop3A_674 = %parallel_loop3A_467 to %parallel_loop3A_468 step %parallel_loop3A_469  : i32 {
        %parallel_loop3A_675 = arith.index_cast %parallel_loop3A_674 : i32 to index
        %parallel_loop3A_676 = tpu.vector_load %arg14[%parallel_loop3A_675] {strides = array<i32>} : memref<96xf32, #tpu.memory_space<vmem>>, vector<16xf32>,
        %parallel_loop3A_677 = vector.extract_strided_slice %parallel_loop3A_676 {offsets = [0], sizes = [1], strides = [1]} : vector<16xf32> to vector<1xf32>
        %parallel_loop3A_678 = vector.extract %parallel_loop3A_677[0] : f32 from vector<1xf32>
        %parallel_loop3A_679 = arith.index_cast %parallel_loop3A_674 : i32 to index
        %parallel_loop3A_680 = arith.constant 0 : index
        %parallel_loop3A_681 = tpu.vector_load %arg15[%parallel_loop3A_679, %parallel_loop3A_680] {strides = array<i32>} : memref<80x128xf32, #tpu.memory_space<vmem>>, vector<16xf32>,
        %parallel_loop3A_682 = vector.broadcast %parallel_loop3A_678 : f32 to vector<16xf32>
        %parallel_loop3A_683 = arith.mulf %parallel_loop3A_681, %parallel_loop3A_682 : vector<16xf32>
        %parallel_loop3A_684 = arith.index_cast %parallel_loop3A_674 : i32 to index
        %parallel_loop3A_685 = arith.constant 0 : index
        %parallel_loop3A_686 = tpu.vector_load %arg15[%parallel_loop3A_684, %parallel_loop3A_685] {strides = array<i32>} : memref<80x128xf32, #tpu.memory_space<vmem>>, vector<16xf32>,
        tpu.vector_store %arg15[%parallel_loop3A_684, %parallel_loop3A_685], %parallel_loop3A_683 {strides = array<i32>} : memref<80x128xf32, #tpu.memory_space<vmem>>, vector<16xf32>,
        %parallel_loop3A_687 = arith.index_cast %parallel_loop3A_674 : i32 to index
        %parallel_loop3A_688 = arith.constant 16 : index
        %parallel_loop3A_689 = tpu.vector_load %arg15[%parallel_loop3A_687, %parallel_loop3A_688] {strides = array<i32>} : memref<80x128xf32, #tpu.memory_space<vmem>>, vector<16xf32>,
        %parallel_loop3A_690 = vector.broadcast %parallel_loop3A_678 : f32 to vector<16xf32>
        %parallel_loop3A_691 = arith.mulf %parallel_loop3A_689, %parallel_loop3A_690 : vector<16xf32>
        %parallel_loop3A_692 = arith.index_cast %parallel_loop3A_674 : i32 to index
        %parallel_loop3A_693 = arith.constant 16 : index
        %parallel_loop3A_694 = tpu.vector_load %arg15[%parallel_loop3A_692, %parallel_loop3A_693] {strides = array<i32>} : memref<80x128xf32, #tpu.memory_space<vmem>>, vector<16xf32>,
        tpu.vector_store %arg15[%parallel_loop3A_692, %parallel_loop3A_693], %parallel_loop3A_691 {strides = array<i32>} : memref<80x128xf32, #tpu.memory_space<vmem>>, vector<16xf32>,
        %parallel_loop3A_695 = arith.index_cast %parallel_loop3A_674 : i32 to index
        %parallel_loop3A_696 = arith.constant 32 : index
        %parallel_loop3A_697 = tpu.vector_load %arg15[%parallel_loop3A_695, %parallel_loop3A_696] {strides = array<i32>} : memref<80x128xf32, #tpu.memory_space<vmem>>, vector<16xf32>,
        %parallel_loop3A_698 = vector.broadcast %parallel_loop3A_678 : f32 to vector<16xf32>
        %parallel_loop3A_699 = arith.mulf %parallel_loop3A_697, %parallel_loop3A_698 : vector<16xf32>
        %parallel_loop3A_700 = arith.index_cast %parallel_loop3A_674 : i32 to index
        %parallel_loop3A_701 = arith.constant 32 : index
        %parallel_loop3A_702 = tpu.vector_load %arg15[%parallel_loop3A_700, %parallel_loop3A_701] {strides = array<i32>} : memref<80x128xf32, #tpu.memory_space<vmem>>, vector<16xf32>,
        tpu.vector_store %arg15[%parallel_loop3A_700, %parallel_loop3A_701], %parallel_loop3A_699 {strides = array<i32>} : memref<80x128xf32, #tpu.memory_space<vmem>>, vector<16xf32>,
        %parallel_loop3A_703 = arith.index_cast %parallel_loop3A_674 : i32 to index
        %parallel_loop3A_704 = arith.constant 48 : index
        %parallel_loop3A_705 = tpu.vector_load %arg15[%parallel_loop3A_703, %parallel_loop3A_704] {strides = array<i32>} : memref<80x128xf32, #tpu.memory_space<vmem>>, vector<16xf32>,
        %parallel_loop3A_706 = vector.broadcast %parallel_loop3A_678 : f32 to vector<16xf32>
        %parallel_loop3A_707 = arith.mulf %parallel_loop3A_705, %parallel_loop3A_706 : vector<16xf32>
        %parallel_loop3A_708 = arith.index_cast %parallel_loop3A_674 : i32 to index
        %parallel_loop3A_709 = arith.constant 48 : index
        %parallel_loop3A_710 = tpu.vector_load %arg15[%parallel_loop3A_708, %parallel_loop3A_709] {strides = array<i32>} : memref<80x128xf32, #tpu.memory_space<vmem>>, vector<16xf32>,
        tpu.vector_store %arg15[%parallel_loop3A_708, %parallel_loop3A_709], %parallel_loop3A_707 {strides = array<i32>} : memref<80x128xf32, #tpu.memory_space<vmem>>, vector<16xf32>,
        %parallel_loop3A_711 = arith.index_cast %parallel_loop3A_674 : i32 to index
        %parallel_loop3A_712 = arith.constant 64 : index
        %parallel_loop3A_713 = tpu.vector_load %arg15[%parallel_loop3A_711, %parallel_loop3A_712] {strides = array<i32>} : memref<80x128xf32, #tpu.memory_space<vmem>>, vector<16xf32>,
        %parallel_loop3A_714 = vector.broadcast %parallel_loop3A_678 : f32 to vector<16xf32>
        %parallel_loop3A_715 = arith.mulf %parallel_loop3A_713, %parallel_loop3A_714 : vector<16xf32>
        %parallel_loop3A_716 = arith.index_cast %parallel_loop3A_674 : i32 to index
        %parallel_loop3A_717 = arith.constant 64 : index
        %parallel_loop3A_718 = tpu.vector_load %arg15[%parallel_loop3A_716, %parallel_loop3A_717] {strides = array<i32>} : memref<80x128xf32, #tpu.memory_space<vmem>>, vector<16xf32>,
        tpu.vector_store %arg15[%parallel_loop3A_716, %parallel_loop3A_717], %parallel_loop3A_715 {strides = array<i32>} : memref<80x128xf32, #tpu.memory_space<vmem>>, vector<16xf32>,
        %parallel_loop3A_719 = arith.index_cast %parallel_loop3A_674 : i32 to index
        %parallel_loop3A_720 = arith.constant 80 : index
        %parallel_loop3A_721 = tpu.vector_load %arg15[%parallel_loop3A_719, %parallel_loop3A_720] {strides = array<i32>} : memref<80x128xf32, #tpu.memory_space<vmem>>, vector<16xf32>,
        %parallel_loop3A_722 = vector.broadcast %parallel_loop3A_678 : f32 to vector<16xf32>
        %parallel_loop3A_723 = arith.mulf %parallel_loop3A_721, %parallel_loop3A_722 : vector<16xf32>
        %parallel_loop3A_724 = arith.index_cast %parallel_loop3A_674 : i32 to index
        %parallel_loop3A_725 = arith.constant 80 : index
        %parallel_loop3A_726 = tpu.vector_load %arg15[%parallel_loop3A_724, %parallel_loop3A_725] {strides = array<i32>} : memref<80x128xf32, #tpu.memory_space<vmem>>, vector<16xf32>,
        tpu.vector_store %arg15[%parallel_loop3A_724, %parallel_loop3A_725], %parallel_loop3A_723 {strides = array<i32>} : memref<80x128xf32, #tpu.memory_space<vmem>>, vector<16xf32>,
        %parallel_loop3A_727 = arith.index_cast %parallel_loop3A_674 : i32 to index
        %parallel_loop3A_728 = arith.constant 96 : index
        %parallel_loop3A_729 = tpu.vector_load %arg15[%parallel_loop3A_727, %parallel_loop3A_728] {strides = array<i32>} : memref<80x128xf32, #tpu.memory_space<vmem>>, vector<16xf32>,
        %parallel_loop3A_730 = vector.broadcast %parallel_loop3A_678 : f32 to vector<16xf32>
        %parallel_loop3A_731 = arith.mulf %parallel_loop3A_729, %parallel_loop3A_730 : vector<16xf32>
        %parallel_loop3A_732 = arith.index_cast %parallel_loop3A_674 : i32 to index
        %parallel_loop3A_733 = arith.constant 96 : index
        %parallel_loop3A_734 = tpu.vector_load %arg15[%parallel_loop3A_732, %parallel_loop3A_733] {strides = array<i32>} : memref<80x128xf32, #tpu.memory_space<vmem>>, vector<16xf32>,
        tpu.vector_store %arg15[%parallel_loop3A_732, %parallel_loop3A_733], %parallel_loop3A_731 {strides = array<i32>} : memref<80x128xf32, #tpu.memory_space<vmem>>, vector<16xf32>,
        %parallel_loop3A_735 = arith.index_cast %parallel_loop3A_674 : i32 to index
        %parallel_loop3A_736 = arith.constant 112 : index
        %parallel_loop3A_737 = tpu.vector_load %arg15[%parallel_loop3A_735, %parallel_loop3A_736] {strides = array<i32>} : memref<80x128xf32, #tpu.memory_space<vmem>>, vector<16xf32>,
        %parallel_loop3A_738 = vector.broadcast %parallel_loop3A_678 : f32 to vector<16xf32>
        %parallel_loop3A_739 = arith.mulf %parallel_loop3A_737, %parallel_loop3A_738 : vector<16xf32>
        %parallel_loop3A_740 = arith.index_cast %parallel_loop3A_674 : i32 to index
        %parallel_loop3A_741 = arith.constant 112 : index
        %parallel_loop3A_742 = tpu.vector_load %arg15[%parallel_loop3A_740, %parallel_loop3A_741] {strides = array<i32>} : memref<80x128xf32, #tpu.memory_space<vmem>>, vector<16xf32>,
        tpu.vector_store %arg15[%parallel_loop3A_740, %parallel_loop3A_741], %parallel_loop3A_739 {strides = array<i32>} : memref<80x128xf32, #tpu.memory_space<vmem>>, vector<16xf32>,
      } {sc.loop_unroll_factor = 8 : i64, sc.parallel_access}
      %run_scoped3A_470 = arith.constant 0 : i32
      "tpu.region"() ({
        %run_scoped3A_674 = tpu.sem_alloc : memref<!tpu.dma_semaphore, #tpu.memory_space<semaphore_mem>>
        %dma_start3A_675 = arith.constant 0 : i32
        %dma_start3A_676 = tpu.memref_slice %arg14[%dma_start3A_675] : memref<96xf32, #tpu.memory_space<vmem>> -> memref<80xf32, #tpu.memory_space<vmem>>
        %dma_start3A_677 = arith.constant 0 : i32
        %dma_start3A_678 = tpu.memref_slice %arg12[%run_scoped3A_470, %dma_start3A_677] : memref<2x80xi32, #tpu.memory_space<vmem>> -> memref<1x80xi32, #tpu.memory_space<vmem>>
        %dma_start3A_679 = tpu.memref_squeeze %dma_start3A_678 : memref<1x80xi32, #tpu.memory_space<vmem>> -> memref<80xi32, #tpu.memory_space<vmem>>
        %dma_start3A_680 = arith.constant 0 : i32
        %dma_start3A_681 = tpu.memref_slice %arg21[%dma_start3A_680] : memref<10240xf32, #tpu.memory_space<vmem_shared>> -> memref<10240xf32, #tpu.memory_space<vmem_shared>>
        tpu.enqueue_indirect_dma source(%dma_start3A_676 : memref<80xf32, #tpu.memory_space<vmem>>) target(%dma_start3A_681 : memref<10240xf32, #tpu.memory_space<vmem_shared>>) offsets(%dma_start3A_679 : memref<80xi32, #tpu.memory_space<vmem>>) semaphore(%run_scoped3A_674 : memref<!tpu.dma_semaphore, #tpu.memory_space<semaphore_mem>>) {add = true}
        %dma_wait3A_682 = arith.constant 0 : i32
        %dma_wait3A_683 = tpu.memref_slice %arg14[%dma_wait3A_682] : memref<96xf32, #tpu.memory_space<vmem>> -> memref<80xf32, #tpu.memory_space<vmem>>
        %dma_wait3A_684 = arith.constant 0 : i32
        %dma_wait3A_685 = tpu.memref_slice %arg12[%run_scoped3A_470, %dma_wait3A_684] : memref<2x80xi32, #tpu.memory_space<vmem>> -> memref<1x80xi32, #tpu.memory_space<vmem>>
        %dma_wait3A_686 = tpu.memref_squeeze %dma_wait3A_685 : memref<1x80xi32, #tpu.memory_space<vmem>> -> memref<80xi32, #tpu.memory_space<vmem>>
        %dma_wait3A_687 = arith.constant 0 : i32
        %dma_wait3A_688 = tpu.memref_slice %arg21[%dma_wait3A_687] : memref<10240xf32, #tpu.memory_space<vmem_shared>> -> memref<10240xf32, #tpu.memory_space<vmem_shared>>
        tpu.wait_indirect_dma semaphore(%run_scoped3A_674 : memref<!tpu.dma_semaphore, #tpu.memory_space<semaphore_mem>>) src(%dma_wait3A_683 : memref<80xf32, #tpu.memory_space<vmem>>) dst(%dma_wait3A_688 : memref<10240xf32, #tpu.memory_space<vmem_shared>>)
        tpu.yield
      }) : () -> ()
      %run_scoped3A_471 = arith.constant 0 : i32
      "tpu.region"() ({
        %run_scoped3A_674 = tpu.sem_alloc : memref<!tpu.dma_semaphore, #tpu.memory_space<semaphore_mem>>
        %dma_start3A_675 = arith.constant 0 : i32
        %dma_start3A_676 = tpu.memref_slice %arg12[%run_scoped3A_471, %dma_start3A_675] : memref<2x80xi32, #tpu.memory_space<vmem>> -> memref<1x80xi32, #tpu.memory_space<vmem>>
        %dma_start3A_677 = tpu.memref_squeeze %dma_start3A_676 : memref<1x80xi32, #tpu.memory_space<vmem>> -> memref<80xi32, #tpu.memory_space<vmem>>
        %dma_start3A_678 = arith.constant 0 : i32
        %dma_start3A_679 = arith.constant 0 : i32
        %dma_start3A_680 = tpu.memref_slice %arg20[%dma_start3A_678, %dma_start3A_679] : memref<10240x128xf32, #tpu.memory_space<vmem_shared>> -> memref<10240x128xf32, #tpu.memory_space<vmem_shared>>
        tpu.enqueue_indirect_dma source(%arg15 : memref<80x128xf32, #tpu.memory_space<vmem>>) target(%dma_start3A_680 : memref<10240x128xf32, #tpu.memory_space<vmem_shared>>) offsets(%dma_start3A_677 : memref<80xi32, #tpu.memory_space<vmem>>) semaphore(%run_scoped3A_674 : memref<!tpu.dma_semaphore, #tpu.memory_space<semaphore_mem>>) {add = true}
        %dma_wait3A_681 = arith.constant 0 : i32
        %dma_wait3A_682 = tpu.memref_slice %arg12[%run_scoped3A_471, %dma_wait3A_681] : memref<2x80xi32, #tpu.memory_space<vmem>> -> memref<1x80xi32, #tpu.memory_space<vmem>>
        %dma_wait3A_683 = tpu.memref_squeeze %dma_wait3A_682 : memref<1x80xi32, #tpu.memory_space<vmem>> -> memref<80xi32, #tpu.memory_space<vmem>>
        %dma_wait3A_684 = arith.constant 0 : i32
        %dma_wait3A_685 = arith.constant 0 : i32
        %dma_wait3A_686 = tpu.memref_slice %arg20[%dma_wait3A_684, %dma_wait3A_685] : memref<10240x128xf32, #tpu.memory_space<vmem_shared>> -> memref<10240x128xf32, #tpu.memory_space<vmem_shared>>
        tpu.wait_indirect_dma semaphore(%run_scoped3A_674 : memref<!tpu.dma_semaphore, #tpu.memory_space<semaphore_mem>>) src(%arg15 : memref<80x128xf32, #tpu.memory_space<vmem>>) dst(%dma_wait3A_686 : memref<10240x128xf32, #tpu.memory_space<vmem_shared>>)
        tpu.yield
      }) : () -> ()
      %add3A_472 = arith.constant 2 : i32
      %add3A_473 = arith.addi %mul3A_269, %add3A_472 : i32
      %mul3A_474 = arith.constant 80 : i32
      %mul3A_475 = arith.muli %add3A_473, %mul3A_474 : i32
      %add3A_476 = arith.addi %mul3A_4, %mul3A_475 : i32
      %run_scoped3A_477 = arith.constant 0 : i32
      "tpu.region"() ({
        %run_scoped3A_674 = tpu.sem_alloc : memref<!tpu.dma_semaphore, #tpu.memory_space<semaphore_mem>>
        %dma_start3A_675 = arith.constant 0 : i32
        %dma_start3A_676 = tpu.memref_slice %arg11[%run_scoped3A_477, %dma_start3A_675] : memref<2x80xi32, #tpu.memory_space<vmem>> -> memref<1x80xi32, #tpu.memory_space<vmem>>
        %dma_start3A_677 = tpu.memref_squeeze %dma_start3A_676 : memref<1x80xi32, #tpu.memory_space<vmem>> -> memref<80xi32, #tpu.memory_space<vmem>>
        %dma_start3A_678 = tpu.memref_slice %arg2[%add3A_476] : memref<320000xi32, #tpu.memory_space<hbm>> -> memref<80xi32, #tpu.memory_space<hbm>>
        %dma_start3A_679 = arith.constant 0 : i32
        %dma_start3A_680 = tpu.memref_slice %arg11[%run_scoped3A_477, %dma_start3A_679] : memref<2x80xi32, #tpu.memory_space<vmem>> -> memref<1x80xi32, #tpu.memory_space<vmem>>
        %dma_start3A_681 = tpu.memref_squeeze %dma_start3A_680 : memref<1x80xi32, #tpu.memory_space<vmem>> -> memref<80xi32, #tpu.memory_space<vmem>>
        %dma_start3A_682 = tpu.memref_slice %arg2[%add3A_476] : memref<320000xi32, #tpu.memory_space<hbm>> -> memref<80xi32, #tpu.memory_space<hbm>>
        tpu.enqueue_dma source(%dma_start3A_682 : memref<80xi32, #tpu.memory_space<hbm>>) target(%dma_start3A_681 : memref<80xi32, #tpu.memory_space<vmem>>) target_semaphore(%run_scoped3A_674 : memref<!tpu.dma_semaphore, #tpu.memory_space<semaphore_mem>>)
        %dma_wait3A_683 = arith.constant 0 : i32
        %dma_wait3A_684 = tpu.memref_slice %arg11[%run_scoped3A_477, %dma_wait3A_683] : memref<2x80xi32, #tpu.memory_space<vmem>> -> memref<1x80xi32, #tpu.memory_space<vmem>>
        %dma_wait3A_685 = tpu.memref_squeeze %dma_wait3A_684 : memref<1x80xi32, #tpu.memory_space<vmem>> -> memref<80xi32, #tpu.memory_space<vmem>>
        %dma_wait3A_686 = tpu.memref_slice %arg2[%add3A_476] : memref<320000xi32, #tpu.memory_space<hbm>> -> memref<80xi32, #tpu.memory_space<hbm>>
        %dma_wait3A_687 = arith.constant 0 : i32
        %dma_wait3A_688 = tpu.memref_slice %arg11[%run_scoped3A_477, %dma_wait3A_687] : memref<2x80xi32, #tpu.memory_space<vmem>> -> memref<1x80xi32, #tpu.memory_space<vmem>>
        %dma_wait3A_689 = tpu.memref_squeeze %dma_wait3A_688 : memref<1x80xi32, #tpu.memory_space<vmem>> -> memref<80xi32, #tpu.memory_space<vmem>>
        %dma_wait3A_690 = tpu.memref_slice %arg2[%add3A_476] : memref<320000xi32, #tpu.memory_space<hbm>> -> memref<80xi32, #tpu.memory_space<hbm>>
        tpu.wait_dma2 semaphore(%run_scoped3A_674 : memref<!tpu.dma_semaphore, #tpu.memory_space<semaphore_mem>>) src(%dma_wait3A_690 : memref<80xi32, #tpu.memory_space<hbm>>) dst(%dma_wait3A_689 : memref<80xi32, #tpu.memory_space<vmem>>)
        tpu.yield
      }) : () -> ()
      %run_scoped3A_478 = arith.constant 0 : i32
      "tpu.region"() ({
        %run_scoped3A_674 = tpu.sem_alloc : memref<!tpu.dma_semaphore, #tpu.memory_space<semaphore_mem>>
        %dma_start3A_675 = arith.constant 0 : i32
        %dma_start3A_676 = tpu.memref_slice %arg12[%run_scoped3A_478, %dma_start3A_675] : memref<2x80xi32, #tpu.memory_space<vmem>> -> memref<1x80xi32, #tpu.memory_space<vmem>>
        %dma_start3A_677 = tpu.memref_squeeze %dma_start3A_676 : memref<1x80xi32, #tpu.memory_space<vmem>> -> memref<80xi32, #tpu.memory_space<vmem>>
        %dma_start3A_678 = tpu.memref_slice %arg3[%add3A_476] : memref<320000xi32, #tpu.memory_space<hbm>> -> memref<80xi32, #tpu.memory_space<hbm>>
        %dma_start3A_679 = arith.constant 0 : i32
        %dma_start3A_680 = tpu.memref_slice %arg12[%run_scoped3A_478, %dma_start3A_679] : memref<2x80xi32, #tpu.memory_space<vmem>> -> memref<1x80xi32, #tpu.memory_space<vmem>>
        %dma_start3A_681 = tpu.memref_squeeze %dma_start3A_680 : memref<1x80xi32, #tpu.memory_space<vmem>> -> memref<80xi32, #tpu.memory_space<vmem>>
        %dma_start3A_682 = tpu.memref_slice %arg3[%add3A_476] : memref<320000xi32, #tpu.memory_space<hbm>> -> memref<80xi32, #tpu.memory_space<hbm>>
        tpu.enqueue_dma source(%dma_start3A_682 : memref<80xi32, #tpu.memory_space<hbm>>) target(%dma_start3A_681 : memref<80xi32, #tpu.memory_space<vmem>>) target_semaphore(%run_scoped3A_674 : memref<!tpu.dma_semaphore, #tpu.memory_space<semaphore_mem>>)
        %dma_wait3A_683 = arith.constant 0 : i32
        %dma_wait3A_684 = tpu.memref_slice %arg12[%run_scoped3A_478, %dma_wait3A_683] : memref<2x80xi32, #tpu.memory_space<vmem>> -> memref<1x80xi32, #tpu.memory_space<vmem>>
        %dma_wait3A_685 = tpu.memref_squeeze %dma_wait3A_684 : memref<1x80xi32, #tpu.memory_space<vmem>> -> memref<80xi32, #tpu.memory_space<vmem>>
        %dma_wait3A_686 = tpu.memref_slice %arg3[%add3A_476] : memref<320000xi32, #tpu.memory_space<hbm>> -> memref<80xi32, #tpu.memory_space<hbm>>
        %dma_wait3A_687 = arith.constant 0 : i32
        %dma_wait3A_688 = tpu.memref_slice %arg12[%run_scoped3A_478, %dma_wait3A_687] : memref<2x80xi32, #tpu.memory_space<vmem>> -> memref<1x80xi32, #tpu.memory_space<vmem>>
        %dma_wait3A_689 = tpu.memref_squeeze %dma_wait3A_688 : memref<1x80xi32, #tpu.memory_space<vmem>> -> memref<80xi32, #tpu.memory_space<vmem>>
        %dma_wait3A_690 = tpu.memref_slice %arg3[%add3A_476] : memref<320000xi32, #tpu.memory_space<hbm>> -> memref<80xi32, #tpu.memory_space<hbm>>
        tpu.wait_dma2 semaphore(%run_scoped3A_674 : memref<!tpu.dma_semaphore, #tpu.memory_space<semaphore_mem>>) src(%dma_wait3A_690 : memref<80xi32, #tpu.memory_space<hbm>>) dst(%dma_wait3A_689 : memref<80xi32, #tpu.memory_space<vmem>>)
        tpu.yield
      }) : () -> ()
      %run_scoped3A_479 = arith.constant 0 : i32
      "tpu.region"() ({
        %run_scoped3A_674 = tpu.sem_alloc : memref<!tpu.dma_semaphore, #tpu.memory_space<semaphore_mem>>
        %dma_start3A_675 = arith.constant 0 : i32
        %dma_start3A_676 = tpu.memref_slice %arg13[%run_scoped3A_479, %dma_start3A_675] : memref<2x80xf32, #tpu.memory_space<vmem>> -> memref<1x80xf32, #tpu.memory_space<vmem>>
        %dma_start3A_677 = tpu.memref_squeeze %dma_start3A_676 : memref<1x80xf32, #tpu.memory_space<vmem>> -> memref<80xf32, #tpu.memory_space<vmem>>
        %dma_start3A_678 = tpu.memref_slice %arg4[%add3A_476] : memref<320000xf32, #tpu.memory_space<hbm>> -> memref<80xf32, #tpu.memory_space<hbm>>
        %dma_start3A_679 = arith.constant 0 : i32
        %dma_start3A_680 = tpu.memref_slice %arg13[%run_scoped3A_479, %dma_start3A_679] : memref<2x80xf32, #tpu.memory_space<vmem>> -> memref<1x80xf32, #tpu.memory_space<vmem>>
        %dma_start3A_681 = tpu.memref_squeeze %dma_start3A_680 : memref<1x80xf32, #tpu.memory_space<vmem>> -> memref<80xf32, #tpu.memory_space<vmem>>
        %dma_start3A_682 = tpu.memref_slice %arg4[%add3A_476] : memref<320000xf32, #tpu.memory_space<hbm>> -> memref<80xf32, #tpu.memory_space<hbm>>
        tpu.enqueue_dma source(%dma_start3A_682 : memref<80xf32, #tpu.memory_space<hbm>>) target(%dma_start3A_681 : memref<80xf32, #tpu.memory_space<vmem>>) target_semaphore(%run_scoped3A_674 : memref<!tpu.dma_semaphore, #tpu.memory_space<semaphore_mem>>)
        %dma_wait3A_683 = arith.constant 0 : i32
        %dma_wait3A_684 = tpu.memref_slice %arg13[%run_scoped3A_479, %dma_wait3A_683] : memref<2x80xf32, #tpu.memory_space<vmem>> -> memref<1x80xf32, #tpu.memory_space<vmem>>
        %dma_wait3A_685 = tpu.memref_squeeze %dma_wait3A_684 : memref<1x80xf32, #tpu.memory_space<vmem>> -> memref<80xf32, #tpu.memory_space<vmem>>
        %dma_wait3A_686 = tpu.memref_slice %arg4[%add3A_476] : memref<320000xf32, #tpu.memory_space<hbm>> -> memref<80xf32, #tpu.memory_space<hbm>>
        %dma_wait3A_687 = arith.constant 0 : i32
        %dma_wait3A_688 = tpu.memref_slice %arg13[%run_scoped3A_479, %dma_wait3A_687] : memref<2x80xf32, #tpu.memory_space<vmem>> -> memref<1x80xf32, #tpu.memory_space<vmem>>
        %dma_wait3A_689 = tpu.memref_squeeze %dma_wait3A_688 : memref<1x80xf32, #tpu.memory_space<vmem>> -> memref<80xf32, #tpu.memory_space<vmem>>
        %dma_wait3A_690 = tpu.memref_slice %arg4[%add3A_476] : memref<320000xf32, #tpu.memory_space<hbm>> -> memref<80xf32, #tpu.memory_space<hbm>>
        tpu.wait_dma2 semaphore(%run_scoped3A_674 : memref<!tpu.dma_semaphore, #tpu.memory_space<semaphore_mem>>) src(%dma_wait3A_690 : memref<80xf32, #tpu.memory_space<hbm>>) dst(%dma_wait3A_689 : memref<80xf32, #tpu.memory_space<vmem>>)
        tpu.yield
      }) : () -> ()
      %dma_start3A_480 = arith.constant 0 : i32
      %dma_start3A_481 = arith.constant 0 : i32
      %dma_start3A_482 = tpu.memref_slice %arg11[%dma_start3A_480, %dma_start3A_481] : memref<2x80xi32, #tpu.memory_space<vmem>> -> memref<1x80xi32, #tpu.memory_space<vmem>>
      %dma_start3A_483 = tpu.memref_squeeze %dma_start3A_482 : memref<1x80xi32, #tpu.memory_space<vmem>> -> memref<80xi32, #tpu.memory_space<vmem>>
      %dma_start3A_484 = arith.constant 0 : i32
      %dma_start3A_485 = arith.constant 0 : i32
      %dma_start3A_486 = tpu.memref_slice %arg8[%dma_start3A_484, %dma_start3A_485] : memref<10240x128xf32, #tpu.memory_space<hbm>> -> memref<10240x128xf32, #tpu.memory_space<hbm>>
      tpu.enqueue_indirect_dma source(%dma_start3A_486 : memref<10240x128xf32, #tpu.memory_space<hbm>>) target(%arg15 : memref<80x128xf32, #tpu.memory_space<vmem>>) offsets(%dma_start3A_483 : memref<80xi32, #tpu.memory_space<vmem>>) semaphore(%arg22 : memref<!tpu.dma_semaphore, #tpu.memory_space<semaphore_mem>>)
      %get3A_487 = arith.constant 1 : i32
      %get3A_488 = arith.index_cast %get3A_487 : i32 to index
      %get3A_489 = arith.constant 0 : index
      %get3A_490 = tpu.vector_load %arg11[%get3A_488, %get3A_489] {strides = array<i32>} : memref<2x80xi32, #tpu.memory_space<vmem>>, vector<16xi32>,
      %get3A_491 = arith.constant 1 : i32
      %get3A_492 = arith.index_cast %get3A_491 : i32 to index
      %get3A_493 = arith.constant 0 : index
      %get3A_494 = tpu.vector_load %arg12[%get3A_492, %get3A_493] {strides = array<i32>} : memref<2x80xi32, #tpu.memory_space<vmem>>, vector<16xi32>,
      %gather3A_495 = tpu.vector_load_idx %arg17[%get3A_490] : memref<10240xf32, #tpu.memory_space<vmem>>[vector<16xi32>], vector<16xf32>,
      %gather3A_496 = tpu.vector_load_idx %arg18[%get3A_494] : memref<10240xf32, #tpu.memory_space<vmem>>[vector<16xi32>], vector<16xf32>,
      %add3A_497 = arith.addf %gather3A_495, %gather3A_496 : vector<16xf32>
      %get3A_498 = arith.constant 1 : i32
      %get3A_499 = arith.index_cast %get3A_498 : i32 to index
      %get3A_500 = arith.constant 0 : index
      %get3A_501 = tpu.vector_load %arg13[%get3A_499, %get3A_500] {strides = array<i32>} : memref<2x80xf32, #tpu.memory_space<vmem>>, vector<16xf32>,
      %add3A_502 = arith.addf %add3A_497, %get3A_501 : vector<16xf32>
      %ge3A_503 = arith.constant 0.000000e+00 : f32
      %ge3A_504 = vector.broadcast %ge3A_503 : f32 to vector<16xf32>
      %ge3A_505 = arith.cmpf oge, %add3A_502, %ge3A_504 : vector<16xf32>
      %mul3A_506 = arith.constant 2.000000e-01 : f32
      %mul3A_507 = vector.broadcast %mul3A_506 : f32 to vector<16xf32>
      %mul3A_508 = arith.mulf %add3A_502, %mul3A_507 : vector<16xf32>
      %select_n3A_509 = arith.select %ge3A_505, %add3A_502, %mul3A_508 : vector<16xi1>, vector<16xf32>
      %add3A_510 = arith.addf %gather3A_496, %get3A_63 : vector<16xf32>
      %ge3A_511 = arith.constant 0.000000e+00 : f32
      %ge3A_512 = vector.broadcast %ge3A_511 : f32 to vector<16xf32>
      %ge3A_513 = arith.cmpf oge, %add3A_510, %ge3A_512 : vector<16xf32>
      %mul3A_514 = arith.constant 2.000000e-01 : f32
      %mul3A_515 = vector.broadcast %mul3A_514 : f32 to vector<16xf32>
      %mul3A_516 = arith.mulf %add3A_510, %mul3A_515 : vector<16xf32>
      %select_n3A_517 = arith.select %ge3A_513, %add3A_510, %mul3A_516 : vector<16xi1>, vector<16xf32>
      %sub3A_518 = arith.subf %select_n3A_509, %select_n3A_517 : vector<16xf32>
      %exp3A_519 = math.exp %sub3A_518 : vector<16xf32>
      %swap3A_520 = arith.constant 0 : index
      %swap3A_521 = tpu.vector_load %arg14[%swap3A_520] {strides = array<i32>} : memref<96xf32, #tpu.memory_space<vmem>>, vector<16xf32>,
      tpu.vector_store %arg14[%swap3A_520], %exp3A_519 {strides = array<i32>} : memref<96xf32, #tpu.memory_space<vmem>>, vector<16xf32>,
      %get3A_522 = arith.constant 1 : i32
      %get3A_523 = arith.index_cast %get3A_522 : i32 to index
      %get3A_524 = arith.constant 16 : index
      %get3A_525 = tpu.vector_load %arg11[%get3A_523, %get3A_524] {strides = array<i32>} : memref<2x80xi32, #tpu.memory_space<vmem>>, vector<16xi32>,
      %get3A_526 = arith.constant 1 : i32
      %get3A_527 = arith.index_cast %get3A_526 : i32 to index
      %get3A_528 = arith.constant 16 : index
      %get3A_529 = tpu.vector_load %arg12[%get3A_527, %get3A_528] {strides = array<i32>} : memref<2x80xi32, #tpu.memory_space<vmem>>, vector<16xi32>,
      %gather3A_530 = tpu.vector_load_idx %arg17[%get3A_525] : memref<10240xf32, #tpu.memory_space<vmem>>[vector<16xi32>], vector<16xf32>,
      %gather3A_531 = tpu.vector_load_idx %arg18[%get3A_529] : memref<10240xf32, #tpu.memory_space<vmem>>[vector<16xi32>], vector<16xf32>,
      %add3A_532 = arith.addf %gather3A_530, %gather3A_531 : vector<16xf32>
      %get3A_533 = arith.constant 1 : i32
      %get3A_534 = arith.index_cast %get3A_533 : i32 to index
      %get3A_535 = arith.constant 16 : index
      %get3A_536 = tpu.vector_load %arg13[%get3A_534, %get3A_535] {strides = array<i32>} : memref<2x80xf32, #tpu.memory_space<vmem>>, vector<16xf32>,
      %add3A_537 = arith.addf %add3A_532, %get3A_536 : vector<16xf32>
      %ge3A_538 = arith.constant 0.000000e+00 : f32
      %ge3A_539 = vector.broadcast %ge3A_538 : f32 to vector<16xf32>
      %ge3A_540 = arith.cmpf oge, %add3A_537, %ge3A_539 : vector<16xf32>
      %mul3A_541 = arith.constant 2.000000e-01 : f32
      %mul3A_542 = vector.broadcast %mul3A_541 : f32 to vector<16xf32>
      %mul3A_543 = arith.mulf %add3A_537, %mul3A_542 : vector<16xf32>
      %select_n3A_544 = arith.select %ge3A_540, %add3A_537, %mul3A_543 : vector<16xi1>, vector<16xf32>
      %add3A_545 = arith.addf %gather3A_531, %get3A_63 : vector<16xf32>
      %ge3A_546 = arith.constant 0.000000e+00 : f32
      %ge3A_547 = vector.broadcast %ge3A_546 : f32 to vector<16xf32>
      %ge3A_548 = arith.cmpf oge, %add3A_545, %ge3A_547 : vector<16xf32>
      %mul3A_549 = arith.constant 2.000000e-01 : f32
      %mul3A_550 = vector.broadcast %mul3A_549 : f32 to vector<16xf32>
      %mul3A_551 = arith.mulf %add3A_545, %mul3A_550 : vector<16xf32>
      %select_n3A_552 = arith.select %ge3A_548, %add3A_545, %mul3A_551 : vector<16xi1>, vector<16xf32>
      %sub3A_553 = arith.subf %select_n3A_544, %select_n3A_552 : vector<16xf32>
      %exp3A_554 = math.exp %sub3A_553 : vector<16xf32>
      %swap3A_555 = arith.constant 16 : index
      %swap3A_556 = tpu.vector_load %arg14[%swap3A_555] {strides = array<i32>} : memref<96xf32, #tpu.memory_space<vmem>>, vector<16xf32>,
      tpu.vector_store %arg14[%swap3A_555], %exp3A_554 {strides = array<i32>} : memref<96xf32, #tpu.memory_space<vmem>>, vector<16xf32>,
      %get3A_557 = arith.constant 1 : i32
      %get3A_558 = arith.index_cast %get3A_557 : i32 to index
      %get3A_559 = arith.constant 32 : index
      %get3A_560 = tpu.vector_load %arg11[%get3A_558, %get3A_559] {strides = array<i32>} : memref<2x80xi32, #tpu.memory_space<vmem>>, vector<16xi32>,
      %get3A_561 = arith.constant 1 : i32
      %get3A_562 = arith.index_cast %get3A_561 : i32 to index
      %get3A_563 = arith.constant 32 : index
      %get3A_564 = tpu.vector_load %arg12[%get3A_562, %get3A_563] {strides = array<i32>} : memref<2x80xi32, #tpu.memory_space<vmem>>, vector<16xi32>,
      %gather3A_565 = tpu.vector_load_idx %arg17[%get3A_560] : memref<10240xf32, #tpu.memory_space<vmem>>[vector<16xi32>], vector<16xf32>,
      %gather3A_566 = tpu.vector_load_idx %arg18[%get3A_564] : memref<10240xf32, #tpu.memory_space<vmem>>[vector<16xi32>], vector<16xf32>,
      %add3A_567 = arith.addf %gather3A_565, %gather3A_566 : vector<16xf32>
      %get3A_568 = arith.constant 1 : i32
      %get3A_569 = arith.index_cast %get3A_568 : i32 to index
      %get3A_570 = arith.constant 32 : index
      %get3A_571 = tpu.vector_load %arg13[%get3A_569, %get3A_570] {strides = array<i32>} : memref<2x80xf32, #tpu.memory_space<vmem>>, vector<16xf32>,
      %add3A_572 = arith.addf %add3A_567, %get3A_571 : vector<16xf32>
      %ge3A_573 = arith.constant 0.000000e+00 : f32
      %ge3A_574 = vector.broadcast %ge3A_573 : f32 to vector<16xf32>
      %ge3A_575 = arith.cmpf oge, %add3A_572, %ge3A_574 : vector<16xf32>
      %mul3A_576 = arith.constant 2.000000e-01 : f32
      %mul3A_577 = vector.broadcast %mul3A_576 : f32 to vector<16xf32>
      %mul3A_578 = arith.mulf %add3A_572, %mul3A_577 : vector<16xf32>
      %select_n3A_579 = arith.select %ge3A_575, %add3A_572, %mul3A_578 : vector<16xi1>, vector<16xf32>
      %add3A_580 = arith.addf %gather3A_566, %get3A_63 : vector<16xf32>
      %ge3A_581 = arith.constant 0.000000e+00 : f32
      %ge3A_582 = vector.broadcast %ge3A_581 : f32 to vector<16xf32>
      %ge3A_583 = arith.cmpf oge, %add3A_580, %ge3A_582 : vector<16xf32>
      %mul3A_584 = arith.constant 2.000000e-01 : f32
      %mul3A_585 = vector.broadcast %mul3A_584 : f32 to vector<16xf32>
      %mul3A_586 = arith.mulf %add3A_580, %mul3A_585 : vector<16xf32>
      %select_n3A_587 = arith.select %ge3A_583, %add3A_580, %mul3A_586 : vector<16xi1>, vector<16xf32>
      %sub3A_588 = arith.subf %select_n3A_579, %select_n3A_587 : vector<16xf32>
      %exp3A_589 = math.exp %sub3A_588 : vector<16xf32>
      %swap3A_590 = arith.constant 32 : index
      %swap3A_591 = tpu.vector_load %arg14[%swap3A_590] {strides = array<i32>} : memref<96xf32, #tpu.memory_space<vmem>>, vector<16xf32>,
      tpu.vector_store %arg14[%swap3A_590], %exp3A_589 {strides = array<i32>} : memref<96xf32, #tpu.memory_space<vmem>>, vector<16xf32>,
      %get3A_592 = arith.constant 1 : i32
      %get3A_593 = arith.index_cast %get3A_592 : i32 to index
      %get3A_594 = arith.constant 48 : index
      %get3A_595 = tpu.vector_load %arg11[%get3A_593, %get3A_594] {strides = array<i32>} : memref<2x80xi32, #tpu.memory_space<vmem>>, vector<16xi32>,
      %get3A_596 = arith.constant 1 : i32
      %get3A_597 = arith.index_cast %get3A_596 : i32 to index
      %get3A_598 = arith.constant 48 : index
      %get3A_599 = tpu.vector_load %arg12[%get3A_597, %get3A_598] {strides = array<i32>} : memref<2x80xi32, #tpu.memory_space<vmem>>, vector<16xi32>,
      %gather3A_600 = tpu.vector_load_idx %arg17[%get3A_595] : memref<10240xf32, #tpu.memory_space<vmem>>[vector<16xi32>], vector<16xf32>,
      %gather3A_601 = tpu.vector_load_idx %arg18[%get3A_599] : memref<10240xf32, #tpu.memory_space<vmem>>[vector<16xi32>], vector<16xf32>,
      %add3A_602 = arith.addf %gather3A_600, %gather3A_601 : vector<16xf32>
      %get3A_603 = arith.constant 1 : i32
      %get3A_604 = arith.index_cast %get3A_603 : i32 to index
      %get3A_605 = arith.constant 48 : index
      %get3A_606 = tpu.vector_load %arg13[%get3A_604, %get3A_605] {strides = array<i32>} : memref<2x80xf32, #tpu.memory_space<vmem>>, vector<16xf32>,
      %add3A_607 = arith.addf %add3A_602, %get3A_606 : vector<16xf32>
      %ge3A_608 = arith.constant 0.000000e+00 : f32
      %ge3A_609 = vector.broadcast %ge3A_608 : f32 to vector<16xf32>
      %ge3A_610 = arith.cmpf oge, %add3A_607, %ge3A_609 : vector<16xf32>
      %mul3A_611 = arith.constant 2.000000e-01 : f32
      %mul3A_612 = vector.broadcast %mul3A_611 : f32 to vector<16xf32>
      %mul3A_613 = arith.mulf %add3A_607, %mul3A_612 : vector<16xf32>
      %select_n3A_614 = arith.select %ge3A_610, %add3A_607, %mul3A_613 : vector<16xi1>, vector<16xf32>
      %add3A_615 = arith.addf %gather3A_601, %get3A_63 : vector<16xf32>
      %ge3A_616 = arith.constant 0.000000e+00 : f32
      %ge3A_617 = vector.broadcast %ge3A_616 : f32 to vector<16xf32>
      %ge3A_618 = arith.cmpf oge, %add3A_615, %ge3A_617 : vector<16xf32>
      %mul3A_619 = arith.constant 2.000000e-01 : f32
      %mul3A_620 = vector.broadcast %mul3A_619 : f32 to vector<16xf32>
      %mul3A_621 = arith.mulf %add3A_615, %mul3A_620 : vector<16xf32>
      %select_n3A_622 = arith.select %ge3A_618, %add3A_615, %mul3A_621 : vector<16xi1>, vector<16xf32>
      %sub3A_623 = arith.subf %select_n3A_614, %select_n3A_622 : vector<16xf32>
      %exp3A_624 = math.exp %sub3A_623 : vector<16xf32>
      %swap3A_625 = arith.constant 48 : index
      %swap3A_626 = tpu.vector_load %arg14[%swap3A_625] {strides = array<i32>} : memref<96xf32, #tpu.memory_space<vmem>>, vector<16xf32>,
      tpu.vector_store %arg14[%swap3A_625], %exp3A_624 {strides = array<i32>} : memref<96xf32, #tpu.memory_space<vmem>>, vector<16xf32>,
      %get3A_627 = arith.constant 1 : i32
      %get3A_628 = arith.index_cast %get3A_627 : i32 to index
      %get3A_629 = arith.constant 64 : index
      %get3A_630 = tpu.vector_load %arg11[%get3A_628, %get3A_629] {strides = array<i32>} : memref<2x80xi32, #tpu.memory_space<vmem>>, vector<16xi32>,
      %get3A_631 = arith.constant 1 : i32
      %get3A_632 = arith.index_cast %get3A_631 : i32 to index
      %get3A_633 = arith.constant 64 : index
      %get3A_634 = tpu.vector_load %arg12[%get3A_632, %get3A_633] {strides = array<i32>} : memref<2x80xi32, #tpu.memory_space<vmem>>, vector<16xi32>,
      %gather3A_635 = tpu.vector_load_idx %arg17[%get3A_630] : memref<10240xf32, #tpu.memory_space<vmem>>[vector<16xi32>], vector<16xf32>,
      %gather3A_636 = tpu.vector_load_idx %arg18[%get3A_634] : memref<10240xf32, #tpu.memory_space<vmem>>[vector<16xi32>], vector<16xf32>,
      %add3A_637 = arith.addf %gather3A_635, %gather3A_636 : vector<16xf32>
      %get3A_638 = arith.constant 1 : i32
      %get3A_639 = arith.index_cast %get3A_638 : i32 to index
      %get3A_640 = arith.constant 64 : index
      %get3A_641 = tpu.vector_load %arg13[%get3A_639, %get3A_640] {strides = array<i32>} : memref<2x80xf32, #tpu.memory_space<vmem>>, vector<16xf32>,
      %add3A_642 = arith.addf %add3A_637, %get3A_641 : vector<16xf32>
      %ge3A_643 = arith.constant 0.000000e+00 : f32
      %ge3A_644 = vector.broadcast %ge3A_643 : f32 to vector<16xf32>
      %ge3A_645 = arith.cmpf oge, %add3A_642, %ge3A_644 : vector<16xf32>
      %mul3A_646 = arith.constant 2.000000e-01 : f32
      %mul3A_647 = vector.broadcast %mul3A_646 : f32 to vector<16xf32>
      %mul3A_648 = arith.mulf %add3A_642, %mul3A_647 : vector<16xf32>
      %select_n3A_649 = arith.select %ge3A_645, %add3A_642, %mul3A_648 : vector<16xi1>, vector<16xf32>
      %add3A_650 = arith.addf %gather3A_636, %get3A_63 : vector<16xf32>
      %ge3A_651 = arith.constant 0.000000e+00 : f32
      %ge3A_652 = vector.broadcast %ge3A_651 : f32 to vector<16xf32>
      %ge3A_653 = arith.cmpf oge, %add3A_650, %ge3A_652 : vector<16xf32>
      %mul3A_654 = arith.constant 2.000000e-01 : f32
      %mul3A_655 = vector.broadcast %mul3A_654 : f32 to vector<16xf32>
      %mul3A_656 = arith.mulf %add3A_650, %mul3A_655 : vector<16xf32>
      %select_n3A_657 = arith.select %ge3A_653, %add3A_650, %mul3A_656 : vector<16xi1>, vector<16xf32>
      %sub3A_658 = arith.subf %select_n3A_649, %select_n3A_657 : vector<16xf32>
      %exp3A_659 = math.exp %sub3A_658 : vector<16xf32>
      %swap3A_660 = arith.constant 64 : index
      %swap3A_661 = tpu.vector_load %arg14[%swap3A_660] {strides = array<i32>} : memref<96xf32, #tpu.memory_space<vmem>>, vector<16xf32>,
      tpu.vector_store %arg14[%swap3A_660], %exp3A_659 {strides = array<i32>} : memref<96xf32, #tpu.memory_space<vmem>>, vector<16xf32>,
      %dma_wait3A_662 = arith.constant 1 : i32
      %dma_wait3A_663 = arith.constant 0 : i32
      %dma_wait3A_664 = tpu.memref_slice %arg11[%dma_wait3A_662, %dma_wait3A_663] : memref<2x80xi32, #tpu.memory_space<vmem>> -> memref<1x80xi32, #tpu.memory_space<vmem>>
      %dma_wait3A_665 = tpu.memref_squeeze %dma_wait3A_664 : memref<1x80xi32, #tpu.memory_space<vmem>> -> memref<80xi32, #tpu.memory_space<vmem>>
      %dma_wait3A_666 = arith.constant 0 : i32
      %dma_wait3A_667 = arith.constant 0 : i32
      %dma_wait3A_668 = tpu.memref_slice %arg8[%dma_wait3A_666, %dma_wait3A_667] : memref<10240x128xf32, #tpu.memory_space<hbm>> -> memref<10240x128xf32, #tpu.memory_space<hbm>>
      tpu.wait_indirect_dma semaphore(%arg23 : memref<!tpu.dma_semaphore, #tpu.memory_space<semaphore_mem>>) src(%dma_wait3A_668 : memref<10240x128xf32, #tpu.memory_space<hbm>>) dst(%arg16 : memref<80x128xf32, #tpu.memory_space<vmem>>)
      %parallel_loop3A_669 = arith.constant 0 : i32
      %parallel_loop3A_670 = arith.constant 80 : i32
      %parallel_loop3A_671 = arith.constant 1 : i32
      scf.for %parallel_loop3A_674 = %parallel_loop3A_669 to %parallel_loop3A_670 step %parallel_loop3A_671  : i32 {
        %parallel_loop3A_675 = arith.index_cast %parallel_loop3A_674 : i32 to index
        %parallel_loop3A_676 = tpu.vector_load %arg14[%parallel_loop3A_675] {strides = array<i32>} : memref<96xf32, #tpu.memory_space<vmem>>, vector<16xf32>,
        %parallel_loop3A_677 = vector.extract_strided_slice %parallel_loop3A_676 {offsets = [0], sizes = [1], strides = [1]} : vector<16xf32> to vector<1xf32>
        %parallel_loop3A_678 = vector.extract %parallel_loop3A_677[0] : f32 from vector<1xf32>
        %parallel_loop3A_679 = arith.index_cast %parallel_loop3A_674 : i32 to index
        %parallel_loop3A_680 = arith.constant 0 : index
        %parallel_loop3A_681 = tpu.vector_load %arg16[%parallel_loop3A_679, %parallel_loop3A_680] {strides = array<i32>} : memref<80x128xf32, #tpu.memory_space<vmem>>, vector<16xf32>,
        %parallel_loop3A_682 = vector.broadcast %parallel_loop3A_678 : f32 to vector<16xf32>
        %parallel_loop3A_683 = arith.mulf %parallel_loop3A_681, %parallel_loop3A_682 : vector<16xf32>
        %parallel_loop3A_684 = arith.index_cast %parallel_loop3A_674 : i32 to index
        %parallel_loop3A_685 = arith.constant 0 : index
        %parallel_loop3A_686 = tpu.vector_load %arg16[%parallel_loop3A_684, %parallel_loop3A_685] {strides = array<i32>} : memref<80x128xf32, #tpu.memory_space<vmem>>, vector<16xf32>,
        tpu.vector_store %arg16[%parallel_loop3A_684, %parallel_loop3A_685], %parallel_loop3A_683 {strides = array<i32>} : memref<80x128xf32, #tpu.memory_space<vmem>>, vector<16xf32>,
        %parallel_loop3A_687 = arith.index_cast %parallel_loop3A_674 : i32 to index
        %parallel_loop3A_688 = arith.constant 16 : index
        %parallel_loop3A_689 = tpu.vector_load %arg16[%parallel_loop3A_687, %parallel_loop3A_688] {strides = array<i32>} : memref<80x128xf32, #tpu.memory_space<vmem>>, vector<16xf32>,
        %parallel_loop3A_690 = vector.broadcast %parallel_loop3A_678 : f32 to vector<16xf32>
        %parallel_loop3A_691 = arith.mulf %parallel_loop3A_689, %parallel_loop3A_690 : vector<16xf32>
        %parallel_loop3A_692 = arith.index_cast %parallel_loop3A_674 : i32 to index
        %parallel_loop3A_693 = arith.constant 16 : index
        %parallel_loop3A_694 = tpu.vector_load %arg16[%parallel_loop3A_692, %parallel_loop3A_693] {strides = array<i32>} : memref<80x128xf32, #tpu.memory_space<vmem>>, vector<16xf32>,
        tpu.vector_store %arg16[%parallel_loop3A_692, %parallel_loop3A_693], %parallel_loop3A_691 {strides = array<i32>} : memref<80x128xf32, #tpu.memory_space<vmem>>, vector<16xf32>,
        %parallel_loop3A_695 = arith.index_cast %parallel_loop3A_674 : i32 to index
        %parallel_loop3A_696 = arith.constant 32 : index
        %parallel_loop3A_697 = tpu.vector_load %arg16[%parallel_loop3A_695, %parallel_loop3A_696] {strides = array<i32>} : memref<80x128xf32, #tpu.memory_space<vmem>>, vector<16xf32>,
        %parallel_loop3A_698 = vector.broadcast %parallel_loop3A_678 : f32 to vector<16xf32>
        %parallel_loop3A_699 = arith.mulf %parallel_loop3A_697, %parallel_loop3A_698 : vector<16xf32>
        %parallel_loop3A_700 = arith.index_cast %parallel_loop3A_674 : i32 to index
        %parallel_loop3A_701 = arith.constant 32 : index
        %parallel_loop3A_702 = tpu.vector_load %arg16[%parallel_loop3A_700, %parallel_loop3A_701] {strides = array<i32>} : memref<80x128xf32, #tpu.memory_space<vmem>>, vector<16xf32>,
        tpu.vector_store %arg16[%parallel_loop3A_700, %parallel_loop3A_701], %parallel_loop3A_699 {strides = array<i32>} : memref<80x128xf32, #tpu.memory_space<vmem>>, vector<16xf32>,
        %parallel_loop3A_703 = arith.index_cast %parallel_loop3A_674 : i32 to index
        %parallel_loop3A_704 = arith.constant 48 : index
        %parallel_loop3A_705 = tpu.vector_load %arg16[%parallel_loop3A_703, %parallel_loop3A_704] {strides = array<i32>} : memref<80x128xf32, #tpu.memory_space<vmem>>, vector<16xf32>,
        %parallel_loop3A_706 = vector.broadcast %parallel_loop3A_678 : f32 to vector<16xf32>
        %parallel_loop3A_707 = arith.mulf %parallel_loop3A_705, %parallel_loop3A_706 : vector<16xf32>
        %parallel_loop3A_708 = arith.index_cast %parallel_loop3A_674 : i32 to index
        %parallel_loop3A_709 = arith.constant 48 : index
        %parallel_loop3A_710 = tpu.vector_load %arg16[%parallel_loop3A_708, %parallel_loop3A_709] {strides = array<i32>} : memref<80x128xf32, #tpu.memory_space<vmem>>, vector<16xf32>,
        tpu.vector_store %arg16[%parallel_loop3A_708, %parallel_loop3A_709], %parallel_loop3A_707 {strides = array<i32>} : memref<80x128xf32, #tpu.memory_space<vmem>>, vector<16xf32>,
        %parallel_loop3A_711 = arith.index_cast %parallel_loop3A_674 : i32 to index
        %parallel_loop3A_712 = arith.constant 64 : index
        %parallel_loop3A_713 = tpu.vector_load %arg16[%parallel_loop3A_711, %parallel_loop3A_712] {strides = array<i32>} : memref<80x128xf32, #tpu.memory_space<vmem>>, vector<16xf32>,
        %parallel_loop3A_714 = vector.broadcast %parallel_loop3A_678 : f32 to vector<16xf32>
        %parallel_loop3A_715 = arith.mulf %parallel_loop3A_713, %parallel_loop3A_714 : vector<16xf32>
        %parallel_loop3A_716 = arith.index_cast %parallel_loop3A_674 : i32 to index
        %parallel_loop3A_717 = arith.constant 64 : index
        %parallel_loop3A_718 = tpu.vector_load %arg16[%parallel_loop3A_716, %parallel_loop3A_717] {strides = array<i32>} : memref<80x128xf32, #tpu.memory_space<vmem>>, vector<16xf32>,
        tpu.vector_store %arg16[%parallel_loop3A_716, %parallel_loop3A_717], %parallel_loop3A_715 {strides = array<i32>} : memref<80x128xf32, #tpu.memory_space<vmem>>, vector<16xf32>,
        %parallel_loop3A_719 = arith.index_cast %parallel_loop3A_674 : i32 to index
        %parallel_loop3A_720 = arith.constant 80 : index
        %parallel_loop3A_721 = tpu.vector_load %arg16[%parallel_loop3A_719, %parallel_loop3A_720] {strides = array<i32>} : memref<80x128xf32, #tpu.memory_space<vmem>>, vector<16xf32>,
        %parallel_loop3A_722 = vector.broadcast %parallel_loop3A_678 : f32 to vector<16xf32>
        %parallel_loop3A_723 = arith.mulf %parallel_loop3A_721, %parallel_loop3A_722 : vector<16xf32>
        %parallel_loop3A_724 = arith.index_cast %parallel_loop3A_674 : i32 to index
        %parallel_loop3A_725 = arith.constant 80 : index
        %parallel_loop3A_726 = tpu.vector_load %arg16[%parallel_loop3A_724, %parallel_loop3A_725] {strides = array<i32>} : memref<80x128xf32, #tpu.memory_space<vmem>>, vector<16xf32>,
        tpu.vector_store %arg16[%parallel_loop3A_724, %parallel_loop3A_725], %parallel_loop3A_723 {strides = array<i32>} : memref<80x128xf32, #tpu.memory_space<vmem>>, vector<16xf32>,
        %parallel_loop3A_727 = arith.index_cast %parallel_loop3A_674 : i32 to index
        %parallel_loop3A_728 = arith.constant 96 : index
        %parallel_loop3A_729 = tpu.vector_load %arg16[%parallel_loop3A_727, %parallel_loop3A_728] {strides = array<i32>} : memref<80x128xf32, #tpu.memory_space<vmem>>, vector<16xf32>,
        %parallel_loop3A_730 = vector.broadcast %parallel_loop3A_678 : f32 to vector<16xf32>
        %parallel_loop3A_731 = arith.mulf %parallel_loop3A_729, %parallel_loop3A_730 : vector<16xf32>
        %parallel_loop3A_732 = arith.index_cast %parallel_loop3A_674 : i32 to index
        %parallel_loop3A_733 = arith.constant 96 : index
        %parallel_loop3A_734 = tpu.vector_load %arg16[%parallel_loop3A_732, %parallel_loop3A_733] {strides = array<i32>} : memref<80x128xf32, #tpu.memory_space<vmem>>, vector<16xf32>,
        tpu.vector_store %arg16[%parallel_loop3A_732, %parallel_loop3A_733], %parallel_loop3A_731 {strides = array<i32>} : memref<80x128xf32, #tpu.memory_space<vmem>>, vector<16xf32>,
        %parallel_loop3A_735 = arith.index_cast %parallel_loop3A_674 : i32 to index
        %parallel_loop3A_736 = arith.constant 112 : index
        %parallel_loop3A_737 = tpu.vector_load %arg16[%parallel_loop3A_735, %parallel_loop3A_736] {strides = array<i32>} : memref<80x128xf32, #tpu.memory_space<vmem>>, vector<16xf32>,
        %parallel_loop3A_738 = vector.broadcast %parallel_loop3A_678 : f32 to vector<16xf32>
        %parallel_loop3A_739 = arith.mulf %parallel_loop3A_737, %parallel_loop3A_738 : vector<16xf32>
        %parallel_loop3A_740 = arith.index_cast %parallel_loop3A_674 : i32 to index
        %parallel_loop3A_741 = arith.constant 112 : index
        %parallel_loop3A_742 = tpu.vector_load %arg16[%parallel_loop3A_740, %parallel_loop3A_741] {strides = array<i32>} : memref<80x128xf32, #tpu.memory_space<vmem>>, vector<16xf32>,
        tpu.vector_store %arg16[%parallel_loop3A_740, %parallel_loop3A_741], %parallel_loop3A_739 {strides = array<i32>} : memref<80x128xf32, #tpu.memory_space<vmem>>, vector<16xf32>,
      } {sc.loop_unroll_factor = 8 : i64, sc.parallel_access}
      %run_scoped3A_672 = arith.constant 1 : i32
      "tpu.region"() ({
        %run_scoped3A_674 = tpu.sem_alloc : memref<!tpu.dma_semaphore, #tpu.memory_space<semaphore_mem>>
        %dma_start3A_675 = arith.constant 0 : i32
        %dma_start3A_676 = tpu.memref_slice %arg14[%dma_start3A_675] : memref<96xf32, #tpu.memory_space<vmem>> -> memref<80xf32, #tpu.memory_space<vmem>>
        %dma_start3A_677 = arith.constant 0 : i32
        %dma_start3A_678 = tpu.memref_slice %arg12[%run_scoped3A_672, %dma_start3A_677] : memref<2x80xi32, #tpu.memory_space<vmem>> -> memref<1x80xi32, #tpu.memory_space<vmem>>
        %dma_start3A_679 = tpu.memref_squeeze %dma_start3A_678 : memref<1x80xi32, #tpu.memory_space<vmem>> -> memref<80xi32, #tpu.memory_space<vmem>>
        %dma_start3A_680 = arith.constant 0 : i32
        %dma_start3A_681 = tpu.memref_slice %arg21[%dma_start3A_680] : memref<10240xf32, #tpu.memory_space<vmem_shared>> -> memref<10240xf32, #tpu.memory_space<vmem_shared>>
        tpu.enqueue_indirect_dma source(%dma_start3A_676 : memref<80xf32, #tpu.memory_space<vmem>>) target(%dma_start3A_681 : memref<10240xf32, #tpu.memory_space<vmem_shared>>) offsets(%dma_start3A_679 : memref<80xi32, #tpu.memory_space<vmem>>) semaphore(%run_scoped3A_674 : memref<!tpu.dma_semaphore, #tpu.memory_space<semaphore_mem>>) {add = true}
        %dma_wait3A_682 = arith.constant 0 : i32
        %dma_wait3A_683 = tpu.memref_slice %arg14[%dma_wait3A_682] : memref<96xf32, #tpu.memory_space<vmem>> -> memref<80xf32, #tpu.memory_space<vmem>>
        %dma_wait3A_684 = arith.constant 0 : i32
        %dma_wait3A_685 = tpu.memref_slice %arg12[%run_scoped3A_672, %dma_wait3A_684] : memref<2x80xi32, #tpu.memory_space<vmem>> -> memref<1x80xi32, #tpu.memory_space<vmem>>
        %dma_wait3A_686 = tpu.memref_squeeze %dma_wait3A_685 : memref<1x80xi32, #tpu.memory_space<vmem>> -> memref<80xi32, #tpu.memory_space<vmem>>
        %dma_wait3A_687 = arith.constant 0 : i32
        %dma_wait3A_688 = tpu.memref_slice %arg21[%dma_wait3A_687] : memref<10240xf32, #tpu.memory_space<vmem_shared>> -> memref<10240xf32, #tpu.memory_space<vmem_shared>>
        tpu.wait_indirect_dma semaphore(%run_scoped3A_674 : memref<!tpu.dma_semaphore, #tpu.memory_space<semaphore_mem>>) src(%dma_wait3A_683 : memref<80xf32, #tpu.memory_space<vmem>>) dst(%dma_wait3A_688 : memref<10240xf32, #tpu.memory_space<vmem_shared>>)
        tpu.yield
      }) : () -> ()
      %run_scoped3A_673 = arith.constant 1 : i32
      "tpu.region"() ({
        %run_scoped3A_674 = tpu.sem_alloc : memref<!tpu.dma_semaphore, #tpu.memory_space<semaphore_mem>>
        %dma_start3A_675 = arith.constant 0 : i32
        %dma_start3A_676 = tpu.memref_slice %arg12[%run_scoped3A_673, %dma_start3A_675] : memref<2x80xi32, #tpu.memory_space<vmem>> -> memref<1x80xi32, #tpu.memory_space<vmem>>
        %dma_start3A_677 = tpu.memref_squeeze %dma_start3A_676 : memref<1x80xi32, #tpu.memory_space<vmem>> -> memref<80xi32, #tpu.memory_space<vmem>>
        %dma_start3A_678 = arith.constant 0 : i32
        %dma_start3A_679 = arith.constant 0 : i32
        %dma_start3A_680 = tpu.memref_slice %arg20[%dma_start3A_678, %dma_start3A_679] : memref<10240x128xf32, #tpu.memory_space<vmem_shared>> -> memref<10240x128xf32, #tpu.memory_space<vmem_shared>>
        tpu.enqueue_indirect_dma source(%arg16 : memref<80x128xf32, #tpu.memory_space<vmem>>) target(%dma_start3A_680 : memref<10240x128xf32, #tpu.memory_space<vmem_shared>>) offsets(%dma_start3A_677 : memref<80xi32, #tpu.memory_space<vmem>>) semaphore(%run_scoped3A_674 : memref<!tpu.dma_semaphore, #tpu.memory_space<semaphore_mem>>) {add = true}
        %dma_wait3A_681 = arith.constant 0 : i32
        %dma_wait3A_682 = tpu.memref_slice %arg12[%run_scoped3A_673, %dma_wait3A_681] : memref<2x80xi32, #tpu.memory_space<vmem>> -> memref<1x80xi32, #tpu.memory_space<vmem>>
        %dma_wait3A_683 = tpu.memref_squeeze %dma_wait3A_682 : memref<1x80xi32, #tpu.memory_space<vmem>> -> memref<80xi32, #tpu.memory_space<vmem>>
        %dma_wait3A_684 = arith.constant 0 : i32
        %dma_wait3A_685 = arith.constant 0 : i32
        %dma_wait3A_686 = tpu.memref_slice %arg20[%dma_wait3A_684, %dma_wait3A_685] : memref<10240x128xf32, #tpu.memory_space<vmem_shared>> -> memref<10240x128xf32, #tpu.memory_space<vmem_shared>>
        tpu.wait_indirect_dma semaphore(%run_scoped3A_674 : memref<!tpu.dma_semaphore, #tpu.memory_space<semaphore_mem>>) src(%arg16 : memref<80x128xf32, #tpu.memory_space<vmem>>) dst(%dma_wait3A_686 : memref<10240x128xf32, #tpu.memory_space<vmem_shared>>)
        tpu.yield
      }) : () -> ()
    }
    %scan3A_77 = arith.constant 62 : i32
    %get3A_78 = arith.constant 0 : i32
    %get3A_79 = arith.index_cast %get3A_78 : i32 to index
    %get3A_80 = arith.constant 0 : index
    %get3A_81 = tpu.vector_load %arg11[%get3A_79, %get3A_80] {strides = array<i32>} : memref<2x80xi32, #tpu.memory_space<vmem>>, vector<16xi32>,
    %get3A_82 = arith.constant 0 : i32
    %get3A_83 = arith.index_cast %get3A_82 : i32 to index
    %get3A_84 = arith.constant 0 : index
    %get3A_85 = tpu.vector_load %arg12[%get3A_83, %get3A_84] {strides = array<i32>} : memref<2x80xi32, #tpu.memory_space<vmem>>, vector<16xi32>,
    %gather3A = tpu.vector_load_idx %arg17[%get3A_81] : memref<10240xf32, #tpu.memory_space<vmem>>[vector<16xi32>], vector<16xf32>,
    %gather3A_86 = tpu.vector_load_idx %arg18[%get3A_85] : memref<10240xf32, #tpu.memory_space<vmem>>[vector<16xi32>], vector<16xf32>,
    %add3A_87 = arith.addf %gather3A, %gather3A_86 : vector<16xf32>
    %get3A_88 = arith.constant 0 : i32
    %get3A_89 = arith.index_cast %get3A_88 : i32 to index
    %get3A_90 = arith.constant 0 : index
    %get3A_91 = tpu.vector_load %arg13[%get3A_89, %get3A_90] {strides = array<i32>} : memref<2x80xf32, #tpu.memory_space<vmem>>, vector<16xf32>,
    %add3A_92 = arith.addf %add3A_87, %get3A_91 : vector<16xf32>
    %ge3A = arith.constant 0.000000e+00 : f32
    %ge3A_93 = vector.broadcast %ge3A : f32 to vector<16xf32>
    %ge3A_94 = arith.cmpf oge, %add3A_92, %ge3A_93 : vector<16xf32>
    %mul3A_95 = arith.constant 2.000000e-01 : f32
    %mul3A_96 = vector.broadcast %mul3A_95 : f32 to vector<16xf32>
    %mul3A_97 = arith.mulf %add3A_92, %mul3A_96 : vector<16xf32>
    %select_n3A = arith.select %ge3A_94, %add3A_92, %mul3A_97 : vector<16xi1>, vector<16xf32>
    %add3A_98 = arith.addf %gather3A_86, %get3A_63 : vector<16xf32>
    %ge3A_99 = arith.constant 0.000000e+00 : f32
    %ge3A_100 = vector.broadcast %ge3A_99 : f32 to vector<16xf32>
    %ge3A_101 = arith.cmpf oge, %add3A_98, %ge3A_100 : vector<16xf32>
    %mul3A_102 = arith.constant 2.000000e-01 : f32
    %mul3A_103 = vector.broadcast %mul3A_102 : f32 to vector<16xf32>
    %mul3A_104 = arith.mulf %add3A_98, %mul3A_103 : vector<16xf32>
    %select_n3A_105 = arith.select %ge3A_101, %add3A_98, %mul3A_104 : vector<16xi1>, vector<16xf32>
    %sub3A = arith.subf %select_n3A, %select_n3A_105 : vector<16xf32>
    %exp3A = math.exp %sub3A : vector<16xf32>
    %swap3A = arith.constant 0 : index
    %swap3A_106 = tpu.vector_load %arg14[%swap3A] {strides = array<i32>} : memref<96xf32, #tpu.memory_space<vmem>>, vector<16xf32>,
    tpu.vector_store %arg14[%swap3A], %exp3A {strides = array<i32>} : memref<96xf32, #tpu.memory_space<vmem>>, vector<16xf32>,
    %get3A_107 = arith.constant 0 : i32
    %get3A_108 = arith.index_cast %get3A_107 : i32 to index
    %get3A_109 = arith.constant 16 : index
    %get3A_110 = tpu.vector_load %arg11[%get3A_108, %get3A_109] {strides = array<i32>} : memref<2x80xi32, #tpu.memory_space<vmem>>, vector<16xi32>,
    %get3A_111 = arith.constant 0 : i32
    %get3A_112 = arith.index_cast %get3A_111 : i32 to index
    %get3A_113 = arith.constant 16 : index
    %get3A_114 = tpu.vector_load %arg12[%get3A_112, %get3A_113] {strides = array<i32>} : memref<2x80xi32, #tpu.memory_space<vmem>>, vector<16xi32>,
    %gather3A_115 = tpu.vector_load_idx %arg17[%get3A_110] : memref<10240xf32, #tpu.memory_space<vmem>>[vector<16xi32>], vector<16xf32>,
    %gather3A_116 = tpu.vector_load_idx %arg18[%get3A_114] : memref<10240xf32, #tpu.memory_space<vmem>>[vector<16xi32>], vector<16xf32>,
    %add3A_117 = arith.addf %gather3A_115, %gather3A_116 : vector<16xf32>
    %get3A_118 = arith.constant 0 : i32
    %get3A_119 = arith.index_cast %get3A_118 : i32 to index
    %get3A_120 = arith.constant 16 : index
    %get3A_121 = tpu.vector_load %arg13[%get3A_119, %get3A_120] {strides = array<i32>} : memref<2x80xf32, #tpu.memory_space<vmem>>, vector<16xf32>,
    %add3A_122 = arith.addf %add3A_117, %get3A_121 : vector<16xf32>
    %ge3A_123 = arith.constant 0.000000e+00 : f32
    %ge3A_124 = vector.broadcast %ge3A_123 : f32 to vector<16xf32>
    %ge3A_125 = arith.cmpf oge, %add3A_122, %ge3A_124 : vector<16xf32>
    %mul3A_126 = arith.constant 2.000000e-01 : f32
    %mul3A_127 = vector.broadcast %mul3A_126 : f32 to vector<16xf32>
    %mul3A_128 = arith.mulf %add3A_122, %mul3A_127 : vector<16xf32>
    %select_n3A_129 = arith.select %ge3A_125, %add3A_122, %mul3A_128 : vector<16xi1>, vector<16xf32>
    %add3A_130 = arith.addf %gather3A_116, %get3A_63 : vector<16xf32>
    %ge3A_131 = arith.constant 0.000000e+00 : f32
    %ge3A_132 = vector.broadcast %ge3A_131 : f32 to vector<16xf32>
    %ge3A_133 = arith.cmpf oge, %add3A_130, %ge3A_132 : vector<16xf32>
    %mul3A_134 = arith.constant 2.000000e-01 : f32
    %mul3A_135 = vector.broadcast %mul3A_134 : f32 to vector<16xf32>
    %mul3A_136 = arith.mulf %add3A_130, %mul3A_135 : vector<16xf32>
    %select_n3A_137 = arith.select %ge3A_133, %add3A_130, %mul3A_136 : vector<16xi1>, vector<16xf32>
    %sub3A_138 = arith.subf %select_n3A_129, %select_n3A_137 : vector<16xf32>
    %exp3A_139 = math.exp %sub3A_138 : vector<16xf32>
    %swap3A_140 = arith.constant 16 : index
    %swap3A_141 = tpu.vector_load %arg14[%swap3A_140] {strides = array<i32>} : memref<96xf32, #tpu.memory_space<vmem>>, vector<16xf32>,
    tpu.vector_store %arg14[%swap3A_140], %exp3A_139 {strides = array<i32>} : memref<96xf32, #tpu.memory_space<vmem>>, vector<16xf32>,
    %get3A_142 = arith.constant 0 : i32
    %get3A_143 = arith.index_cast %get3A_142 : i32 to index
    %get3A_144 = arith.constant 32 : index
    %get3A_145 = tpu.vector_load %arg11[%get3A_143, %get3A_144] {strides = array<i32>} : memref<2x80xi32, #tpu.memory_space<vmem>>, vector<16xi32>,
    %get3A_146 = arith.constant 0 : i32
    %get3A_147 = arith.index_cast %get3A_146 : i32 to index
    %get3A_148 = arith.constant 32 : index
    %get3A_149 = tpu.vector_load %arg12[%get3A_147, %get3A_148] {strides = array<i32>} : memref<2x80xi32, #tpu.memory_space<vmem>>, vector<16xi32>,
    %gather3A_150 = tpu.vector_load_idx %arg17[%get3A_145] : memref<10240xf32, #tpu.memory_space<vmem>>[vector<16xi32>], vector<16xf32>,
    %gather3A_151 = tpu.vector_load_idx %arg18[%get3A_149] : memref<10240xf32, #tpu.memory_space<vmem>>[vector<16xi32>], vector<16xf32>,
    %add3A_152 = arith.addf %gather3A_150, %gather3A_151 : vector<16xf32>
    %get3A_153 = arith.constant 0 : i32
    %get3A_154 = arith.index_cast %get3A_153 : i32 to index
    %get3A_155 = arith.constant 32 : index
    %get3A_156 = tpu.vector_load %arg13[%get3A_154, %get3A_155] {strides = array<i32>} : memref<2x80xf32, #tpu.memory_space<vmem>>, vector<16xf32>,
    %add3A_157 = arith.addf %add3A_152, %get3A_156 : vector<16xf32>
    %ge3A_158 = arith.constant 0.000000e+00 : f32
    %ge3A_159 = vector.broadcast %ge3A_158 : f32 to vector<16xf32>
    %ge3A_160 = arith.cmpf oge, %add3A_157, %ge3A_159 : vector<16xf32>
    %mul3A_161 = arith.constant 2.000000e-01 : f32
    %mul3A_162 = vector.broadcast %mul3A_161 : f32 to vector<16xf32>
    %mul3A_163 = arith.mulf %add3A_157, %mul3A_162 : vector<16xf32>
    %select_n3A_164 = arith.select %ge3A_160, %add3A_157, %mul3A_163 : vector<16xi1>, vector<16xf32>
    %add3A_165 = arith.addf %gather3A_151, %get3A_63 : vector<16xf32>
    %ge3A_166 = arith.constant 0.000000e+00 : f32
    %ge3A_167 = vector.broadcast %ge3A_166 : f32 to vector<16xf32>
    %ge3A_168 = arith.cmpf oge, %add3A_165, %ge3A_167 : vector<16xf32>
    %mul3A_169 = arith.constant 2.000000e-01 : f32
    %mul3A_170 = vector.broadcast %mul3A_169 : f32 to vector<16xf32>
    %mul3A_171 = arith.mulf %add3A_165, %mul3A_170 : vector<16xf32>
    %select_n3A_172 = arith.select %ge3A_168, %add3A_165, %mul3A_171 : vector<16xi1>, vector<16xf32>
    %sub3A_173 = arith.subf %select_n3A_164, %select_n3A_172 : vector<16xf32>
    %exp3A_174 = math.exp %sub3A_173 : vector<16xf32>
    %swap3A_175 = arith.constant 32 : index
    %swap3A_176 = tpu.vector_load %arg14[%swap3A_175] {strides = array<i32>} : memref<96xf32, #tpu.memory_space<vmem>>, vector<16xf32>,
    tpu.vector_store %arg14[%swap3A_175], %exp3A_174 {strides = array<i32>} : memref<96xf32, #tpu.memory_space<vmem>>, vector<16xf32>,
    %get3A_177 = arith.constant 0 : i32
    %get3A_178 = arith.index_cast %get3A_177 : i32 to index
    %get3A_179 = arith.constant 48 : index
    %get3A_180 = tpu.vector_load %arg11[%get3A_178, %get3A_179] {strides = array<i32>} : memref<2x80xi32, #tpu.memory_space<vmem>>, vector<16xi32>,
    %get3A_181 = arith.constant 0 : i32
    %get3A_182 = arith.index_cast %get3A_181 : i32 to index
    %get3A_183 = arith.constant 48 : index
    %get3A_184 = tpu.vector_load %arg12[%get3A_182, %get3A_183] {strides = array<i32>} : memref<2x80xi32, #tpu.memory_space<vmem>>, vector<16xi32>,
    %gather3A_185 = tpu.vector_load_idx %arg17[%get3A_180] : memref<10240xf32, #tpu.memory_space<vmem>>[vector<16xi32>], vector<16xf32>,
    %gather3A_186 = tpu.vector_load_idx %arg18[%get3A_184] : memref<10240xf32, #tpu.memory_space<vmem>>[vector<16xi32>], vector<16xf32>,
    %add3A_187 = arith.addf %gather3A_185, %gather3A_186 : vector<16xf32>
    %get3A_188 = arith.constant 0 : i32
    %get3A_189 = arith.index_cast %get3A_188 : i32 to index
    %get3A_190 = arith.constant 48 : index
    %get3A_191 = tpu.vector_load %arg13[%get3A_189, %get3A_190] {strides = array<i32>} : memref<2x80xf32, #tpu.memory_space<vmem>>, vector<16xf32>,
    %add3A_192 = arith.addf %add3A_187, %get3A_191 : vector<16xf32>
    %ge3A_193 = arith.constant 0.000000e+00 : f32
    %ge3A_194 = vector.broadcast %ge3A_193 : f32 to vector<16xf32>
    %ge3A_195 = arith.cmpf oge, %add3A_192, %ge3A_194 : vector<16xf32>
    %mul3A_196 = arith.constant 2.000000e-01 : f32
    %mul3A_197 = vector.broadcast %mul3A_196 : f32 to vector<16xf32>
    %mul3A_198 = arith.mulf %add3A_192, %mul3A_197 : vector<16xf32>
    %select_n3A_199 = arith.select %ge3A_195, %add3A_192, %mul3A_198 : vector<16xi1>, vector<16xf32>
    %add3A_200 = arith.addf %gather3A_186, %get3A_63 : vector<16xf32>
    %ge3A_201 = arith.constant 0.000000e+00 : f32
    %ge3A_202 = vector.broadcast %ge3A_201 : f32 to vector<16xf32>
    %ge3A_203 = arith.cmpf oge, %add3A_200, %ge3A_202 : vector<16xf32>
    %mul3A_204 = arith.constant 2.000000e-01 : f32
    %mul3A_205 = vector.broadcast %mul3A_204 : f32 to vector<16xf32>
    %mul3A_206 = arith.mulf %add3A_200, %mul3A_205 : vector<16xf32>
    %select_n3A_207 = arith.select %ge3A_203, %add3A_200, %mul3A_206 : vector<16xi1>, vector<16xf32>
    %sub3A_208 = arith.subf %select_n3A_199, %select_n3A_207 : vector<16xf32>
    %exp3A_209 = math.exp %sub3A_208 : vector<16xf32>
    %swap3A_210 = arith.constant 48 : index
    %swap3A_211 = tpu.vector_load %arg14[%swap3A_210] {strides = array<i32>} : memref<96xf32, #tpu.memory_space<vmem>>, vector<16xf32>,
    tpu.vector_store %arg14[%swap3A_210], %exp3A_209 {strides = array<i32>} : memref<96xf32, #tpu.memory_space<vmem>>, vector<16xf32>,
    %get3A_212 = arith.constant 0 : i32
    %get3A_213 = arith.index_cast %get3A_212 : i32 to index
    %get3A_214 = arith.constant 64 : index
    %get3A_215 = tpu.vector_load %arg11[%get3A_213, %get3A_214] {strides = array<i32>} : memref<2x80xi32, #tpu.memory_space<vmem>>, vector<16xi32>,
    %get3A_216 = arith.constant 0 : i32
    %get3A_217 = arith.index_cast %get3A_216 : i32 to index
    %get3A_218 = arith.constant 64 : index
    %get3A_219 = tpu.vector_load %arg12[%get3A_217, %get3A_218] {strides = array<i32>} : memref<2x80xi32, #tpu.memory_space<vmem>>, vector<16xi32>,
    %gather3A_220 = tpu.vector_load_idx %arg17[%get3A_215] : memref<10240xf32, #tpu.memory_space<vmem>>[vector<16xi32>], vector<16xf32>,
    %gather3A_221 = tpu.vector_load_idx %arg18[%get3A_219] : memref<10240xf32, #tpu.memory_space<vmem>>[vector<16xi32>], vector<16xf32>,
    %add3A_222 = arith.addf %gather3A_220, %gather3A_221 : vector<16xf32>
    %get3A_223 = arith.constant 0 : i32
    %get3A_224 = arith.index_cast %get3A_223 : i32 to index
    %get3A_225 = arith.constant 64 : index
    %get3A_226 = tpu.vector_load %arg13[%get3A_224, %get3A_225] {strides = array<i32>} : memref<2x80xf32, #tpu.memory_space<vmem>>, vector<16xf32>,
    %add3A_227 = arith.addf %add3A_222, %get3A_226 : vector<16xf32>
    %ge3A_228 = arith.constant 0.000000e+00 : f32
    %ge3A_229 = vector.broadcast %ge3A_228 : f32 to vector<16xf32>
    %ge3A_230 = arith.cmpf oge, %add3A_227, %ge3A_229 : vector<16xf32>
    %mul3A_231 = arith.constant 2.000000e-01 : f32
    %mul3A_232 = vector.broadcast %mul3A_231 : f32 to vector<16xf32>
    %mul3A_233 = arith.mulf %add3A_227, %mul3A_232 : vector<16xf32>
    %select_n3A_234 = arith.select %ge3A_230, %add3A_227, %mul3A_233 : vector<16xi1>, vector<16xf32>
    %add3A_235 = arith.addf %gather3A_221, %get3A_63 : vector<16xf32>
    %ge3A_236 = arith.constant 0.000000e+00 : f32
    %ge3A_237 = vector.broadcast %ge3A_236 : f32 to vector<16xf32>
    %ge3A_238 = arith.cmpf oge, %add3A_235, %ge3A_237 : vector<16xf32>
    %mul3A_239 = arith.constant 2.000000e-01 : f32
    %mul3A_240 = vector.broadcast %mul3A_239 : f32 to vector<16xf32>
    %mul3A_241 = arith.mulf %add3A_235, %mul3A_240 : vector<16xf32>
    %select_n3A_242 = arith.select %ge3A_238, %add3A_235, %mul3A_241 : vector<16xi1>, vector<16xf32>
    %sub3A_243 = arith.subf %select_n3A_234, %select_n3A_242 : vector<16xf32>
    %exp3A_244 = math.exp %sub3A_243 : vector<16xf32>
    %swap3A_245 = arith.constant 64 : index
    %swap3A_246 = tpu.vector_load %arg14[%swap3A_245] {strides = array<i32>} : memref<96xf32, #tpu.memory_space<vmem>>, vector<16xf32>,
    tpu.vector_store %arg14[%swap3A_245], %exp3A_244 {strides = array<i32>} : memref<96xf32, #tpu.memory_space<vmem>>, vector<16xf32>,
    %dma_wait3A = arith.constant 0 : i32
    %dma_wait3A_247 = arith.constant 0 : i32
    %dma_wait3A_248 = tpu.memref_slice %arg11[%dma_wait3A, %dma_wait3A_247] : memref<2x80xi32, #tpu.memory_space<vmem>> -> memref<1x80xi32, #tpu.memory_space<vmem>>
    %dma_wait3A_249 = tpu.memref_squeeze %dma_wait3A_248 : memref<1x80xi32, #tpu.memory_space<vmem>> -> memref<80xi32, #tpu.memory_space<vmem>>
    %dma_wait3A_250 = arith.constant 0 : i32
    %dma_wait3A_251 = arith.constant 0 : i32
    %dma_wait3A_252 = tpu.memref_slice %arg8[%dma_wait3A_250, %dma_wait3A_251] : memref<10240x128xf32, #tpu.memory_space<hbm>> -> memref<10240x128xf32, #tpu.memory_space<hbm>>
    tpu.wait_indirect_dma semaphore(%arg22 : memref<!tpu.dma_semaphore, #tpu.memory_space<semaphore_mem>>) src(%dma_wait3A_252 : memref<10240x128xf32, #tpu.memory_space<hbm>>) dst(%arg15 : memref<80x128xf32, #tpu.memory_space<vmem>>)
    %parallel_loop3A_253 = arith.constant 0 : i32
    %parallel_loop3A_254 = arith.constant 80 : i32
    %parallel_loop3A_255 = arith.constant 1 : i32
    scf.for %parallel_loop3A_267 = %parallel_loop3A_253 to %parallel_loop3A_254 step %parallel_loop3A_255  : i32 {
      %parallel_loop3A_268 = arith.index_cast %parallel_loop3A_267 : i32 to index
      %parallel_loop3A_269 = tpu.vector_load %arg14[%parallel_loop3A_268] {strides = array<i32>} : memref<96xf32, #tpu.memory_space<vmem>>, vector<16xf32>,
      %parallel_loop3A_270 = vector.extract_strided_slice %parallel_loop3A_269 {offsets = [0], sizes = [1], strides = [1]} : vector<16xf32> to vector<1xf32>
      %parallel_loop3A_271 = vector.extract %parallel_loop3A_270[0] : f32 from vector<1xf32>
      %parallel_loop3A_272 = arith.index_cast %parallel_loop3A_267 : i32 to index
      %parallel_loop3A_273 = arith.constant 0 : index
      %parallel_loop3A_274 = tpu.vector_load %arg15[%parallel_loop3A_272, %parallel_loop3A_273] {strides = array<i32>} : memref<80x128xf32, #tpu.memory_space<vmem>>, vector<16xf32>,
      %parallel_loop3A_275 = vector.broadcast %parallel_loop3A_271 : f32 to vector<16xf32>
      %parallel_loop3A_276 = arith.mulf %parallel_loop3A_274, %parallel_loop3A_275 : vector<16xf32>
      %parallel_loop3A_277 = arith.index_cast %parallel_loop3A_267 : i32 to index
      %parallel_loop3A_278 = arith.constant 0 : index
      %parallel_loop3A_279 = tpu.vector_load %arg15[%parallel_loop3A_277, %parallel_loop3A_278] {strides = array<i32>} : memref<80x128xf32, #tpu.memory_space<vmem>>, vector<16xf32>,
      tpu.vector_store %arg15[%parallel_loop3A_277, %parallel_loop3A_278], %parallel_loop3A_276 {strides = array<i32>} : memref<80x128xf32, #tpu.memory_space<vmem>>, vector<16xf32>,
      %parallel_loop3A_280 = arith.index_cast %parallel_loop3A_267 : i32 to index
      %parallel_loop3A_281 = arith.constant 16 : index
      %parallel_loop3A_282 = tpu.vector_load %arg15[%parallel_loop3A_280, %parallel_loop3A_281] {strides = array<i32>} : memref<80x128xf32, #tpu.memory_space<vmem>>, vector<16xf32>,
      %parallel_loop3A_283 = vector.broadcast %parallel_loop3A_271 : f32 to vector<16xf32>
      %parallel_loop3A_284 = arith.mulf %parallel_loop3A_282, %parallel_loop3A_283 : vector<16xf32>
      %parallel_loop3A_285 = arith.index_cast %parallel_loop3A_267 : i32 to index
      %parallel_loop3A_286 = arith.constant 16 : index
      %parallel_loop3A_287 = tpu.vector_load %arg15[%parallel_loop3A_285, %parallel_loop3A_286] {strides = array<i32>} : memref<80x128xf32, #tpu.memory_space<vmem>>, vector<16xf32>,
      tpu.vector_store %arg15[%parallel_loop3A_285, %parallel_loop3A_286], %parallel_loop3A_284 {strides = array<i32>} : memref<80x128xf32, #tpu.memory_space<vmem>>, vector<16xf32>,
      %parallel_loop3A_288 = arith.index_cast %parallel_loop3A_267 : i32 to index
      %parallel_loop3A_289 = arith.constant 32 : index
      %parallel_loop3A_290 = tpu.vector_load %arg15[%parallel_loop3A_288, %parallel_loop3A_289] {strides = array<i32>} : memref<80x128xf32, #tpu.memory_space<vmem>>, vector<16xf32>,
      %parallel_loop3A_291 = vector.broadcast %parallel_loop3A_271 : f32 to vector<16xf32>
      %parallel_loop3A_292 = arith.mulf %parallel_loop3A_290, %parallel_loop3A_291 : vector<16xf32>
      %parallel_loop3A_293 = arith.index_cast %parallel_loop3A_267 : i32 to index
      %parallel_loop3A_294 = arith.constant 32 : index
      %parallel_loop3A_295 = tpu.vector_load %arg15[%parallel_loop3A_293, %parallel_loop3A_294] {strides = array<i32>} : memref<80x128xf32, #tpu.memory_space<vmem>>, vector<16xf32>,
      tpu.vector_store %arg15[%parallel_loop3A_293, %parallel_loop3A_294], %parallel_loop3A_292 {strides = array<i32>} : memref<80x128xf32, #tpu.memory_space<vmem>>, vector<16xf32>,
      %parallel_loop3A_296 = arith.index_cast %parallel_loop3A_267 : i32 to index
      %parallel_loop3A_297 = arith.constant 48 : index
      %parallel_loop3A_298 = tpu.vector_load %arg15[%parallel_loop3A_296, %parallel_loop3A_297] {strides = array<i32>} : memref<80x128xf32, #tpu.memory_space<vmem>>, vector<16xf32>,
      %parallel_loop3A_299 = vector.broadcast %parallel_loop3A_271 : f32 to vector<16xf32>
      %parallel_loop3A_300 = arith.mulf %parallel_loop3A_298, %parallel_loop3A_299 : vector<16xf32>
      %parallel_loop3A_301 = arith.index_cast %parallel_loop3A_267 : i32 to index
      %parallel_loop3A_302 = arith.constant 48 : index
      %parallel_loop3A_303 = tpu.vector_load %arg15[%parallel_loop3A_301, %parallel_loop3A_302] {strides = array<i32>} : memref<80x128xf32, #tpu.memory_space<vmem>>, vector<16xf32>,
      tpu.vector_store %arg15[%parallel_loop3A_301, %parallel_loop3A_302], %parallel_loop3A_300 {strides = array<i32>} : memref<80x128xf32, #tpu.memory_space<vmem>>, vector<16xf32>,
      %parallel_loop3A_304 = arith.index_cast %parallel_loop3A_267 : i32 to index
      %parallel_loop3A_305 = arith.constant 64 : index
      %parallel_loop3A_306 = tpu.vector_load %arg15[%parallel_loop3A_304, %parallel_loop3A_305] {strides = array<i32>} : memref<80x128xf32, #tpu.memory_space<vmem>>, vector<16xf32>,
      %parallel_loop3A_307 = vector.broadcast %parallel_loop3A_271 : f32 to vector<16xf32>
      %parallel_loop3A_308 = arith.mulf %parallel_loop3A_306, %parallel_loop3A_307 : vector<16xf32>
      %parallel_loop3A_309 = arith.index_cast %parallel_loop3A_267 : i32 to index
      %parallel_loop3A_310 = arith.constant 64 : index
      %parallel_loop3A_311 = tpu.vector_load %arg15[%parallel_loop3A_309, %parallel_loop3A_310] {strides = array<i32>} : memref<80x128xf32, #tpu.memory_space<vmem>>, vector<16xf32>,
      tpu.vector_store %arg15[%parallel_loop3A_309, %parallel_loop3A_310], %parallel_loop3A_308 {strides = array<i32>} : memref<80x128xf32, #tpu.memory_space<vmem>>, vector<16xf32>,
      %parallel_loop3A_312 = arith.index_cast %parallel_loop3A_267 : i32 to index
      %parallel_loop3A_313 = arith.constant 80 : index
      %parallel_loop3A_314 = tpu.vector_load %arg15[%parallel_loop3A_312, %parallel_loop3A_313] {strides = array<i32>} : memref<80x128xf32, #tpu.memory_space<vmem>>, vector<16xf32>,
      %parallel_loop3A_315 = vector.broadcast %parallel_loop3A_271 : f32 to vector<16xf32>
      %parallel_loop3A_316 = arith.mulf %parallel_loop3A_314, %parallel_loop3A_315 : vector<16xf32>
      %parallel_loop3A_317 = arith.index_cast %parallel_loop3A_267 : i32 to index
      %parallel_loop3A_318 = arith.constant 80 : index
      %parallel_loop3A_319 = tpu.vector_load %arg15[%parallel_loop3A_317, %parallel_loop3A_318] {strides = array<i32>} : memref<80x128xf32, #tpu.memory_space<vmem>>, vector<16xf32>,
      tpu.vector_store %arg15[%parallel_loop3A_317, %parallel_loop3A_318], %parallel_loop3A_316 {strides = array<i32>} : memref<80x128xf32, #tpu.memory_space<vmem>>, vector<16xf32>,
      %parallel_loop3A_320 = arith.index_cast %parallel_loop3A_267 : i32 to index
      %parallel_loop3A_321 = arith.constant 96 : index
      %parallel_loop3A_322 = tpu.vector_load %arg15[%parallel_loop3A_320, %parallel_loop3A_321] {strides = array<i32>} : memref<80x128xf32, #tpu.memory_space<vmem>>, vector<16xf32>,
      %parallel_loop3A_323 = vector.broadcast %parallel_loop3A_271 : f32 to vector<16xf32>
      %parallel_loop3A_324 = arith.mulf %parallel_loop3A_322, %parallel_loop3A_323 : vector<16xf32>
      %parallel_loop3A_325 = arith.index_cast %parallel_loop3A_267 : i32 to index
      %parallel_loop3A_326 = arith.constant 96 : index
      %parallel_loop3A_327 = tpu.vector_load %arg15[%parallel_loop3A_325, %parallel_loop3A_326] {strides = array<i32>} : memref<80x128xf32, #tpu.memory_space<vmem>>, vector<16xf32>,
      tpu.vector_store %arg15[%parallel_loop3A_325, %parallel_loop3A_326], %parallel_loop3A_324 {strides = array<i32>} : memref<80x128xf32, #tpu.memory_space<vmem>>, vector<16xf32>,
      %parallel_loop3A_328 = arith.index_cast %parallel_loop3A_267 : i32 to index
      %parallel_loop3A_329 = arith.constant 112 : index
      %parallel_loop3A_330 = tpu.vector_load %arg15[%parallel_loop3A_328, %parallel_loop3A_329] {strides = array<i32>} : memref<80x128xf32, #tpu.memory_space<vmem>>, vector<16xf32>,
      %parallel_loop3A_331 = vector.broadcast %parallel_loop3A_271 : f32 to vector<16xf32>
      %parallel_loop3A_332 = arith.mulf %parallel_loop3A_330, %parallel_loop3A_331 : vector<16xf32>
      %parallel_loop3A_333 = arith.index_cast %parallel_loop3A_267 : i32 to index
      %parallel_loop3A_334 = arith.constant 112 : index
      %parallel_loop3A_335 = tpu.vector_load %arg15[%parallel_loop3A_333, %parallel_loop3A_334] {strides = array<i32>} : memref<80x128xf32, #tpu.memory_space<vmem>>, vector<16xf32>,
      tpu.vector_store %arg15[%parallel_loop3A_333, %parallel_loop3A_334], %parallel_loop3A_332 {strides = array<i32>} : memref<80x128xf32, #tpu.memory_space<vmem>>, vector<16xf32>,
    } {sc.loop_unroll_factor = 8 : i64, sc.parallel_access}
    %run_scoped3A_256 = arith.constant 0 : i32
    "tpu.region"() ({
      %run_scoped3A_267 = tpu.sem_alloc : memref<!tpu.dma_semaphore, #tpu.memory_space<semaphore_mem>>
      %dma_start3A_268 = arith.constant 0 : i32
      %dma_start3A_269 = tpu.memref_slice %arg14[%dma_start3A_268] : memref<96xf32, #tpu.memory_space<vmem>> -> memref<80xf32, #tpu.memory_space<vmem>>
      %dma_start3A_270 = arith.constant 0 : i32
      %dma_start3A_271 = tpu.memref_slice %arg12[%run_scoped3A_256, %dma_start3A_270] : memref<2x80xi32, #tpu.memory_space<vmem>> -> memref<1x80xi32, #tpu.memory_space<vmem>>
      %dma_start3A_272 = tpu.memref_squeeze %dma_start3A_271 : memref<1x80xi32, #tpu.memory_space<vmem>> -> memref<80xi32, #tpu.memory_space<vmem>>
      %dma_start3A_273 = arith.constant 0 : i32
      %dma_start3A_274 = tpu.memref_slice %arg21[%dma_start3A_273] : memref<10240xf32, #tpu.memory_space<vmem_shared>> -> memref<10240xf32, #tpu.memory_space<vmem_shared>>
      tpu.enqueue_indirect_dma source(%dma_start3A_269 : memref<80xf32, #tpu.memory_space<vmem>>) target(%dma_start3A_274 : memref<10240xf32, #tpu.memory_space<vmem_shared>>) offsets(%dma_start3A_272 : memref<80xi32, #tpu.memory_space<vmem>>) semaphore(%run_scoped3A_267 : memref<!tpu.dma_semaphore, #tpu.memory_space<semaphore_mem>>) {add = true}
      %dma_wait3A_275 = arith.constant 0 : i32
      %dma_wait3A_276 = tpu.memref_slice %arg14[%dma_wait3A_275] : memref<96xf32, #tpu.memory_space<vmem>> -> memref<80xf32, #tpu.memory_space<vmem>>
      %dma_wait3A_277 = arith.constant 0 : i32
      %dma_wait3A_278 = tpu.memref_slice %arg12[%run_scoped3A_256, %dma_wait3A_277] : memref<2x80xi32, #tpu.memory_space<vmem>> -> memref<1x80xi32, #tpu.memory_space<vmem>>
      %dma_wait3A_279 = tpu.memref_squeeze %dma_wait3A_278 : memref<1x80xi32, #tpu.memory_space<vmem>> -> memref<80xi32, #tpu.memory_space<vmem>>
      %dma_wait3A_280 = arith.constant 0 : i32
      %dma_wait3A_281 = tpu.memref_slice %arg21[%dma_wait3A_280] : memref<10240xf32, #tpu.memory_space<vmem_shared>> -> memref<10240xf32, #tpu.memory_space<vmem_shared>>
      tpu.wait_indirect_dma semaphore(%run_scoped3A_267 : memref<!tpu.dma_semaphore, #tpu.memory_space<semaphore_mem>>) src(%dma_wait3A_276 : memref<80xf32, #tpu.memory_space<vmem>>) dst(%dma_wait3A_281 : memref<10240xf32, #tpu.memory_space<vmem_shared>>)
      tpu.yield
    }) : () -> ()
    %run_scoped3A_257 = arith.constant 0 : i32
    "tpu.region"() ({
      %run_scoped3A_267 = tpu.sem_alloc : memref<!tpu.dma_semaphore, #tpu.memory_space<semaphore_mem>>
      %dma_start3A_268 = arith.constant 0 : i32
      %dma_start3A_269 = tpu.memref_slice %arg12[%run_scoped3A_257, %dma_start3A_268] : memref<2x80xi32, #tpu.memory_space<vmem>> -> memref<1x80xi32, #tpu.memory_space<vmem>>
      %dma_start3A_270 = tpu.memref_squeeze %dma_start3A_269 : memref<1x80xi32, #tpu.memory_space<vmem>> -> memref<80xi32, #tpu.memory_space<vmem>>
      %dma_start3A_271 = arith.constant 0 : i32
      %dma_start3A_272 = arith.constant 0 : i32
      %dma_start3A_273 = tpu.memref_slice %arg20[%dma_start3A_271, %dma_start3A_272] : memref<10240x128xf32, #tpu.memory_space<vmem_shared>> -> memref<10240x128xf32, #tpu.memory_space<vmem_shared>>
      tpu.enqueue_indirect_dma source(%arg15 : memref<80x128xf32, #tpu.memory_space<vmem>>) target(%dma_start3A_273 : memref<10240x128xf32, #tpu.memory_space<vmem_shared>>) offsets(%dma_start3A_270 : memref<80xi32, #tpu.memory_space<vmem>>) semaphore(%run_scoped3A_267 : memref<!tpu.dma_semaphore, #tpu.memory_space<semaphore_mem>>) {add = true}
      %dma_wait3A_274 = arith.constant 0 : i32
      %dma_wait3A_275 = tpu.memref_slice %arg12[%run_scoped3A_257, %dma_wait3A_274] : memref<2x80xi32, #tpu.memory_space<vmem>> -> memref<1x80xi32, #tpu.memory_space<vmem>>
      %dma_wait3A_276 = tpu.memref_squeeze %dma_wait3A_275 : memref<1x80xi32, #tpu.memory_space<vmem>> -> memref<80xi32, #tpu.memory_space<vmem>>
      %dma_wait3A_277 = arith.constant 0 : i32
      %dma_wait3A_278 = arith.constant 0 : i32
      %dma_wait3A_279 = tpu.memref_slice %arg20[%dma_wait3A_277, %dma_wait3A_278] : memref<10240x128xf32, #tpu.memory_space<vmem_shared>> -> memref<10240x128xf32, #tpu.memory_space<vmem_shared>>
      tpu.wait_indirect_dma semaphore(%run_scoped3A_267 : memref<!tpu.dma_semaphore, #tpu.memory_space<semaphore_mem>>) src(%arg15 : memref<80x128xf32, #tpu.memory_space<vmem>>) dst(%dma_wait3A_279 : memref<10240x128xf32, #tpu.memory_space<vmem_shared>>)
      tpu.yield
    }) : () -> ()
    %barrier3A_258 = arith.constant 0 : index
    tpu.barrier barrier_id(%barrier3A_258)
    %mul3A_259 = arith.constant 640 : i32
    %mul3A_260 = arith.muli %arg1, %mul3A_259 : i32
    %mul3A_261 = arith.constant 640 : i32
    %mul3A_262 = arith.muli %arg1, %mul3A_261 : i32
    "tpu.region"() ({
      %run_scoped3A_267 = tpu.sem_alloc : memref<!tpu.dma_semaphore, #tpu.memory_space<semaphore_mem>>
      %dma_start3A_268 = arith.constant 0 : i32
      %dma_start3A_269 = tpu.memref_slice %arg9[%arg0, %mul3A_262, %dma_start3A_268] : memref<2x10240x128xf32, #tpu.memory_space<hbm>> -> memref<1x640x128xf32, #tpu.memory_space<hbm>>
      %dma_start3A_270 = tpu.memref_squeeze %dma_start3A_269 : memref<1x640x128xf32, #tpu.memory_space<hbm>> -> memref<640x128xf32, #tpu.memory_space<hbm>>
      %dma_start3A_271 = arith.constant 0 : i32
      %dma_start3A_272 = tpu.memref_slice %arg20[%mul3A_260, %dma_start3A_271] : memref<10240x128xf32, #tpu.memory_space<vmem_shared>> -> memref<640x128xf32, #tpu.memory_space<vmem_shared>>
      tpu.enqueue_dma source(%dma_start3A_272 : memref<640x128xf32, #tpu.memory_space<vmem_shared>>) target(%dma_start3A_270 : memref<640x128xf32, #tpu.memory_space<hbm>>) target_semaphore(%run_scoped3A_267 : memref<!tpu.dma_semaphore, #tpu.memory_space<semaphore_mem>>)
      %dma_wait3A_273 = arith.constant 0 : i32
      %dma_wait3A_274 = tpu.memref_slice %arg9[%arg0, %mul3A_262, %dma_wait3A_273] : memref<2x10240x128xf32, #tpu.memory_space<hbm>> -> memref<1x640x128xf32, #tpu.memory_space<hbm>>
      %dma_wait3A_275 = tpu.memref_squeeze %dma_wait3A_274 : memref<1x640x128xf32, #tpu.memory_space<hbm>> -> memref<640x128xf32, #tpu.memory_space<hbm>>
      %dma_wait3A_276 = arith.constant 0 : i32
      %dma_wait3A_277 = tpu.memref_slice %arg20[%mul3A_260, %dma_wait3A_276] : memref<10240x128xf32, #tpu.memory_space<vmem_shared>> -> memref<640x128xf32, #tpu.memory_space<vmem_shared>>
      tpu.wait_dma2 semaphore(%run_scoped3A_267 : memref<!tpu.dma_semaphore, #tpu.memory_space<semaphore_mem>>) src(%dma_wait3A_277 : memref<640x128xf32, #tpu.memory_space<vmem_shared>>) dst(%dma_wait3A_275 : memref<640x128xf32, #tpu.memory_space<hbm>>)
      tpu.yield
    }) : () -> ()
    %mul3A_263 = arith.constant 640 : i32
    %mul3A_264 = arith.muli %arg1, %mul3A_263 : i32
    %mul3A_265 = arith.constant 640 : i32
    %mul3A_266 = arith.muli %arg1, %mul3A_265 : i32
    "tpu.region"() ({
      %run_scoped3A_267 = tpu.sem_alloc : memref<!tpu.dma_semaphore, #tpu.memory_space<semaphore_mem>>
      %dma_start3A_268 = tpu.memref_slice %arg10[%arg0, %mul3A_266] : memref<2x10240xf32, #tpu.memory_space<hbm>> -> memref<1x640xf32, #tpu.memory_space<hbm>>
      %dma_start3A_269 = tpu.memref_squeeze %dma_start3A_268 : memref<1x640xf32, #tpu.memory_space<hbm>> -> memref<640xf32, #tpu.memory_space<hbm>>
      %dma_start3A_270 = tpu.memref_slice %arg21[%mul3A_264] : memref<10240xf32, #tpu.memory_space<vmem_shared>> -> memref<640xf32, #tpu.memory_space<vmem_shared>>
      tpu.enqueue_dma source(%dma_start3A_270 : memref<640xf32, #tpu.memory_space<vmem_shared>>) target(%dma_start3A_269 : memref<640xf32, #tpu.memory_space<hbm>>) target_semaphore(%run_scoped3A_267 : memref<!tpu.dma_semaphore, #tpu.memory_space<semaphore_mem>>)
      %dma_wait3A_271 = tpu.memref_slice %arg10[%arg0, %mul3A_266] : memref<2x10240xf32, #tpu.memory_space<hbm>> -> memref<1x640xf32, #tpu.memory_space<hbm>>
      %dma_wait3A_272 = tpu.memref_squeeze %dma_wait3A_271 : memref<1x640xf32, #tpu.memory_space<hbm>> -> memref<640xf32, #tpu.memory_space<hbm>>
      %dma_wait3A_273 = tpu.memref_slice %arg21[%mul3A_264] : memref<10240xf32, #tpu.memory_space<vmem_shared>> -> memref<640xf32, #tpu.memory_space<vmem_shared>>
      tpu.wait_dma2 semaphore(%run_scoped3A_267 : memref<!tpu.dma_semaphore, #tpu.memory_space<semaphore_mem>>) src(%dma_wait3A_273 : memref<640xf32, #tpu.memory_space<vmem_shared>>) dst(%dma_wait3A_272 : memref<640xf32, #tpu.memory_space<hbm>>)
      tpu.yield
    }) : () -> ()
    return
  }
}

module attributes {stable_mosaic.version = 14 : i64} {
  func.func @_edge_logit_body(%arg0: i32, %arg1: memref<3200x128xf32, #tpu.memory_space<vmem>>, %arg2: memref<128x128xf32, #tpu.memory_space<vmem>>, %arg3: memref<128x1xf32, #tpu.memory_space<vmem>>, %arg4: memref<3200x1xf32, #tpu.memory_space<vmem>>, %arg5: memref<1x1xf32, #tpu.memory_space<vmem>>, %arg6: memref<1x1xf32, #tpu.memory_space<smem>>) attributes {dimension_semantics = [#tpu.dimension_semantics<arbitrary>], iteration_bounds = array<i64: 100>, scalar_prefetch = 0 : i64, scratch_operands = 1 : i64, tpu.core_type = #tpu.core_type<tc>, window_params = [{transform_indices = @transform_0, window_bounds = array<i64: 3200, 128>}, {pipeline_mode = #tpu.pipeline_mode<synchronous>, transform_indices = @transform_1, window_bounds = array<i64: 128, 128>}, {pipeline_mode = #tpu.pipeline_mode<synchronous>, transform_indices = @transform_2, window_bounds = array<i64: 128, 1>}, {transform_indices = @transform_3, window_bounds = array<i64: 3200, 1>}, {pipeline_mode = #tpu.pipeline_mode<synchronous>, transform_indices = @transform_4, window_bounds = array<i64: 1, 1>}]} {
    %get3A = arith.constant 0 : index
    %get3A_0 = arith.constant 0 : index
    %get3A_1 = vector.load %arg2[%get3A, %get3A_0] : memref<128x128xf32, #tpu.memory_space<vmem>>, vector<128x128xf32>
    %get3A_2 = arith.constant 0 : index
    %get3A_3 = arith.constant 0 : index
    %get3A_4 = vector.load %arg3[%get3A_2, %get3A_3] : memref<128x1xf32, #tpu.memory_space<vmem>>, vector<128x1xf32>
    %dot_general3A = arith.constant dense<0.000000e+00> : vector<128x1xf32>
    %dot_general3A_5 = tpu.matmul %get3A_1, %get3A_4, %dot_general3A {dimension_numbers = #tpu.dot_dimension_numbers<[1], [0], [0], [1], [0, 0, 1, 1], [], []>, transpose_lhs_hint = false} : vector<128x128xf32>, vector<128x1xf32>, vector<128x1xf32> -> vector<128x1xf32>
    %get3A_6 = arith.constant 0 : index
    %get3A_7 = arith.constant 0 : index
    %get3A_8 = vector.load %arg1[%get3A_6, %get3A_7] : memref<3200x128xf32, #tpu.memory_space<vmem>>, vector<3200x128xf32>
    %dot_general3A_9 = arith.constant dense<0.000000e+00> : vector<3200x1xf32>
    %dot_general3A_10 = tpu.matmul %get3A_8, %dot_general3A_5, %dot_general3A_9 {dimension_numbers = #tpu.dot_dimension_numbers<[1], [0], [0], [1], [0, 0, 1, 1], [], []>, transpose_lhs_hint = false} : vector<3200x128xf32>, vector<128x1xf32>, vector<3200x1xf32> -> vector<3200x1xf32>
    %swap3A = arith.constant 0 : index
    %swap3A_11 = arith.constant 0 : index
    %swap3A_12 = vector.load %arg4[%swap3A, %swap3A_11] : memref<3200x1xf32, #tpu.memory_space<vmem>>, vector<3200x1xf32>
    tpu.vector_store %arg4[%swap3A, %swap3A_11], %dot_general3A_10 {strides = array<i32>} : memref<3200x1xf32, #tpu.memory_space<vmem>>, vector<3200x1xf32>,
    %reduce_max3A = vector.shape_cast %dot_general3A_10 : vector<3200x1xf32> to vector<1x3200x1xf32>
    %reduce_max3A_13 = arith.constant dense<0xFF800000> : vector<1xf32>
    %reduce_max3A_14 = vector.multi_reduction <maximumf>, %reduce_max3A, %reduce_max3A_13 [1, 2] : vector<1x3200x1xf32> to vector<1xf32>
    %reduce_max3A_15 = vector.shape_cast %reduce_max3A_14 : vector<1xf32> to vector<1x1x1xf32>
    %reduce_max3A_16 = vector.extract %reduce_max3A_15[0, 0, 0] : f32 from vector<1x1x1xf32>
    %eq3A = arith.constant 0 : i32
    %eq3A_17 = arith.cmpi eq, %arg0, %eq3A : i32
    %convert_element_type3A = arith.extui %eq3A_17 : i1 to i32
    %cond3A = arith.constant 0 : i32
    %cond3A_18 = arith.cmpi ne, %convert_element_type3A, %cond3A : i32
    scf.if %cond3A_18 {
      %swap3A_30 = arith.constant 0 : index
      %swap3A_31 = arith.constant 0 : index
      %swap3A_32 = memref.load %arg6[%swap3A_30, %swap3A_31] : memref<1x1xf32, #tpu.memory_space<smem>>
      memref.store %reduce_max3A_16, %arg6[%swap3A_30, %swap3A_31] : memref<1x1xf32, #tpu.memory_space<smem>>
    } else {
    }
    %get3A_19 = arith.constant 0 : index
    %get3A_20 = arith.constant 0 : index
    %get3A_21 = memref.load %arg6[%get3A_19, %get3A_20] : memref<1x1xf32, #tpu.memory_space<smem>>
    %max3A = arith.maximumf %get3A_21, %reduce_max3A_16 : f32
    %swap3A_22 = arith.constant 0 : index
    %swap3A_23 = arith.constant 0 : index
    %swap3A_24 = memref.load %arg6[%swap3A_22, %swap3A_23] : memref<1x1xf32, #tpu.memory_space<smem>>
    memref.store %max3A, %arg6[%swap3A_22, %swap3A_23] : memref<1x1xf32, #tpu.memory_space<smem>>
    %eq3A_25 = arith.constant 99 : i32
    %eq3A_26 = arith.cmpi eq, %arg0, %eq3A_25 : i32
    %convert_element_type3A_27 = arith.extui %eq3A_26 : i1 to i32
    %cond3A_28 = arith.constant 0 : i32
    %cond3A_29 = arith.cmpi ne, %convert_element_type3A_27, %cond3A_28 : i32
    scf.if %cond3A_29 {
      %get3A_30 = arith.constant 0 : index
      %get3A_31 = arith.constant 0 : index
      %get3A_32 = memref.load %arg6[%get3A_30, %get3A_31] : memref<1x1xf32, #tpu.memory_space<smem>>
      %broadcast_in_dim3A = vector.broadcast %get3A_32 : f32 to vector<1x1xf32>
      %swap3A_33 = arith.constant 0 : index
      %swap3A_34 = arith.constant 0 : index
      %swap3A_35 = vector.load %arg5[%swap3A_33, %swap3A_34] : memref<1x1xf32, #tpu.memory_space<vmem>>, vector<1x1xf32>
      tpu.vector_store %arg5[%swap3A_33, %swap3A_34], %broadcast_in_dim3A {strides = array<i32>} : memref<1x1xf32, #tpu.memory_space<vmem>>, vector<1x1xf32>,
    } else {
    }
    return
  }
  func.func @transform_0(%arg0: i32) -> (i32, i32) {
    %c0_i32 = arith.constant 0 : i32
    %c0_i32_0 = arith.constant 0 : i32
    return %arg0, %c0_i32 : i32, i32
  }
  func.func @transform_1(%arg0: i32) -> (i32, i32) {
    %c0_i32 = arith.constant 0 : i32
    %c0_i32_0 = arith.constant 0 : i32
    %c0_i32_1 = arith.constant 0 : i32
    return %c0_i32, %c0_i32_0 : i32, i32
  }
  func.func @transform_2(%arg0: i32) -> (i32, i32) {
    %c0_i32 = arith.constant 0 : i32
    %c0_i32_0 = arith.constant 0 : i32
    %c0_i32_1 = arith.constant 0 : i32
    return %c0_i32, %c0_i32_0 : i32, i32
  }
  func.func @transform_3(%arg0: i32) -> (i32, i32) {
    %c0_i32 = arith.constant 0 : i32
    %c0_i32_0 = arith.constant 0 : i32
    return %arg0, %c0_i32 : i32, i32
  }
  func.func @transform_4(%arg0: i32) -> (i32, i32) {
    %c0_i32 = arith.constant 0 : i32
    %c0_i32_0 = arith.constant 0 : i32
    %c0_i32_1 = arith.constant 0 : i32
    return %c0_i32, %c0_i32_0 : i32, i32
  }
}

module attributes {stable_mosaic.version = 14 : i64} {
  func.func @_node_body(%arg0: i32, %arg1: memref<1024x128xf32, #tpu.memory_space<vmem>>, %arg2: memref<128x128xf32, #tpu.memory_space<vmem>>, %arg3: memref<128x1xf32, #tpu.memory_space<vmem>>, %arg4: memref<128x1xf32, #tpu.memory_space<vmem>>, %arg5: memref<1x128xf32, #tpu.memory_space<vmem>>, %arg6: memref<1x128xf32, #tpu.memory_space<vmem>>, %arg7: memref<1024x128xf32, #tpu.memory_space<vmem>>, %arg8: memref<1024x1xf32, #tpu.memory_space<vmem>>, %arg9: memref<1024x1xf32, #tpu.memory_space<vmem>>, %arg10: memref<1x1xf32, #tpu.memory_space<vmem>>, %arg11: memref<1x1xf32, #tpu.memory_space<smem>>) attributes {dimension_semantics = [#tpu.dimension_semantics<arbitrary>], iteration_bounds = array<i64: 10>, scalar_prefetch = 0 : i64, scratch_operands = 1 : i64, tpu.core_type = #tpu.core_type<tc>, window_params = [{transform_indices = @transform_0, window_bounds = array<i64: 1024, 128>}, {pipeline_mode = #tpu.pipeline_mode<synchronous>, transform_indices = @transform_1, window_bounds = array<i64: 128, 128>}, {pipeline_mode = #tpu.pipeline_mode<synchronous>, transform_indices = @transform_2, window_bounds = array<i64: 128, 1>}, {pipeline_mode = #tpu.pipeline_mode<synchronous>, transform_indices = @transform_3, window_bounds = array<i64: 128, 1>}, {pipeline_mode = #tpu.pipeline_mode<synchronous>, transform_indices = @transform_4, window_bounds = array<i64: 1, 128>}, {pipeline_mode = #tpu.pipeline_mode<synchronous>, transform_indices = @transform_5, window_bounds = array<i64: 1, 128>}, {transform_indices = @transform_6, window_bounds = array<i64: 1024, 128>}, {transform_indices = @transform_7, window_bounds = array<i64: 1024, 1>}, {transform_indices = @transform_8, window_bounds = array<i64: 1024, 1>}, {pipeline_mode = #tpu.pipeline_mode<synchronous>, transform_indices = @transform_9, window_bounds = array<i64: 1, 1>}]} {
    %get3A = arith.constant 0 : index
    %get3A_0 = arith.constant 0 : index
    %get3A_1 = vector.load %arg1[%get3A, %get3A_0] : memref<1024x128xf32, #tpu.memory_space<vmem>>, vector<1024x128xf32>
    %reduce_sum3A = arith.constant dense<0.000000e+00> : vector<1024xf32>
    %reduce_sum3A_2 = vector.multi_reduction <add>, %get3A_1, %reduce_sum3A [1] : vector<1024x128xf32> to vector<1024xf32>
    %broadcast_in_dim3A = vector.shape_cast %reduce_sum3A_2 : vector<1024xf32> to vector<1024x1xf32>
    %div3A = arith.constant 1.280000e+02 : f32
    %div3A_3 = vector.broadcast %div3A : f32 to vector<1024x1xf32>
    %div3A_4 = arith.divf %broadcast_in_dim3A, %div3A_3 : vector<1024x1xf32>
    %sub3A = vector.broadcast %div3A_4 : vector<1024x1xf32> to vector<1024x128xf32>
    %sub3A_5 = arith.subf %get3A_1, %sub3A : vector<1024x128xf32>
    %sub3A_6 = vector.broadcast %div3A_4 : vector<1024x1xf32> to vector<1024x128xf32>
    %sub3A_7 = arith.subf %get3A_1, %sub3A_6 : vector<1024x128xf32>
    %mul3A = arith.mulf %sub3A_5, %sub3A_7 : vector<1024x128xf32>
    %reduce_sum3A_8 = arith.constant dense<0.000000e+00> : vector<1024xf32>
    %reduce_sum3A_9 = vector.multi_reduction <add>, %mul3A, %reduce_sum3A_8 [1] : vector<1024x128xf32> to vector<1024xf32>
    %broadcast_in_dim3A_10 = vector.shape_cast %reduce_sum3A_9 : vector<1024xf32> to vector<1024x1xf32>
    %div3A_11 = arith.constant 1.280000e+02 : f32
    %div3A_12 = vector.broadcast %div3A_11 : f32 to vector<1024x1xf32>
    %div3A_13 = arith.divf %broadcast_in_dim3A_10, %div3A_12 : vector<1024x1xf32>
    %sub3A_14 = vector.broadcast %div3A_4 : vector<1024x1xf32> to vector<1024x128xf32>
    %sub3A_15 = arith.subf %get3A_1, %sub3A_14 : vector<1024x128xf32>
    %add3A = arith.constant 9.99999974E-6 : f32
    %add3A_16 = vector.broadcast %add3A : f32 to vector<1024x1xf32>
    %add3A_17 = arith.addf %div3A_13, %add3A_16 : vector<1024x1xf32>
    %sqrt3A = math.sqrt %add3A_17 : vector<1024x1xf32>
    %div3A_18 = vector.broadcast %sqrt3A : vector<1024x1xf32> to vector<1024x128xf32>
    %div3A_19 = arith.divf %sub3A_15, %div3A_18 : vector<1024x128xf32>
    %get3A_20 = arith.constant 0 : index
    %get3A_21 = arith.constant 0 : index
    %get3A_22 = vector.load %arg5[%get3A_20, %get3A_21] : memref<1x128xf32, #tpu.memory_space<vmem>>, vector<1x128xf32>
    %mul3A_23 = vector.broadcast %get3A_22 : vector<1x128xf32> to vector<1024x128xf32>
    %mul3A_24 = arith.mulf %div3A_19, %mul3A_23 : vector<1024x128xf32>
    %get3A_25 = arith.constant 0 : index
    %get3A_26 = arith.constant 0 : index
    %get3A_27 = vector.load %arg6[%get3A_25, %get3A_26] : memref<1x128xf32, #tpu.memory_space<vmem>>, vector<1x128xf32>
    %add3A_28 = vector.broadcast %get3A_27 : vector<1x128xf32> to vector<1024x128xf32>
    %add3A_29 = arith.addf %mul3A_24, %add3A_28 : vector<1024x128xf32>
    %get3A_30 = arith.constant 0 : index
    %get3A_31 = arith.constant 0 : index
    %get3A_32 = vector.load %arg2[%get3A_30, %get3A_31] : memref<128x128xf32, #tpu.memory_space<vmem>>, vector<128x128xf32>
    %dot_general3A = arith.constant dense<0.000000e+00> : vector<1024x128xf32>
    %dot_general3A_33 = tpu.matmul %add3A_29, %get3A_32, %dot_general3A {dimension_numbers = #tpu.dot_dimension_numbers<[1], [0], [0], [1], [0, 0, 1, 1], [], []>, transpose_lhs_hint = false} : vector<1024x128xf32>, vector<128x128xf32>, vector<1024x128xf32> -> vector<1024x128xf32>
    %swap3A = arith.constant 0 : index
    %swap3A_34 = arith.constant 0 : index
    %swap3A_35 = vector.load %arg7[%swap3A, %swap3A_34] : memref<1024x128xf32, #tpu.memory_space<vmem>>, vector<1024x128xf32>
    tpu.vector_store %arg7[%swap3A, %swap3A_34], %dot_general3A_33 {strides = array<i32>} : memref<1024x128xf32, #tpu.memory_space<vmem>>, vector<1024x128xf32>,
    %get3A_36 = arith.constant 0 : index
    %get3A_37 = arith.constant 0 : index
    %get3A_38 = vector.load %arg3[%get3A_36, %get3A_37] : memref<128x1xf32, #tpu.memory_space<vmem>>, vector<128x1xf32>
    %dot_general3A_39 = arith.constant dense<0.000000e+00> : vector<1024x1xf32>
    %dot_general3A_40 = tpu.matmul %dot_general3A_33, %get3A_38, %dot_general3A_39 {dimension_numbers = #tpu.dot_dimension_numbers<[1], [0], [0], [1], [0, 0, 1, 1], [], []>, transpose_lhs_hint = false} : vector<1024x128xf32>, vector<128x1xf32>, vector<1024x1xf32> -> vector<1024x1xf32>
    %get3A_41 = arith.constant 0 : index
    %get3A_42 = arith.constant 0 : index
    %get3A_43 = vector.load %arg4[%get3A_41, %get3A_42] : memref<128x1xf32, #tpu.memory_space<vmem>>, vector<128x1xf32>
    %dot_general3A_44 = arith.constant dense<0.000000e+00> : vector<1024x1xf32>
    %dot_general3A_45 = tpu.matmul %dot_general3A_33, %get3A_43, %dot_general3A_44 {dimension_numbers = #tpu.dot_dimension_numbers<[1], [0], [0], [1], [0, 0, 1, 1], [], []>, transpose_lhs_hint = false} : vector<1024x128xf32>, vector<128x1xf32>, vector<1024x1xf32> -> vector<1024x1xf32>
    %swap3A_46 = arith.constant 0 : index
    %swap3A_47 = arith.constant 0 : index
    %swap3A_48 = vector.load %arg8[%swap3A_46, %swap3A_47] : memref<1024x1xf32, #tpu.memory_space<vmem>>, vector<1024x1xf32>
    tpu.vector_store %arg8[%swap3A_46, %swap3A_47], %dot_general3A_40 {strides = array<i32>} : memref<1024x1xf32, #tpu.memory_space<vmem>>, vector<1024x1xf32>,
    %swap3A_49 = arith.constant 0 : index
    %swap3A_50 = arith.constant 0 : index
    %swap3A_51 = vector.load %arg9[%swap3A_49, %swap3A_50] : memref<1024x1xf32, #tpu.memory_space<vmem>>, vector<1024x1xf32>
    tpu.vector_store %arg9[%swap3A_49, %swap3A_50], %dot_general3A_45 {strides = array<i32>} : memref<1024x1xf32, #tpu.memory_space<vmem>>, vector<1024x1xf32>,
    %reduce_max3A = vector.shape_cast %dot_general3A_40 : vector<1024x1xf32> to vector<1x1024x1xf32>
    %reduce_max3A_52 = arith.constant dense<0xFF800000> : vector<1xf32>
    %reduce_max3A_53 = vector.multi_reduction <maximumf>, %reduce_max3A, %reduce_max3A_52 [1, 2] : vector<1x1024x1xf32> to vector<1xf32>
    %reduce_max3A_54 = vector.shape_cast %reduce_max3A_53 : vector<1xf32> to vector<1x1x1xf32>
    %reduce_max3A_55 = vector.extract %reduce_max3A_54[0, 0, 0] : f32 from vector<1x1x1xf32>
    %eq3A = arith.constant 0 : i32
    %eq3A_56 = arith.cmpi eq, %arg0, %eq3A : i32
    %convert_element_type3A = arith.extui %eq3A_56 : i1 to i32
    %cond3A = arith.constant 0 : i32
    %cond3A_57 = arith.cmpi ne, %convert_element_type3A, %cond3A : i32
    scf.if %cond3A_57 {
      %swap3A_69 = arith.constant 0 : index
      %swap3A_70 = arith.constant 0 : index
      %swap3A_71 = memref.load %arg11[%swap3A_69, %swap3A_70] : memref<1x1xf32, #tpu.memory_space<smem>>
      memref.store %reduce_max3A_55, %arg11[%swap3A_69, %swap3A_70] : memref<1x1xf32, #tpu.memory_space<smem>>
    } else {
    }
    %get3A_58 = arith.constant 0 : index
    %get3A_59 = arith.constant 0 : index
    %get3A_60 = memref.load %arg11[%get3A_58, %get3A_59] : memref<1x1xf32, #tpu.memory_space<smem>>
    %max3A = arith.maximumf %get3A_60, %reduce_max3A_55 : f32
    %swap3A_61 = arith.constant 0 : index
    %swap3A_62 = arith.constant 0 : index
    %swap3A_63 = memref.load %arg11[%swap3A_61, %swap3A_62] : memref<1x1xf32, #tpu.memory_space<smem>>
    memref.store %max3A, %arg11[%swap3A_61, %swap3A_62] : memref<1x1xf32, #tpu.memory_space<smem>>
    %eq3A_64 = arith.constant 9 : i32
    %eq3A_65 = arith.cmpi eq, %arg0, %eq3A_64 : i32
    %convert_element_type3A_66 = arith.extui %eq3A_65 : i1 to i32
    %cond3A_67 = arith.constant 0 : i32
    %cond3A_68 = arith.cmpi ne, %convert_element_type3A_66, %cond3A_67 : i32
    scf.if %cond3A_68 {
      %get3A_69 = arith.constant 0 : index
      %get3A_70 = arith.constant 0 : index
      %get3A_71 = memref.load %arg11[%get3A_69, %get3A_70] : memref<1x1xf32, #tpu.memory_space<smem>>
      %broadcast_in_dim3A_72 = vector.broadcast %get3A_71 : f32 to vector<1x1xf32>
      %swap3A_73 = arith.constant 0 : index
      %swap3A_74 = arith.constant 0 : index
      %swap3A_75 = vector.load %arg10[%swap3A_73, %swap3A_74] : memref<1x1xf32, #tpu.memory_space<vmem>>, vector<1x1xf32>
      tpu.vector_store %arg10[%swap3A_73, %swap3A_74], %broadcast_in_dim3A_72 {strides = array<i32>} : memref<1x1xf32, #tpu.memory_space<vmem>>, vector<1x1xf32>,
    } else {
    }
    return
  }
  func.func @transform_0(%arg0: i32) -> (i32, i32) {
    %c0_i32 = arith.constant 0 : i32
    %c0_i32_0 = arith.constant 0 : i32
    return %arg0, %c0_i32 : i32, i32
  }
  func.func @transform_1(%arg0: i32) -> (i32, i32) {
    %c0_i32 = arith.constant 0 : i32
    %c0_i32_0 = arith.constant 0 : i32
    %c0_i32_1 = arith.constant 0 : i32
    return %c0_i32, %c0_i32_0 : i32, i32
  }
  func.func @transform_2(%arg0: i32) -> (i32, i32) {
    %c0_i32 = arith.constant 0 : i32
    %c0_i32_0 = arith.constant 0 : i32
    %c0_i32_1 = arith.constant 0 : i32
    return %c0_i32, %c0_i32_0 : i32, i32
  }
  func.func @transform_3(%arg0: i32) -> (i32, i32) {
    %c0_i32 = arith.constant 0 : i32
    %c0_i32_0 = arith.constant 0 : i32
    %c0_i32_1 = arith.constant 0 : i32
    return %c0_i32, %c0_i32_0 : i32, i32
  }
  func.func @transform_4(%arg0: i32) -> (i32, i32) {
    %c0_i32 = arith.constant 0 : i32
    %c0_i32_0 = arith.constant 0 : i32
    %c0_i32_1 = arith.constant 0 : i32
    return %c0_i32, %c0_i32_0 : i32, i32
  }
  func.func @transform_5(%arg0: i32) -> (i32, i32) {
    %c0_i32 = arith.constant 0 : i32
    %c0_i32_0 = arith.constant 0 : i32
    %c0_i32_1 = arith.constant 0 : i32
    return %c0_i32, %c0_i32_0 : i32, i32
  }
  func.func @transform_6(%arg0: i32) -> (i32, i32) {
    %c0_i32 = arith.constant 0 : i32
    %c0_i32_0 = arith.constant 0 : i32
    return %arg0, %c0_i32 : i32, i32
  }
  func.func @transform_7(%arg0: i32) -> (i32, i32) {
    %c0_i32 = arith.constant 0 : i32
    %c0_i32_0 = arith.constant 0 : i32
    return %arg0, %c0_i32 : i32, i32
  }
  func.func @transform_8(%arg0: i32) -> (i32, i32) {
    %c0_i32 = arith.constant 0 : i32
    %c0_i32_0 = arith.constant 0 : i32
    return %arg0, %c0_i32 : i32, i32
  }
  func.func @transform_9(%arg0: i32) -> (i32, i32) {
    %c0_i32 = arith.constant 0 : i32
    %c0_i32_0 = arith.constant 0 : i32
    %c0_i32_1 = arith.constant 0 : i32
    return %c0_i32, %c0_i32_0 : i32, i32
  }
}

module attributes {stable_mosaic.version = 14 : i64} {
  func.func @_ffn_body(%arg0: i32, %arg1: memref<1024x128xf32, #tpu.memory_space<vmem>>, %arg2: memref<2x1024x128xf32, #tpu.memory_space<vmem>>, %arg3: memref<2x1024x1xf32, #tpu.memory_space<vmem>>, %arg4: memref<1x128xf32, #tpu.memory_space<vmem>>, %arg5: memref<1x128xf32, #tpu.memory_space<vmem>>, %arg6: memref<1x128xf32, #tpu.memory_space<vmem>>, %arg7: memref<128x512xf32, #tpu.memory_space<vmem>>, %arg8: memref<1x512xf32, #tpu.memory_space<vmem>>, %arg9: memref<512x128xf32, #tpu.memory_space<vmem>>, %arg10: memref<1x128xf32, #tpu.memory_space<vmem>>, %arg11: memref<1024x128xf32, #tpu.memory_space<vmem>>) attributes {dimension_semantics = [#tpu.dimension_semantics<arbitrary>], iteration_bounds = array<i64: 10>, scalar_prefetch = 0 : i64, scratch_operands = 0 : i64, tpu.core_type = #tpu.core_type<tc>, window_params = [{transform_indices = @transform_0, window_bounds = array<i64: 1024, 128>}, {transform_indices = @transform_1, window_bounds = array<i64: 2, 1024, 128>}, {transform_indices = @transform_2, window_bounds = array<i64: 2, 1024, 1>}, {pipeline_mode = #tpu.pipeline_mode<synchronous>, transform_indices = @transform_3, window_bounds = array<i64: 1, 128>}, {pipeline_mode = #tpu.pipeline_mode<synchronous>, transform_indices = @transform_4, window_bounds = array<i64: 1, 128>}, {pipeline_mode = #tpu.pipeline_mode<synchronous>, transform_indices = @transform_5, window_bounds = array<i64: 1, 128>}, {pipeline_mode = #tpu.pipeline_mode<synchronous>, transform_indices = @transform_6, window_bounds = array<i64: 128, 512>}, {pipeline_mode = #tpu.pipeline_mode<synchronous>, transform_indices = @transform_7, window_bounds = array<i64: 1, 512>}, {pipeline_mode = #tpu.pipeline_mode<synchronous>, transform_indices = @transform_8, window_bounds = array<i64: 512, 128>}, {pipeline_mode = #tpu.pipeline_mode<synchronous>, transform_indices = @transform_9, window_bounds = array<i64: 1, 128>}, {transform_indices = @transform_10, window_bounds = array<i64: 1024, 128>}]} {
    %get3A = arith.constant 0 : index
    %get3A_0 = arith.constant 0 : index
    %get3A_1 = arith.constant 0 : index
    %get3A_2 = vector.load %arg2[%get3A, %get3A_0, %get3A_1] : memref<2x1024x128xf32, #tpu.memory_space<vmem>>, vector<1x1024x128xf32>
    %get3A_3 = vector.shape_cast %get3A_2 : vector<1x1024x128xf32> to vector<1024x128xf32>
    %get3A_4 = arith.constant 1 : index
    %get3A_5 = arith.constant 0 : index
    %get3A_6 = arith.constant 0 : index
    %get3A_7 = vector.load %arg2[%get3A_4, %get3A_5, %get3A_6] : memref<2x1024x128xf32, #tpu.memory_space<vmem>>, vector<1x1024x128xf32>
    %get3A_8 = vector.shape_cast %get3A_7 : vector<1x1024x128xf32> to vector<1024x128xf32>
    %add3A = arith.addf %get3A_3, %get3A_8 : vector<1024x128xf32>
    %get3A_9 = arith.constant 0 : index
    %get3A_10 = arith.constant 0 : index
    %get3A_11 = arith.constant 0 : index
    %get3A_12 = vector.load %arg3[%get3A_9, %get3A_10, %get3A_11] : memref<2x1024x1xf32, #tpu.memory_space<vmem>>, vector<1x1024x1xf32>
    %get3A_13 = vector.shape_cast %get3A_12 : vector<1x1024x1xf32> to vector<1024x1xf32>
    %get3A_14 = arith.constant 1 : index
    %get3A_15 = arith.constant 0 : index
    %get3A_16 = arith.constant 0 : index
    %get3A_17 = vector.load %arg3[%get3A_14, %get3A_15, %get3A_16] : memref<2x1024x1xf32, #tpu.memory_space<vmem>>, vector<1x1024x1xf32>
    %get3A_18 = vector.shape_cast %get3A_17 : vector<1x1024x1xf32> to vector<1024x1xf32>
    %add3A_19 = arith.addf %get3A_13, %get3A_18 : vector<1024x1xf32>
    %add3A_20 = arith.constant 1.000000e-16 : f32
    %add3A_21 = vector.broadcast %add3A_20 : f32 to vector<1024x1xf32>
    %add3A_22 = arith.addf %add3A_19, %add3A_21 : vector<1024x1xf32>
    %div3A = vector.broadcast %add3A_22 : vector<1024x1xf32> to vector<1024x128xf32>
    %div3A_23 = arith.divf %add3A, %div3A : vector<1024x128xf32>
    %get3A_24 = arith.constant 0 : index
    %get3A_25 = arith.constant 0 : index
    %get3A_26 = vector.load %arg1[%get3A_24, %get3A_25] : memref<1024x128xf32, #tpu.memory_space<vmem>>, vector<1024x128xf32>
    %add3A_27 = arith.addf %get3A_26, %div3A_23 : vector<1024x128xf32>
    %get3A_28 = arith.constant 0 : index
    %get3A_29 = arith.constant 0 : index
    %get3A_30 = vector.load %arg4[%get3A_28, %get3A_29] : memref<1x128xf32, #tpu.memory_space<vmem>>, vector<1x128xf32>
    %add3A_31 = vector.broadcast %get3A_30 : vector<1x128xf32> to vector<1024x128xf32>
    %add3A_32 = arith.addf %add3A_27, %add3A_31 : vector<1024x128xf32>
    %reduce_sum3A = arith.constant dense<0.000000e+00> : vector<1024xf32>
    %reduce_sum3A_33 = vector.multi_reduction <add>, %add3A_32, %reduce_sum3A [1] : vector<1024x128xf32> to vector<1024xf32>
    %broadcast_in_dim3A = vector.shape_cast %reduce_sum3A_33 : vector<1024xf32> to vector<1024x1xf32>
    %div3A_34 = arith.constant 1.280000e+02 : f32
    %div3A_35 = vector.broadcast %div3A_34 : f32 to vector<1024x1xf32>
    %div3A_36 = arith.divf %broadcast_in_dim3A, %div3A_35 : vector<1024x1xf32>
    %sub3A = vector.broadcast %div3A_36 : vector<1024x1xf32> to vector<1024x128xf32>
    %sub3A_37 = arith.subf %add3A_32, %sub3A : vector<1024x128xf32>
    %sub3A_38 = vector.broadcast %div3A_36 : vector<1024x1xf32> to vector<1024x128xf32>
    %sub3A_39 = arith.subf %add3A_32, %sub3A_38 : vector<1024x128xf32>
    %mul3A = arith.mulf %sub3A_37, %sub3A_39 : vector<1024x128xf32>
    %reduce_sum3A_40 = arith.constant dense<0.000000e+00> : vector<1024xf32>
    %reduce_sum3A_41 = vector.multi_reduction <add>, %mul3A, %reduce_sum3A_40 [1] : vector<1024x128xf32> to vector<1024xf32>
    %broadcast_in_dim3A_42 = vector.shape_cast %reduce_sum3A_41 : vector<1024xf32> to vector<1024x1xf32>
    %div3A_43 = arith.constant 1.280000e+02 : f32
    %div3A_44 = vector.broadcast %div3A_43 : f32 to vector<1024x1xf32>
    %div3A_45 = arith.divf %broadcast_in_dim3A_42, %div3A_44 : vector<1024x1xf32>
    %sub3A_46 = vector.broadcast %div3A_36 : vector<1024x1xf32> to vector<1024x128xf32>
    %sub3A_47 = arith.subf %add3A_32, %sub3A_46 : vector<1024x128xf32>
    %add3A_48 = arith.constant 9.99999974E-6 : f32
    %add3A_49 = vector.broadcast %add3A_48 : f32 to vector<1024x1xf32>
    %add3A_50 = arith.addf %div3A_45, %add3A_49 : vector<1024x1xf32>
    %sqrt3A = math.sqrt %add3A_50 : vector<1024x1xf32>
    %div3A_51 = vector.broadcast %sqrt3A : vector<1024x1xf32> to vector<1024x128xf32>
    %div3A_52 = arith.divf %sub3A_47, %div3A_51 : vector<1024x128xf32>
    %get3A_53 = arith.constant 0 : index
    %get3A_54 = arith.constant 0 : index
    %get3A_55 = vector.load %arg5[%get3A_53, %get3A_54] : memref<1x128xf32, #tpu.memory_space<vmem>>, vector<1x128xf32>
    %mul3A_56 = vector.broadcast %get3A_55 : vector<1x128xf32> to vector<1024x128xf32>
    %mul3A_57 = arith.mulf %div3A_52, %mul3A_56 : vector<1024x128xf32>
    %get3A_58 = arith.constant 0 : index
    %get3A_59 = arith.constant 0 : index
    %get3A_60 = vector.load %arg6[%get3A_58, %get3A_59] : memref<1x128xf32, #tpu.memory_space<vmem>>, vector<1x128xf32>
    %add3A_61 = vector.broadcast %get3A_60 : vector<1x128xf32> to vector<1024x128xf32>
    %add3A_62 = arith.addf %mul3A_57, %add3A_61 : vector<1024x128xf32>
    %get3A_63 = arith.constant 0 : index
    %get3A_64 = arith.constant 0 : index
    %get3A_65 = vector.load %arg7[%get3A_63, %get3A_64] : memref<128x512xf32, #tpu.memory_space<vmem>>, vector<128x512xf32>
    %dot_general3A = arith.constant dense<0.000000e+00> : vector<1024x512xf32>
    %dot_general3A_66 = tpu.matmul %add3A_62, %get3A_65, %dot_general3A {dimension_numbers = #tpu.dot_dimension_numbers<[1], [0], [0], [1], [0, 0, 1, 1], [], []>, transpose_lhs_hint = false} : vector<1024x128xf32>, vector<128x512xf32>, vector<1024x512xf32> -> vector<1024x512xf32>
    %get3A_67 = arith.constant 0 : index
    %get3A_68 = arith.constant 0 : index
    %get3A_69 = vector.load %arg8[%get3A_67, %get3A_68] : memref<1x512xf32, #tpu.memory_space<vmem>>, vector<1x512xf32>
    %add3A_70 = vector.broadcast %get3A_69 : vector<1x512xf32> to vector<1024x512xf32>
    %add3A_71 = arith.addf %dot_general3A_66, %add3A_70 : vector<1024x512xf32>
    %max3A = arith.constant 0.000000e+00 : f32
    %max3A_72 = vector.broadcast %max3A : f32 to vector<1024x512xf32>
    %max3A_73 = arith.maximumf %add3A_71, %max3A_72 : vector<1024x512xf32>
    %get3A_74 = arith.constant 0 : index
    %get3A_75 = arith.constant 0 : index
    %get3A_76 = vector.load %arg9[%get3A_74, %get3A_75] : memref<512x128xf32, #tpu.memory_space<vmem>>, vector<512x128xf32>
    %dot_general3A_77 = arith.constant dense<0.000000e+00> : vector<1024x128xf32>
    %dot_general3A_78 = tpu.matmul %max3A_73, %get3A_76, %dot_general3A_77 {dimension_numbers = #tpu.dot_dimension_numbers<[1], [0], [0], [1], [0, 0, 1, 1], [], []>, transpose_lhs_hint = false} : vector<1024x512xf32>, vector<512x128xf32>, vector<1024x128xf32> -> vector<1024x128xf32>
    %get3A_79 = arith.constant 0 : index
    %get3A_80 = arith.constant 0 : index
    %get3A_81 = vector.load %arg10[%get3A_79, %get3A_80] : memref<1x128xf32, #tpu.memory_space<vmem>>, vector<1x128xf32>
    %add3A_82 = vector.broadcast %get3A_81 : vector<1x128xf32> to vector<1024x128xf32>
    %add3A_83 = arith.addf %dot_general3A_78, %add3A_82 : vector<1024x128xf32>
    %add3A_84 = arith.addf %add3A_32, %add3A_83 : vector<1024x128xf32>
    %swap3A = arith.constant 0 : index
    %swap3A_85 = arith.constant 0 : index
    %swap3A_86 = vector.load %arg11[%swap3A, %swap3A_85] : memref<1024x128xf32, #tpu.memory_space<vmem>>, vector<1024x128xf32>
    tpu.vector_store %arg11[%swap3A, %swap3A_85], %add3A_84 {strides = array<i32>} : memref<1024x128xf32, #tpu.memory_space<vmem>>, vector<1024x128xf32>,
    return
  }
  func.func @transform_0(%arg0: i32) -> (i32, i32) {
    %c0_i32 = arith.constant 0 : i32
    %c0_i32_0 = arith.constant 0 : i32
    return %arg0, %c0_i32 : i32, i32
  }
  func.func @transform_1(%arg0: i32) -> (i32, i32, i32) {
    %c0_i32 = arith.constant 0 : i32
    %c0_i32_0 = arith.constant 0 : i32
    %c0_i32_1 = arith.constant 0 : i32
    return %c0_i32, %arg0, %c0_i32_0 : i32, i32, i32
  }
  func.func @transform_2(%arg0: i32) -> (i32, i32, i32) {
    %c0_i32 = arith.constant 0 : i32
    %c0_i32_0 = arith.constant 0 : i32
    %c0_i32_1 = arith.constant 0 : i32
    return %c0_i32, %arg0, %c0_i32_0 : i32, i32, i32
  }
  func.func @transform_3(%arg0: i32) -> (i32, i32) {
    %c0_i32 = arith.constant 0 : i32
    %c0_i32_0 = arith.constant 0 : i32
    %c0_i32_1 = arith.constant 0 : i32
    return %c0_i32, %c0_i32_0 : i32, i32
  }
  func.func @transform_4(%arg0: i32) -> (i32, i32) {
    %c0_i32 = arith.constant 0 : i32
    %c0_i32_0 = arith.constant 0 : i32
    %c0_i32_1 = arith.constant 0 : i32
    return %c0_i32, %c0_i32_0 : i32, i32
  }
  func.func @transform_5(%arg0: i32) -> (i32, i32) {
    %c0_i32 = arith.constant 0 : i32
    %c0_i32_0 = arith.constant 0 : i32
    %c0_i32_1 = arith.constant 0 : i32
    return %c0_i32, %c0_i32_0 : i32, i32
  }
  func.func @transform_6(%arg0: i32) -> (i32, i32) {
    %c0_i32 = arith.constant 0 : i32
    %c0_i32_0 = arith.constant 0 : i32
    %c0_i32_1 = arith.constant 0 : i32
    return %c0_i32, %c0_i32_0 : i32, i32
  }
  func.func @transform_7(%arg0: i32) -> (i32, i32) {
    %c0_i32 = arith.constant 0 : i32
    %c0_i32_0 = arith.constant 0 : i32
    %c0_i32_1 = arith.constant 0 : i32
    return %c0_i32, %c0_i32_0 : i32, i32
  }
  func.func @transform_8(%arg0: i32) -> (i32, i32) {
    %c0_i32 = arith.constant 0 : i32
    %c0_i32_0 = arith.constant 0 : i32
    %c0_i32_1 = arith.constant 0 : i32
    return %c0_i32, %c0_i32_0 : i32, i32
  }
  func.func @transform_9(%arg0: i32) -> (i32, i32) {
    %c0_i32 = arith.constant 0 : i32
    %c0_i32_0 = arith.constant 0 : i32
    %c0_i32_1 = arith.constant 0 : i32
    return %c0_i32, %c0_i32_0 : i32, i32
  }
  func.func @transform_10(%arg0: i32) -> (i32, i32) {
    %c0_i32 = arith.constant 0 : i32
    %c0_i32_0 = arith.constant 0 : i32
    return %arg0, %c0_i32 : i32, i32
  }
}

</mosaic_0001>

<sc_bundles>
// kernel: kernel.6.cloned.1.call-start
scs
__scs_entry_jumppad:
0x0: {  	(pc) =	sbr.rel $0x88, $3  }
0x1: {  	(tag) =	ssettag $0x0;
	lr =	simm.s32 $0x1  }
0x2: {  	[smem:$0x3F90] =	sst lr;
	_ =	strace $0xD0000000  }
0x3: {  	_ = 	snop  }
0x4: {  	_ = 	snop  }
0x5: {  	_ = 	snop  }
0x6: {  	_ = 	snop  }
0x7: {  	_ = 	snop  }
__scs_overlays_trampoline_lowered:
0x8: {  	[smem:$0x3F9F] =	sst s0  }
0x9: {  	[smem:$0x3FA0] =	sst s1  }
0xa: {  	[smem:$0x3FA1] =	sst s2  }
0xb: {  	[smem:$0x3FA2] =	sst s3  }
0xc: {  	[smem:$0x3FA3] =	sst s4  }
0xd: {  	[smem:$0x3FA4] =	sst s5  }
0xe: {  	[smem:$0x3FA5] =	sst s6  }
0xf: {  	[smem:$0x3FA6] =	sst s7  }
0x10: {  	[smem:$0x3FA7] =	sst s8  }
0x11: {  	[smem:$0x3FA8] =	sst s9;
	s0 =	simm.s32 @!p0 $0x0  }
0x12: {  	s1 =	sld [smem:$0x3F8E];
	s0 =	simm.s32 @p0 $0x1  }
0x13: {  	[smem:$0x3FA9] =	sst s0;
	s0 =	simm.s32 @!p1 $0x0  }
0x14: {  	s2 =	sld [smem:$0x3F8D];
	s0 =	simm.s32 @p1 $0x1  }
0x15: {  	[smem:$0x3FAA] =	sst s0;
	s0 =	simm.s32 @!p2 $0x0  }
0x16: {  	s3 =	sld [smem:$0x3FDB];
	s0 =	simm.s32 @p2 $0x1  }
0x17: {  	s4 =	simm.s32 $0x1BF5;
	[smem:$0x3FAC] =	sst s0  }
0x18: {  	s0 =	sld [smem:$0x3F8F];
	_ =	swait.ge [sflag:s4], $0x0  }
0x19: {  	s7 =	sld [smem:$0x3F90]  }
0x1a: {  	s8 =	sadd.s32 $0xFFFFE003, lr  }
0x1b: {  	s9 =	sadd.s32 $0xFFFFFEF7, lr;
	s5 =	simm.s32 $0xFFFFFFFF;
	p2 =	slt.u32 s8, $0xFFFFF086  }
0x1c: {  	p1 =	slt.u32 s9, $0xF7A;
	s5 =	simm.s32 @!p2 $0x0  }
0x1d: {  	s5 =	simm.s32 @p1 $0x1;
	p0 =	seq.s32 s7, s2  }
0x1e: {  	s7 =	smul.u32 @!p0 $0xF7A, s2;
	p2 =	seq.s32 @!p0 s5, $0x0  }
0x1f: {  	s9 =	smul.u32 $0xF7A, s1;
	s8 =	simm.s32 @!p0 $0x1BF5;
	p2 =	por !p2, p0  }
0x20: {  	[sflag:s8] =	ssyncset.s32 @!p0 $0xFFFFF086;
	s6 =	sadd.s32 @!p0 s3, s7;
	s7 =	simm.s32 @!p0 $0x108  }
0x21: {  	s3 =	sadd.s32 s3, s9;
	s6 =	sadd.s32 @!p0 $0x88, s6;
	s7 =	simm.s32 @p2 $0x1082  }
0x22: {  	[simem:s7], [sflag:s8] =	dma.local @!p0 [hbm:s6], $0xF7A  }
0x23: {  	s9 =	sor.u32 $0xD0000000, s2;
	s6 =	simm.s32 $0x108;
	_ =	swait.ge @!p0 [sflag:s8], $0x0  }
0x24: {  	s3 =	sadd.s32 $0x88, s3;
	s6 =	simm.s32 @!p1 $0x1082;
	[sflag:s4] =	ssyncset.s32 $0xFFFFF086  }
0x25: {  	[simem:s6], [sflag:s4] =	dma.local [hbm:s3], $0xF7A  }
0x26: {  	[smem:$0x3F90] =	sst s1;
	(tag) =	ssettag s2;
	_ =	strace s9  }
0x27: {  	s1 =	sld [smem:$0x3FA0]  }
0x28: {  	s2 =	sld [smem:$0x3FA1]  }
0x29: {  	s4 =	sld [smem:$0x3FA3]  }
0x2a: {  	p0 =	seq.s32 s5, $0x0;
	s5 =	sld [smem:$0x3FA4]  }
0x2b: {  	s6 =	sld [smem:$0x3FA5]  }
0x2c: {  	s7 =	sld [smem:$0x3FA6]  }
0x2d: {  	s3 =	simm.s32 $0x108;
	s8 =	sld [smem:$0x3FA7]  }
0x2e: {  	s3 =	simm.s32 @!p0 $0x1082;
	s9 =	sld [smem:$0x3FA8]  }
0x2f: {  	lr =	sadd.s32 s0, s3;
	s0 =	sld [smem:$0x3F9F]  }
0x30: {  	s3 =	sld [smem:$0x3FA2]  }
0x31: {  	[smem:$0x3FAB] =	sst s10  }
0x32: {  	s10 =	sld [smem:$0x3FA9];
	_ =	sdelay $0x3  }
0x33: {  	p0 =	seq.s32 s10, $0x1;
	s10 =	sld [smem:$0x3FAB];
	_ =	sdelay $0x3  }
0x34: {  	[smem:$0x3FAB] =	sst s10  }
0x35: {  	s10 =	sld [smem:$0x3FAA];
	_ =	sdelay $0x3  }
0x36: {  	p1 =	seq.s32 s10, $0x1;
	s10 =	sld [smem:$0x3FAB];
	_ =	sdelay $0x3  }
0x37: {  	[smem:$0x3FAB] =	sst s10  }
0x38: {  	s10 =	sld [smem:$0x3FAC]  }
0x39: {  	_ = 	snop;
	(pc) =	sbr.ind lr, $3  }
0x3a: {  	_ = 	snop  }
0x3b: {  	_ = 	snop  }
0x3c: {  	p2 =	seq.s32 s10, $0x1;
	s10 =	sld [smem:$0x3FAB]  }
0x3d: {  	_ =	shalt  }
0x3e: {  	_ =	shalt  }
0x3f: {  	_ =	shalt  }
0x40: {  	_ =	shalt  }
0x41: {  	_ =	shalt  }
0x42: {  	_ =	shalt  }
0x43: {  	_ =	shalt  }
0x44: {  	_ =	shalt  }
0x45: {  	_ =	shalt  }
0x46: {  	_ =	shalt  }
0x47: {  	_ =	shalt  }
0x48: {  	_ =	shalt  }
0x49: {  	_ =	shalt  }
0x4a: {  	_ =	shalt  }
0x4b: {  	_ =	shalt  }
0x4c: {  	_ =	shalt  }
0x4d: {  	_ =	shalt  }
0x4e: {  	_ =	shalt  }
0x4f: {  	_ =	shalt  }
0x50: {  	_ =	shalt  }
0x51: {  	_ =	shalt  }
0x52: {  	_ =	shalt  }
0x53: {  	_ =	shalt  }
0x54: {  	_ =	shalt  }
0x55: {  	_ =	shalt  }
0x56: {  	_ =	shalt  }
0x57: {  	_ =	shalt  }
0x58: {  	_ =	shalt  }
0x59: {  	_ =	shalt  }
0x5a: {  	_ =	shalt  }
0x5b: {  	_ =	shalt  }
0x5c: {  	_ =	shalt  }
0x5d: {  	_ =	shalt  }
0x5e: {  	_ =	shalt  }
0x5f: {  	_ =	shalt  }
0x60: {  	_ =	shalt  }
0x61: {  	_ =	shalt  }
0x62: {  	_ =	shalt  }
0x63: {  	_ =	shalt  }
0x64: {  	_ =	shalt  }
0x65: {  	_ =	shalt  }
0x66: {  	_ =	shalt  }
0x67: {  	_ =	shalt  }
0x68: {  	_ =	shalt  }
0x69: {  	_ =	shalt  }
0x6a: {  	_ =	shalt  }
0x6b: {  	_ =	shalt  }
0x6c: {  	_ =	shalt  }
0x6d: {  	_ =	shalt  }
0x6e: {  	_ =	shalt  }
0x6f: {  	_ =	shalt  }
0x70: {  	_ =	shalt  }
0x71: {  	_ =	shalt  }
0x72: {  	_ =	shalt  }
0x73: {  	_ =	shalt  }
0x74: {  	_ =	shalt  }
0x75: {  	_ =	shalt  }
0x76: {  	_ =	shalt  }
0x77: {  	_ =	shalt  }
0x78: {  	_ =	shalt  }
0x79: {  	_ =	shalt  }
0x7a: {  	_ =	shalt  }
0x7b: {  	_ =	shalt  }
0x7c: {  	_ =	shalt  }
0x7d: {  	_ =	shalt  }
0x7e: {  	_ =	shalt  }
0x7f: {  	_ =	shalt  }
0x80: {  	_ =	shalt  }
0x81: {  	_ =	shalt  }
0x82: {  	_ =	shalt  }
0x83: {  	_ =	shalt  }
0x84: {  	_ =	shalt  }
0x85: {  	_ =	shalt  }
0x86: {  	_ =	shalt  }
0x87: {  	_ =	shalt  }
.Lfunc_end0:
.L_simem_size_0:
called_computation_lowered:
.L_overlay_start_0:
0x88: {  	s2 =	sld [smem:$0x3FD9]  }
0x89: {  	s3 =	sld [smem:$0x3FFE];
	_ =	sdelay $0x1  }
0x8a: {  	s1 =	srdreg.scid  }
0x8b: {  	s0 =	sand.u32 $0x1, s1  }
0x8c: {  	s17 =	sshll.u32 s0, $0xA;
	s2 =	sadd.s32 s3, s2  }
0x8d: {  	s2 =	sadd.s32 s2, s17  }
0x8e: {  	[smem:$0x3FB7] =	sst s2  }
0x8f: {  	_ = 	snop  }
0x90: {  	s2 =	sld [smem:$0x3FD0];
	(tm) =	ssettm $0x1  }
0x91: {  	s18 =	sld [smem:$0x3FFB];
	_ =	sdelay $0x3  }
0x92: {  	_ =	strace s18  }
0x93: {  	s3 =	sld [smem:$0x3FFC];
	_ =	sdelay $0x3  }
0x94: {  	_ =	strace s3  }
0x95: {  	s3 =	sld [smem:$0x3FFD];
	_ =	sdelay $0x3  }
0x96: {  	_ =	strace s3  }
0x97: {  	_ =	strace $0x8FFFFFFF  }
0x98: {  	s19 =	sld [smem:$0x3FDB];
	_ =	sdelay $0x1  }
0x99: {  	s4 =	simm.s32 $_scs_section_size  }
0x9a: {  	s5 =	simm.s32 $_size__tile_overlayer_lowered;
	s6 =	simm.s32 $_tile_overlayer_lowered  }
0x9b: {  	s22 =	simm.s32 $0x1BFF;
	s21 =	sshll.u32 s6, $0x1;
	s3 =	sadd.s32 s4, s19  }
0x9c: {  	s7 =	simm.s32 $0x0;
	s20 =	sshll.u32 s5, $0x1;
	s5 =	sadd.s32 s21, s3  }
0x9d: {  	[timem:s7], [sflag:s22] =	dma.local [hbm:s5], s20  }
0x9e: {  	_ =	swait.ge [sflag:s22], s20  }
0x9f: {  	s4 =	ssub.s32 $0x0, s20;
	[sflag:s22] =	ssyncset.done $0x0  }
0xa0: {  	[sflag:s22] =	ssyncadd.s32 s4;
	_ =	sdelay $0x1  }
0xa1: {  	s23 =	simm.s32 $0x1B8B  }
0xa2: {  	_ =	swait.ge [sflag:s23], $0x1  }
0xa3: {  	[sflag:s23] =	ssyncset.done $0x0  }
0xa4: {  	s25 =	simm.s32 $0x1B8E;
	s24 =	sld [smem:$0x3FFE];
	[sflag:s23] =	ssyncadd.s32 $0xFFFFFFFF  }
0xa5: {  	s26 =	simm.s32 $execute0_lowered;
	[smem:$0x3FD2] =	sst s25  }
0xa6: {  	s5 =	sshll.u32 s26, $0x1;
	_ =	strace $0x80000046;
	[dreg:$0x1] =	wrdreg $0xFFFFFFFF  }
0xa7: {  	s28 =	simm.s32 $_size_execute0_lowered;
	s3 =	sadd.s32 s3, s5;
	[dreg:$0x0] =	wrdreg $0x0  }
0xa8: {  	s5 =	sshll.u32 s28, $0x1;
	[dreg:$0x2] =	wrdreg s3  }
0xa9: {  	[dreg:$0x3] =	wrdreg s5  }
0xaa: {  	[dreg:$0x4] =	wrdreg $0xC0  }
0xab: {  	_ =	task [dreg:s7], $0x5FFFF  }
0xac: {  	[dreg:$0x1] =	wrdreg $0xFFFFFFFF  }
0xad: {  	[dreg:$0x0] =	wrdreg $0x60  }
0xae: {  	[dreg:$0x2] =	wrdreg s24  }
0xaf: {  	[dreg:$0x3] =	wrdreg s2  }
0xb0: {  	[dreg:$0x4] =	wrdreg $0xA4000  }
0xb1: {  	[dreg:$0x5] =	wrdreg $0x1E4000  }
0xb2: {  	[dreg:$0x6] =	wrdreg $0x9  }
0xb3: {  	_ =	task.clear_ibuf [dreg:s7], $0x7FFFF;
	_ =	strace $0x90000046  }
0xb4: {  	s29 =	simm.s32 $0x9;
	_ =	strace $0x80000048  }
0xb5: {  	_ =	swait.ge [sflag:s29], $0x1  }
0xb6: {  	[sflag:s29] =	ssyncadd.s32 $0xFFFFFFFF  }
0xb7: {  	_ =	strace $0x90000048  }
0xb8: {  	_ =	sfence  }
0xb9: {  	s30 =	sld [smem:$0x0];
	_ =	sdelay $0x2  }
0xba: {  	s31 =	sshll.u32 s1, $0xD;
	s1 =	sshrl.u32 s1, $0x2  }
0xbb: {  	s3 =	sand.u32 $0x4000, s31;
	s1 =	sadd.s32 s1, s30  }
0xbc: {  	s0 =	sor.u32 s3, s0;
	s1 =	sshll.u32 s1, $0x11  }
0xbd: {  	s0 =	sor.u32 s1, s0  }
0xbe: {  	s0 =	sadd.s32 $0x8F2B, s0  }
0xbf: {  	[sflag:s0] =	ssyncadd.remote.s32 $0x1  }
0xc0: {  	_ =	sfence.sel $0xFFFF  }
0xc1: {  	[dreg:$0x0] =	wrdreg $0xFFFFFFFF;
	(pc) =	sbr.abs _section_cstart, $3  }
0xc2: {  	[dreg:$0x1] =	wrdreg $0xFFFFFFFF  }
0xc3: {  	_ =	task.clear_ibuf [dreg:s7], $0x2FFFF;
	_ =	strace $0x9FFFFFFF  }
0xc4: {  	(tm) =	ssettm $0x7FFFFFFF  }
0xc5: {  	_ =	shalt  }
tec
execute0_lowered:
.L_overlay_start_1:
0x0: {  	(tag) =	ssettag $0x1  }
0x1: {  	s0 =	rddreg [dreg:$0x0]  }
0x2: {  	s1 =	rddreg [dreg:$0x1]  }
0x3: {  	s2 =	rddreg [dreg:$0x2]  }
0x4: {  	s3 =	rddreg [dreg:$0x3]  }
0x5: {  	s5 =	simm.s32 $0x0;
	s4 =	srdreg.scid;
	s14 =	stileid.u32  }
0x6: {  	s28 =	simm.s32 $0x0;
	[smem:$0x7FF] =	sst s5;
	s4 =	sand.u32 $0x1, s4  }
0x7: {  	s6 =	sadd.s32 $0x1400, s0;
	s9 =	smul.u32 $0x14000, s14;
	s7 =	sadd.s32 $0x4ED400, s0  }
0x8: {  	s10 =	sadd.s32 $0x33400, s0;
	s20 =	smul.u32 $0x500, s14;
	s11 =	sadd.s32 $0x33A00, s0  }
0x9: {  	s23 =	smul.u32 $0x50000, s14;
	_ =	strace $0x80000047;
	[dreg:$0x5] =	wrdreg s10  }
0xa: {  	s21 =	sadd.s32 $0xB200, s0;
	s25 =	smul.u32 $0xA00, s14;
	[dreg:$0x6] =	wrdreg s11  }
0xb: {  	s8 =	smul.u32 $0x140000, s4;
	[dreg:$0x7] =	wrdreg s21;
	s12 =	sshll.u32 s4, $0x7  }
0xc: {  	s11 =	sadd.s32 $0xB400, s0;
	s24 =	ssub.s32 $0x2, s4;
	s4 =	sshll.u32 s4, $0x4  }
0xd: {  	s22 =	sor.u32 s12, s20;
	s13 =	sshrl.u32 s24, $0x1;
	s10 =	sshrl.u32 s23, $0x2  }
0xe: {  	s4 =	sor.u32 s14, s4;
	s8 =	sadd.s32 s9, s8;
	s9 =	sshrl.u32 s22, $0x3  }
0xf: {  	s29 =	sadd.s32 s10, s2;
	s4 =	smul.u32 $0x2710, s4;
	s10 =	sshrl.u32 s25, $0x2  }
0x10: {  	s8 =	sshrl.u32 s8, $0x3;
	s26 =	sadd.s32 $0x2800, s29;
	[dreg:$0xc] =	wrdreg s29  }
0x11: {  	s30 =	sadd.s32 $0x5000, s29;
	s31 =	sadd.s32 $0x7800, s29;
	[dreg:$0x8] =	wrdreg s26  }
0x12: {  	s12 =	sadd.s32 $0xA000, s29;
	s17 =	sadd.s32 s10, s3;
	[dreg:$0x9] =	wrdreg s30  }
0x13: {  	s20 =	sadd.s32 $0xC800, s29;
	s23 =	sadd.s32 $0xF000, s29;
	[dreg:$0xa] =	wrdreg s31  }
0x14: {  	s8 =	sadd.s32 s8, s0;
	s0 =	sadd.s32 s9, s0;
	[dreg:$0xb] =	wrdreg s12  }
0x15: {  	s9 =	ssub.s32 s24, s13;
	s14 =	sshrl.u32 s4, $0x3;
	[dreg:$0x13] =	wrdreg s20  }
0x16: {  	s21 =	sadd.s32 $0x50, s4;
	[dreg:$0x14] =	wrdreg s23;
	s24 =	sadd.s32 $0x11800, s29  }
0x17: {  	s22 =	sadd.s32 $0xA0, s4;
	s25 =	sadd.s32 $0x80, s17;
	[dreg:$0x15] =	wrdreg s24  }
0x18: {  	s26 =	sadd.s32 $0x100, s17;
	s30 =	sadd.s32 $0x180, s17;
	[dreg:$0x16] =	wrdreg s25  }
0x19: {  	s31 =	sadd.s32 $0x200, s17;
	s13 =	simm.s32 $0x7B80;
	[dreg:$0x17] =	wrdreg s26  }
0x1a: {  	s20 =	simm.s32 $0x280;
	s23 =	simm.s32 $0x2B80;
	[dreg:$0x18] =	wrdreg s30  }
0x1b: {  	s15 =	sadd.s32 s6, s14;
	s16 =	sadd.s32 s1, s14;
	[dreg:$0x19] =	wrdreg s31  }
0x1c: {  	s10 =	sadd.s32 s7, s14;
	s18 =	sadd.s32 $0x34A00, s8;
	[dreg:$0xd] =	wrdreg s15  }
0x1d: {  	s0 =	sadd.s32 $0x34000, s0;
	s19 =	smax.u32 s9, $0x1;
	[dreg:$0xe] =	wrdreg s16  }
0x1e: {  	s8 =	simm.s32 $0x380;
	s9 =	simm.s32 $0x3;
	[dreg:$0xf] =	wrdreg s10  }
0x1f: {  	s14 =	simm.s32 $0x100;
	s24 =	simm.s32 $0x1;
	[dreg:$0x10] =	wrdreg s18  }
0x20: {  	s25 =	simm.s32 $0x300;
	s26 =	simm.s32 $0x2;
	[dreg:$0x11] =	wrdreg s0  }
0x21: {  	[dreg:$0x12] =	wrdreg s19;
	s10 =	simm.s32 $0x5380;
	s15 =	simm.s32 $0x200  }
0x22: {  	v0 =	vimm.f32 $0.0e+00;
	s16 =	simm.s32 $0x50;
	s18 =	simm.s32 $0x80;
	s19 =	simm.s32 $0x180  }
.LBB2_1:
0x23: {  	s0 =	simm.s32 $0x580  }
0x24: {  	[tilespmem:s0+$0xFFFFFE00] =	vst v0  }
0x25: {  	[tilespmem:s0+$0x1F0] =	vst v0  }
0x26: {  	[tilespmem:s0+$0x1E0] =	vst v0  }
0x27: {  	[tilespmem:s0+$0x1D0] =	vst v0  }
0x28: {  	[tilespmem:s0+$0x1C0] =	vst v0  }
0x29: {  	[tilespmem:s0+$0x1B0] =	vst v0  }
0x2a: {  	[tilespmem:s0+$0x1A0] =	vst v0  }
0x2b: {  	[tilespmem:s0+$0x190] =	vst v0  }
0x2c: {  	[tilespmem:s0+$0x180] =	vst v0  }
0x2d: {  	[tilespmem:s0+$0x170] =	vst v0  }
0x2e: {  	[tilespmem:s0+$0x160] =	vst v0  }
0x2f: {  	[tilespmem:s0+$0x150] =	vst v0  }
0x30: {  	[tilespmem:s0+$0x140] =	vst v0  }
0x31: {  	[tilespmem:s0+$0x130] =	vst v0  }
0x32: {  	[tilespmem:s0+$0x120] =	vst v0  }
0x33: {  	[tilespmem:s0+$0x110] =	vst v0  }
0x34: {  	[tilespmem:s0+$0x100] =	vst v0  }
0x35: {  	[tilespmem:s0+$0xF0] =	vst v0  }
0x36: {  	[tilespmem:s0+$0xE0] =	vst v0  }
0x37: {  	[tilespmem:s0+$0xD0] =	vst v0  }
0x38: {  	[tilespmem:s0+$0xC0] =	vst v0  }
0x39: {  	[tilespmem:s0+$0xB0] =	vst v0  }
0x3a: {  	[tilespmem:s0+$0xA0] =	vst v0  }
0x3b: {  	[tilespmem:s0+$0x90] =	vst v0  }
0x3c: {  	[tilespmem:s0+$0x80] =	vst v0  }
0x3d: {  	[tilespmem:s0+$0x70] =	vst v0  }
0x3e: {  	[tilespmem:s0+$0x60] =	vst v0  }
0x3f: {  	[tilespmem:s0+$0x50] =	vst v0  }
0x40: {  	[tilespmem:s0+$0x40] =	vst v0  }
0x41: {  	[tilespmem:s0+$0x30] =	vst v0  }
0x42: {  	[tilespmem:s0+$0x20] =	vst v0  }
0x43: {  	[tilespmem:s0+$0x10] =	vst v0  }
0x44: {  	[tilespmem:s0+$0x0] =	vst v0  }
0x45: {  	[tilespmem:s0+$0xFFFFFFF0] =	vst v0  }
0x46: {  	[tilespmem:s0+$0xFFFFFFE0] =	vst v0  }
0x47: {  	[tilespmem:s0+$0xFFFFFFD0] =	vst v0  }
0x48: {  	[tilespmem:s0+$0xFFFFFFC0] =	vst v0  }
0x49: {  	[tilespmem:s0+$0xFFFFFFB0] =	vst v0  }
0x4a: {  	[tilespmem:s0+$0xFFFFFFA0] =	vst v0  }
0x4b: {  	[tilespmem:s0+$0xFFFFFF90] =	vst v0  }
0x4c: {  	[tilespmem:s0+$0xFFFFFF80] =	vst v0  }
0x4d: {  	[tilespmem:s0+$0xFFFFFF70] =	vst v0  }
0x4e: {  	[tilespmem:s0+$0xFFFFFF60] =	vst v0  }
0x4f: {  	[tilespmem:s0+$0xFFFFFF50] =	vst v0  }
0x50: {  	[tilespmem:s0+$0xFFFFFF40] =	vst v0  }
0x51: {  	[tilespmem:s0+$0xFFFFFF30] =	vst v0  }
0x52: {  	[tilespmem:s0+$0xFFFFFF20] =	vst v0  }
0x53: {  	[tilespmem:s0+$0xFFFFFF10] =	vst v0  }
0x54: {  	[tilespmem:s0+$0xFFFFFF00] =	vst v0  }
0x55: {  	[tilespmem:s0+$0xFFFFFEF0] =	vst v0  }
0x56: {  	[tilespmem:s0+$0xFFFFFEE0] =	vst v0  }
0x57: {  	[tilespmem:s0+$0xFFFFFED0] =	vst v0  }
0x58: {  	[tilespmem:s0+$0xFFFFFEC0] =	vst v0  }
0x59: {  	[tilespmem:s0+$0xFFFFFEB0] =	vst v0  }
0x5a: {  	[tilespmem:s0+$0xFFFFFEA0] =	vst v0  }
0x5b: {  	[tilespmem:s0+$0xFFFFFE90] =	vst v0  }
0x5c: {  	[tilespmem:s0+$0xFFFFFE80] =	vst v0  }
0x5d: {  	[tilespmem:s0+$0xFFFFFE70] =	vst v0  }
0x5e: {  	[tilespmem:s0+$0xFFFFFE60] =	vst v0  }
0x5f: {  	[tilespmem:s0+$0xFFFFFE50] =	vst v0  }
0x60: {  	[tilespmem:s0+$0xFFFFFE40] =	vst v0  }
0x61: {  	[tilespmem:s0+$0xFFFFFE30] =	vst v0  }
0x62: {  	s4 =	simm.s32 $0x0;
	[tilespmem:s0+$0xFFFFFE20] =	vst v0  }
.LBB2_2:
0x63: {  	s4 =	sadd.s32 $0x8, s4;
	[tilespmem:s0+$0xFFFFFE10] =	vst v0;
	s0 =	sadd.s32 $0x400, s0  }
0x64: {  	[tilespmem:s0+$0xFFFFFE00] =	vst v0;
	p0 =	slt.u32 s4, $0x48  }
0x65: {  	[tilespmem:s0+$0x1F0] =	vst v0  }
0x66: {  	[tilespmem:s0+$0x1E0] =	vst v0  }
0x67: {  	[tilespmem:s0+$0x1D0] =	vst v0  }
0x68: {  	[tilespmem:s0+$0x1C0] =	vst v0  }
0x69: {  	[tilespmem:s0+$0x1B0] =	vst v0  }
0x6a: {  	[tilespmem:s0+$0x1A0] =	vst v0  }
0x6b: {  	[tilespmem:s0+$0x190] =	vst v0  }
0x6c: {  	[tilespmem:s0+$0x180] =	vst v0  }
0x6d: {  	[tilespmem:s0+$0x170] =	vst v0  }
0x6e: {  	[tilespmem:s0+$0x160] =	vst v0  }
0x6f: {  	[tilespmem:s0+$0x150] =	vst v0  }
0x70: {  	[tilespmem:s0+$0x140] =	vst v0  }
0x71: {  	[tilespmem:s0+$0x130] =	vst v0  }
0x72: {  	[tilespmem:s0+$0x120] =	vst v0  }
0x73: {  	[tilespmem:s0+$0x110] =	vst v0  }
0x74: {  	[tilespmem:s0+$0x100] =	vst v0  }
0x75: {  	[tilespmem:s0+$0xF0] =	vst v0  }
0x76: {  	[tilespmem:s0+$0xE0] =	vst v0  }
0x77: {  	[tilespmem:s0+$0xD0] =	vst v0  }
0x78: {  	[tilespmem:s0+$0xC0] =	vst v0  }
0x79: {  	[tilespmem:s0+$0xB0] =	vst v0  }
0x7a: {  	[tilespmem:s0+$0xA0] =	vst v0  }
0x7b: {  	[tilespmem:s0+$0x90] =	vst v0  }
0x7c: {  	[tilespmem:s0+$0x80] =	vst v0  }
0x7d: {  	[tilespmem:s0+$0x70] =	vst v0  }
0x7e: {  	[tilespmem:s0+$0x60] =	vst v0  }
0x7f: {  	[tilespmem:s0+$0x50] =	vst v0  }
0x80: {  	[tilespmem:s0+$0x40] =	vst v0  }
0x81: {  	[tilespmem:s0+$0x30] =	vst v0  }
0x82: {  	[tilespmem:s0+$0x20] =	vst v0  }
0x83: {  	[tilespmem:s0+$0x10] =	vst v0  }
0x84: {  	[tilespmem:s0+$0x0] =	vst v0  }
0x85: {  	[tilespmem:s0+$0xFFFFFFF0] =	vst v0  }
0x86: {  	[tilespmem:s0+$0xFFFFFFE0] =	vst v0  }
0x87: {  	[tilespmem:s0+$0xFFFFFFD0] =	vst v0  }
0x88: {  	[tilespmem:s0+$0xFFFFFFC0] =	vst v0  }
0x89: {  	[tilespmem:s0+$0xFFFFFFB0] =	vst v0  }
0x8a: {  	[tilespmem:s0+$0xFFFFFFA0] =	vst v0  }
0x8b: {  	[tilespmem:s0+$0xFFFFFF90] =	vst v0  }
0x8c: {  	[tilespmem:s0+$0xFFFFFF80] =	vst v0  }
0x8d: {  	[tilespmem:s0+$0xFFFFFF70] =	vst v0  }
0x8e: {  	[tilespmem:s0+$0xFFFFFF60] =	vst v0  }
0x8f: {  	[tilespmem:s0+$0xFFFFFF50] =	vst v0  }
0x90: {  	[tilespmem:s0+$0xFFFFFF40] =	vst v0  }
0x91: {  	[tilespmem:s0+$0xFFFFFF30] =	vst v0  }
0x92: {  	[tilespmem:s0+$0xFFFFFF20] =	vst v0  }
0x93: {  	[tilespmem:s0+$0xFFFFFF10] =	vst v0  }
0x94: {  	[tilespmem:s0+$0xFFFFFF00] =	vst v0  }
0x95: {  	[tilespmem:s0+$0xFFFFFEF0] =	vst v0  }
0x96: {  	[tilespmem:s0+$0xFFFFFEE0] =	vst v0  }
0x97: {  	[tilespmem:s0+$0xFFFFFED0] =	vst v0  }
0x98: {  	[tilespmem:s0+$0xFFFFFEC0] =	vst v0  }
0x99: {  	[tilespmem:s0+$0xFFFFFEB0] =	vst v0  }
0x9a: {  	[tilespmem:s0+$0xFFFFFEA0] =	vst v0  }
0x9b: {  	[tilespmem:s0+$0xFFFFFE90] =	vst v0  }
0x9c: {  	[tilespmem:s0+$0xFFFFFE80] =	vst v0  }
0x9d: {  	[tilespmem:s0+$0xFFFFFE70] =	vst v0  }
.Ltmp0:
0x9e: {  	[tilespmem:s0+$0xFFFFFE60] =	vst v0;
	(pc) =	sbr.rel @p0 .LBB2_2-.Ltmp0, $4  }
0x9f: {  	[tilespmem:s0+$0xFFFFFE50] =	vst v0  }
0xa0: {  	[tilespmem:s0+$0xFFFFFE40] =	vst v0  }
0xa1: {  	[tilespmem:s0+$0xFFFFFE30] =	vst v0  }
0xa2: {  	[tilespmem:s0+$0xFFFFFE20] =	vst v0  }
0xa3: {  	[tilespmem:s0+$0xFFFFFE10] =	vst v0  }
0xa4: {  	[spmem:s29] =	stream.linear.scatter [tilespmem:s8], [sflag:$0x3], $0x2800, $0x38;
	[tilespmem:$0x1E680] =	vst v63  }
0xa5: {  	_ =	swait.ge [sflag:s9], $0x2800  }
0xa6: {  	[sflag:s9] =	ssyncset.done $0x0  }
0xa7: {  	s31 =	rddreg [dreg:$0x8];
	[sflag:s9] =	ssyncadd.s32 $0xFFFFD800  }
0xa8: {  	[spmem:s31] =	stream.linear.scatter [tilespmem:s8], [sflag:$0x3], $0x2800, $0x38;
	[tilespmem:$0x1E680] =	vst v63  }
0xa9: {  	_ =	swait.ge [sflag:s9], $0x2800  }
0xaa: {  	[sflag:s9] =	ssyncset.done $0x0  }
0xab: {  	s4 =	rddreg [dreg:$0x9];
	[sflag:s9] =	ssyncadd.s32 $0xFFFFD800  }
0xac: {  	[spmem:s4] =	stream.linear.scatter [tilespmem:s8], [sflag:$0x3], $0x2800, $0x38;
	[tilespmem:$0x1E680] =	vst v63  }
0xad: {  	_ =	swait.ge [sflag:s9], $0x2800  }
0xae: {  	[sflag:s9] =	ssyncset.done $0x0  }
0xaf: {  	s12 =	rddreg [dreg:$0xa];
	[sflag:s9] =	ssyncadd.s32 $0xFFFFD800  }
0xb0: {  	[spmem:s12] =	stream.linear.scatter [tilespmem:s8], [sflag:$0x3], $0x2800, $0x38;
	[tilespmem:$0x1E680] =	vst v63  }
0xb1: {  	_ =	swait.ge [sflag:s9], $0x2800  }
0xb2: {  	[sflag:s9] =	ssyncset.done $0x0  }
0xb3: {  	s30 =	rddreg [dreg:$0xb];
	[sflag:s9] =	ssyncadd.s32 $0xFFFFD800  }
0xb4: {  	[spmem:s30] =	stream.linear.scatter [tilespmem:s8], [sflag:$0x3], $0x2800, $0x38;
	[tilespmem:$0x1E680] =	vst v63  }
0xb5: {  	_ =	swait.ge [sflag:s9], $0x2800  }
0xb6: {  	[sflag:s9] =	ssyncset.done $0x0  }
0xb7: {  	s31 =	rddreg [dreg:$0x13];
	[sflag:s9] =	ssyncadd.s32 $0xFFFFD800  }
0xb8: {  	[spmem:s31] =	stream.linear.scatter [tilespmem:s8], [sflag:$0x3], $0x2800, $0x38;
	[tilespmem:$0x1E680] =	vst v63  }
0xb9: {  	_ =	swait.ge [sflag:s9], $0x2800  }
0xba: {  	[sflag:s9] =	ssyncset.done $0x0  }
0xbb: {  	s4 =	rddreg [dreg:$0x14];
	[sflag:s9] =	ssyncadd.s32 $0xFFFFD800  }
0xbc: {  	[spmem:s4] =	stream.linear.scatter [tilespmem:s8], [sflag:$0x3], $0x2800, $0x38;
	[tilespmem:$0x1E680] =	vst v63  }
0xbd: {  	_ =	swait.ge [sflag:s9], $0x2800  }
0xbe: {  	[sflag:s9] =	ssyncset.done $0x0  }
0xbf: {  	s12 =	rddreg [dreg:$0x15];
	[sflag:s9] =	ssyncadd.s32 $0xFFFFD800  }
0xc0: {  	[spmem:s12] =	stream.linear.scatter [tilespmem:s8], [sflag:$0x3], $0x2800, $0x38;
	[tilespmem:$0x1E680] =	vst v63  }
0xc1: {  	_ =	swait.ge [sflag:s9], $0x2800  }
0xc2: {  	[sflag:s9] =	ssyncset.done $0x0  }
0xc3: {  	[sflag:s9] =	ssyncadd.s32 $0xFFFFD800  }
0xc4: {  	[spmem:s17] =	stream.linear.scatter [tilespmem:s8], [sflag:$0x3], $0x80, $0x38;
	[tilespmem:$0x1E680] =	vst v63  }
0xc5: {  	_ =	swait.ge [sflag:s9], $0x80  }
0xc6: {  	[sflag:s9] =	ssyncset.done $0x0  }
0xc7: {  	s12 =	smov.u32 s17;
	s17 =	rddreg [dreg:$0x16];
	[sflag:s9] =	ssyncadd.s32 $0xFFFFFF80  }
0xc8: {  	[spmem:s17] =	stream.linear.scatter [tilespmem:s8], [sflag:$0x3], $0x80, $0x38;
	[tilespmem:$0x1E680] =	vst v63  }
0xc9: {  	_ =	swait.ge [sflag:s9], $0x80  }
0xca: {  	[sflag:s9] =	ssyncset.done $0x0  }
0xcb: {  	s30 =	rddreg [dreg:$0x17];
	[sflag:s9] =	ssyncadd.s32 $0xFFFFFF80  }
0xcc: {  	[spmem:s30] =	stream.linear.scatter [tilespmem:s8], [sflag:$0x3], $0x80, $0x38;
	[tilespmem:$0x1E680] =	vst v63  }
0xcd: {  	_ =	swait.ge [sflag:s9], $0x80  }
0xce: {  	[sflag:s9] =	ssyncset.done $0x0  }
0xcf: {  	s31 =	rddreg [dreg:$0x18];
	[sflag:s9] =	ssyncadd.s32 $0xFFFFFF80  }
0xd0: {  	[spmem:s31] =	stream.linear.scatter [tilespmem:s8], [sflag:$0x3], $0x80, $0x38;
	[tilespmem:$0x1E680] =	vst v63  }
0xd1: {  	_ =	swait.ge [sflag:s9], $0x80  }
0xd2: {  	[sflag:s9] =	ssyncset.done $0x0  }
0xd3: {  	s4 =	rddreg [dreg:$0x19];
	[sflag:s9] =	ssyncadd.s32 $0xFFFFFF80  }
0xd4: {  	[spmem:s4] =	stream.linear.scatter [tilespmem:s8], [sflag:$0x3], $0x80, $0x38;
	[tilespmem:$0x1E680] =	vst v63  }
0xd5: {  	_ =	swait.ge [sflag:s9], $0x80  }
0xd6: {  	[sflag:s9] =	ssyncset.done $0x0  }
0xd7: {  	s29 =	simm.s32 $0x0;
	s17 =	rddreg [dreg:$0x5];
	[sflag:s9] =	ssyncadd.s32 $0xFFFFFF80  }
0xd8: {  	[tilespmem:s10], [sflag:$0x3] =	stream.linear.gather [hbm4b:s17+s29], $0x2800, $0x38;
	[tilespmem:$0x1E680] =	vst v63  }
0xd9: {  	_ =	swait.ge [sflag:s9], $0x2800  }
0xda: {  	[sflag:s9] =	ssyncset.done $0x0  }
0xdb: {  	s30 =	rddreg [dreg:$0x6];
	[sflag:s9] =	ssyncadd.s32 $0xFFFFD800  }
0xdc: {  	[tilespmem:s13], [sflag:$0x3] =	stream.linear.gather [hbm4b:s30+s29], $0x2800, $0x38;
	[tilespmem:$0x1E680] =	vst v63  }
0xdd: {  	_ =	swait.ge [sflag:s9], $0x2800  }
0xde: {  	[sflag:s9] =	ssyncset.done $0x0  }
0xdf: {  	s4 =	simm.s32 $0xA380;
	s31 =	rddreg [dreg:$0x7];
	[sflag:s9] =	ssyncadd.s32 $0xFFFFD800  }
0xe0: {  	[tilespmem:s4], [sflag:$0x3] =	stream.linear.gather [hbm4b:s31+s29], $0x80, $0x38;
	[tilespmem:$0x1E680] =	vst v63  }
0xe1: {  	_ =	swait.ge [sflag:s9], $0x80  }
0xe2: {  	[sflag:s9] =	ssyncset.done $0x0  }
0xe3: {  	[sflag:s9] =	ssyncadd.s32 $0xFFFFFF80  }
0xe4: {  	[bflag:$0x0] =	sbarrier.arrive $0xFFFF  }
0xe5: {  	s17 =	rddreg [dreg:$0xd]  }
0xe6: {  	v1 =	vld [tilespmem:$0xA380];
	[tilespmem:s29], [sflag:$0x3] =	stream.linear.gather [hbm4b:s17+s29], $0x50, $0x38  }
0xe7: {  	_ =	swait.ge [sflag:s9], $0x50  }
0xe8: {  	[sflag:s9] =	ssyncset.done $0x0  }
0xe9: {  	s30 =	rddreg [dreg:$0xe];
	[sflag:s9] =	ssyncadd.s32 $0xFFFFFFB0  }
0xea: {  	[tilespmem:s14], [sflag:$0x3] =	stream.linear.gather [hbm4b:s30+s29], $0x50, $0x38;
	[tilespmem:$0x1E680] =	vst v63  }
0xeb: {  	_ =	swait.ge [sflag:s9], $0x50  }
0xec: {  	[sflag:s9] =	ssyncset.done $0x0  }
0xed: {  	s31 =	rddreg [dreg:$0xf];
	[sflag:s9] =	ssyncadd.s32 $0xFFFFFFB0  }
0xee: {  	[tilespmem:s15], [sflag:$0x3] =	stream.linear.gather [hbm4b:s31+s29], $0x50, $0x38;
	[tilespmem:$0x1E680] =	vst v63  }
0xef: {  	_ =	swait.ge [sflag:s9], $0x50  }
0xf0: {  	[sflag:s9] =	ssyncset.done $0x0  }
0xf1: {  	[sflag:s9] =	ssyncadd.s32 $0xFFFFFFB0  }
0xf2: {  	[tilespmem:s8], [sflag:$0x1] =	stream.indirect.gather [hbm4b:s11+s16], $0x80, s29, s16, $0xb8;
	[tilespmem:$0x1E680] =	vst v63  }
.LBB2_4:
0xf3: {  	s30 =	smul.u32 $0xA0, s29;
	_ =	sdelay $0x1  }
0xf4: {  	s0 =	sadd.s32 s30, s21  }
0xf5: {  	s0 =	sshrl.u32 s0, $0x3  }
0xf6: {  	s4 =	sadd.s32 s6, s0  }
0xf7: {  	[tilespmem:s18], [sflag:$0x3] =	stream.linear.gather [hbm4b:s4+s5], $0x50, $0x38;
	[tilespmem:$0x1E680] =	vst v63  }
0xf8: {  	_ =	swait.ge [sflag:s9], $0x50  }
0xf9: {  	[sflag:s9] =	ssyncset.done $0x0  }
0xfa: {  	s17 =	sadd.s32 s1, s0;
	[sflag:s9] =	ssyncadd.s32 $0xFFFFFFB0  }
0xfb: {  	[tilespmem:s19], [sflag:$0x3] =	stream.linear.gather [hbm4b:s17+s5], $0x50, $0x38;
	[tilespmem:$0x1E680] =	vst v63  }
0xfc: {  	_ =	swait.ge [sflag:s9], $0x50  }
0xfd: {  	[sflag:s9] =	ssyncset.done $0x0  }
0xfe: {  	s0 =	sadd.s32 s7, s0;
	[sflag:s9] =	ssyncadd.s32 $0xFFFFFFB0  }
0xff: {  	[tilespmem:s20], [sflag:$0x3] =	stream.linear.gather [hbm4b:s0+s5], $0x50, $0x38;
	[tilespmem:$0x1E680] =	vst v63  }
0x100: {  	_ =	swait.ge [sflag:s9], $0x50  }
0x101: {  	[sflag:s9] =	ssyncset.done $0x0  }
0x102: {  	[sflag:s9] =	ssyncadd.s32 $0xFFFFFFB0  }
0x103: {  	[tilespmem:s23], [sflag:$0x2] =	stream.indirect.gather [hbm4b:s11+s16], $0x80, s18, s16, $0xb8;
	[tilespmem:$0x1E680] =	vst v63  }
0x104: {  	v2 =	vld [tilespmem:$0x0]  }
0x105: {  	v3 =	vld [tilespmem:$0x100];
	_ =	sdelay $0x6  }
0x106: {  	v2 =	vld.idx.msk [tilespmem:v2+s10+$0x0], $0xffff  }
0x107: {  	v3 =	vld.idx.msk [tilespmem:v3+s13+$0x0], $0xffff;
	_ =	sdelay $0x1  }
0x108: {  	v4 =	vld [tilespmem:$0x200];
	_ =	sdelay $0x2  }
0x109: {  	v2 =	vadd.f32 v3, v2;
	_ =	sdelay $0x1  }
0x10a: {  	v3 =	vadd.f32 v3, v1;
	v2 =	vadd.f32 v4, v2;
	_ =	sdelay $0x1  }
0x10b: {  	v5 =	vmul.f32 $2.000000030e-01, v3;
	v4 =	vmul.f32 $2.000000030e-01, v2  }
0x10c: {  	vm1 =	vge.f32 v3, $0.0e+00;
	vm0 =	vge.f32 v2, $0.0e+00  }
0x10d: {  	v3 =	vsel vm1, v3, v5;
	v2 =	vsel vm0, v2, v4  }
0x10e: {  	v2 =	vsub.f32 v2, v3;
	_ =	sdelay $0x1  }
0x10f: {  	v2 =	vmul.f32 $1.442695020e+00, v2;
	_ =	sdelay $0x1  }
0x110: {  	(erf) = vpow2.f32 v2;
	_ =	sdelay $0x2  }
0x111: {  	v2 =	vld [tilespmem:$0x10]  }
0x112: {  	v3 =	vld [tilespmem:$0x110];
	_ =	sdelay $0x4  }
0x113: {  	v4 =	vpop (erf)  }
0x114: {  	[tilespmem:$0x300] =	vst v4  }
0x115: {  	v2 =	vld.idx.msk [tilespmem:v2+s10+$0x0], $0xffff  }
0x116: {  	v3 =	vld.idx.msk [tilespmem:v3+s13+$0x0], $0xffff;
	_ =	sdelay $0x1  }
0x117: {  	v4 =	vld [tilespmem:$0x210];
	_ =	sdelay $0x2  }
0x118: {  	v2 =	vadd.f32 v3, v2;
	_ =	sdelay $0x1  }
0x119: {  	v3 =	vadd.f32 v3, v1;
	v2 =	vadd.f32 v4, v2;
	_ =	sdelay $0x1  }
0x11a: {  	v5 =	vmul.f32 $2.000000030e-01, v3;
	v4 =	vmul.f32 $2.000000030e-01, v2  }
0x11b: {  	vm9 =	vge.f32 v3, $0.0e+00;
	vm8 =	vge.f32 v2, $0.0e+00  }
0x11c: {  	v3 =	vsel vm9, v3, v5;
	v2 =	vsel vm8, v2, v4  }
0x11d: {  	v2 =	vsub.f32 v2, v3;
	_ =	sdelay $0x1  }
0x11e: {  	v2 =	vmul.f32 $1.442695020e+00, v2;
	_ =	sdelay $0x1  }
0x11f: {  	(erf) = vpow2.f32 v2;
	_ =	sdelay $0x2  }
0x120: {  	v2 =	vld [tilespmem:$0x20]  }
0x121: {  	v3 =	vld [tilespmem:$0x120];
	_ =	sdelay $0x4  }
0x122: {  	v4 =	vpop (erf)  }
0x123: {  	[tilespmem:$0x310] =	vst v4  }
0x124: {  	v2 =	vld.idx.msk [tilespmem:v2+s10+$0x0], $0xffff  }
0x125: {  	v3 =	vld.idx.msk [tilespmem:v3+s13+$0x0], $0xffff;
	_ =	sdelay $0x1  }
0x126: {  	v4 =	vld [tilespmem:$0x220];
	_ =	sdelay $0x2  }
0x127: {  	v2 =	vadd.f32 v3, v2;
	_ =	sdelay $0x1  }
0x128: {  	v3 =	vadd.f32 v3, v1;
	v2 =	vadd.f32 v4, v2;
	_ =	sdelay $0x1  }
0x129: {  	v5 =	vmul.f32 $2.000000030e-01, v3;
	v4 =	vmul.f32 $2.000000030e-01, v2  }
0x12a: {  	vm11 =	vge.f32 v3, $0.0e+00;
	vm10 =	vge.f32 v2, $0.0e+00  }
0x12b: {  	v3 =	vsel vm11, v3, v5;
	v2 =	vsel vm10, v2, v4  }
0x12c: {  	v2 =	vsub.f32 v2, v3;
	_ =	sdelay $0x1  }
0x12d: {  	v2 =	vmul.f32 $1.442695020e+00, v2;
	_ =	sdelay $0x1  }
0x12e: {  	(erf) = vpow2.f32 v2;
	_ =	sdelay $0x2  }
0x12f: {  	v2 =	vld [tilespmem:$0x30]  }
0x130: {  	v3 =	vld [tilespmem:$0x130];
	_ =	sdelay $0x4  }
0x131: {  	v4 =	vpop (erf)  }
0x132: {  	[tilespmem:$0x320] =	vst v4  }
0x133: {  	v2 =	vld.idx.msk [tilespmem:v2+s10+$0x0], $0xffff  }
0x134: {  	v3 =	vld.idx.msk [tilespmem:v3+s13+$0x0], $0xffff;
	_ =	sdelay $0x1  }
0x135: {  	v4 =	vld [tilespmem:$0x230];
	_ =	sdelay $0x2  }
0x136: {  	v2 =	vadd.f32 v3, v2;
	_ =	sdelay $0x1  }
0x137: {  	v3 =	vadd.f32 v3, v1;
	v2 =	vadd.f32 v4, v2;
	_ =	sdelay $0x1  }
0x138: {  	v5 =	vmul.f32 $2.000000030e-01, v3;
	v4 =	vmul.f32 $2.000000030e-01, v2  }
0x139: {  	vm13 =	vge.f32 v3, $0.0e+00;
	vm12 =	vge.f32 v2, $0.0e+00  }
0x13a: {  	v3 =	vsel vm13, v3, v5;
	v2 =	vsel vm12, v2, v4  }
0x13b: {  	v2 =	vsub.f32 v2, v3;
	_ =	sdelay $0x1  }
0x13c: {  	v2 =	vmul.f32 $1.442695020e+00, v2;
	_ =	sdelay $0x1  }
0x13d: {  	(erf) = vpow2.f32 v2;
	_ =	sdelay $0x2  }
0x13e: {  	v2 =	vld [tilespmem:$0x40]  }
0x13f: {  	v3 =	vld [tilespmem:$0x140];
	_ =	sdelay $0x4  }
0x140: {  	v4 =	vpop (erf)  }
0x141: {  	[tilespmem:$0x330] =	vst v4  }
0x142: {  	v2 =	vld.idx.msk [tilespmem:v2+s10+$0x0], $0xffff  }
0x143: {  	v3 =	vld.idx.msk [tilespmem:v3+s13+$0x0], $0xffff;
	_ =	sdelay $0x1  }
0x144: {  	v4 =	vld [tilespmem:$0x240];
	_ =	sdelay $0x2  }
0x145: {  	v2 =	vadd.f32 v3, v2;
	_ =	sdelay $0x1  }
0x146: {  	v3 =	vadd.f32 v3, v1;
	v2 =	vadd.f32 v4, v2;
	_ =	sdelay $0x1  }
0x147: {  	v5 =	vmul.f32 $2.000000030e-01, v3;
	v4 =	vmul.f32 $2.000000030e-01, v2  }
0x148: {  	vm15 =	vge.f32 v3, $0.0e+00;
	vm14 =	vge.f32 v2, $0.0e+00  }
0x149: {  	v3 =	vsel vm15, v3, v5;
	v2 =	vsel vm14, v2, v4  }
0x14a: {  	v2 =	vsub.f32 v2, v3;
	_ =	sdelay $0x1  }
0x14b: {  	v2 =	vmul.f32 $1.442695020e+00, v2;
	_ =	sdelay $0x1  }
0x14c: {  	(erf) = vpow2.f32 v2;
	_ =	sdelay $0x8  }
0x14d: {  	v2 =	vpop (erf)  }
0x14e: {  	[tilespmem:$0x340] =	vst v2  }
0x14f: {  	_ =	swait.ge [sflag:s24], $0x2800  }
0x150: {  	[sflag:s24] =	ssyncset.done $0x0  }
0x151: {  	s17 =	simm.s32 $0x304;
	[sflag:s24] =	ssyncadd.s32 $0xFFFFD800  }
0x152: {  	s31 =	simm.s32 $0x580;
	v2 =	vld.msk [tilespmem:s17+$0x3 ss:$0x0], $0xffff  }
0x153: {  	v4 =	vld [tilespmem:s31+$0x1F0]  }
0x154: {  	v3 =	vld.msk [tilespmem:s17+$0xFFFFFFFC ss:$0x0], $0xffff  }
0x155: {  	v5 =	vld.msk [tilespmem:s17+$0xFFFFFFFD ss:$0x0], $0xffff  }
0x156: {  	v6 =	vld [tilespmem:s31+$0xFFFFFE10]  }
0x157: {  	v7 =	vld [tilespmem:s31+$0xFFFFFE20]  }
0x158: {  	v8 =	vld [tilespmem:s31+$0xFFFFFE30]  }
0x159: {  	v9 =	vld [tilespmem:s31+$0xFFFFFE40]  }
0x15a: {  	v10 =	vld [tilespmem:s31+$0xFFFFFE50]  }
0x15b: {  	v11 =	vld [tilespmem:s31+$0xFFFFFE60]  }
0x15c: {  	v12 =	vld [tilespmem:s31+$0xFFFFFE70]  }
0x15d: {  	v13 =	vld [tilespmem:s31+$0xFFFFFE80]  }
0x15e: {  	v14 =	vld [tilespmem:s31+$0xFFFFFE90]  }
0x15f: {  	v16 =	vld [tilespmem:s31+$0xFFFFFEB0]  }
0x160: {  	v17 =	vld [tilespmem:s31+$0xFFFFFEC0];
	v4 =	vmul.f32 v4, v2  }
0x161: {  	v15 =	vld [tilespmem:s31+$0xFFFFFEA0];
	v6 =	vmul.f32 v6, v3  }
0x162: {  	v47 =	vld [tilespmem:s31+$0xFFFFFED0];
	v7 =	vmul.f32 v7, v3;
	[tilespmem:s31+$0x1F0] =	vst v4  }
0x163: {  	v48 =	vld [tilespmem:s31+$0xFFFFFF20];
	v8 =	vmul.f32 v8, v3;
	[tilespmem:s31+$0xFFFFFE10] =	vst v6  }
0x164: {  	v49 =	vld [tilespmem:s31+$0xFFFFFF30];
	v16 =	vmul.f32 v16, v5;
	[tilespmem:s31+$0xFFFFFE20] =	vst v7  }
0x165: {  	v50 =	vld [tilespmem:s31+$0xFFFFFF40];
	v17 =	vmul.f32 v17, v5;
	[tilespmem:s31+$0xFFFFFE30] =	vst v8  }
0x166: {  	v51 =	vld [tilespmem:s31+$0xFFFFFF70];
	v4 =	vmul.f32 v5, v13;
	[tilespmem:s31+$0xFFFFFEB0] =	vst v16  }
0x167: {  	v52 =	vld [tilespmem:s31+$0xFFFFFF80];
	v7 =	vmul.f32 v9, v3;
	[tilespmem:s31+$0xFFFFFEC0] =	vst v17  }
0x168: {  	v6 =	vld [tilespmem:s31+$0xFFFFFEE0];
	v8 =	vmul.f32 v10, v3;
	[tilespmem:s31+$0xFFFFFE80] =	vst v4  }
0x169: {  	v9 =	vld [tilespmem:s31+$0xFFFFFEF0];
	v13 =	vmul.f32 v47, v5;
	[tilespmem:s31+$0xFFFFFE40] =	vst v7  }
0x16a: {  	v10 =	vld [tilespmem:s31+$0xFFFFFF00];
	v7 =	vmul.f32 v11, v3;
	[tilespmem:s31+$0xFFFFFE50] =	vst v8  }
0x16b: {  	v4 =	vld.msk [tilespmem:s17+$0xFFFFFFFE ss:$0x0], $0xffff;
	v8 =	vmul.f32 v12, v3;
	[tilespmem:s31+$0xFFFFFED0] =	vst v13  }
0x16c: {  	v11 =	vld [tilespmem:s31+$0xFFFFFF10];
	[tilespmem:s31+$0xFFFFFE60] =	vst v7;
	v7 =	vmul.f32 v14, v5  }
0x16d: {  	v53 =	vld [tilespmem:s31+$0xFFFFFFB0];
	[tilespmem:s31+$0xFFFFFE70] =	vst v8;
	v8 =	vmul.f32 v15, v5  }
0x16e: {  	v54 =	vld [tilespmem:s31+$0xFFFFFFC0];
	v6 =	vmul.f32 v6, v5;
	[tilespmem:s31+$0xFFFFFE90] =	vst v7  }
0x16f: {  	v55 =	vld [tilespmem:s31+$0xFFFFFFD0];
	v5 =	vmul.f32 v9, v5;
	[tilespmem:s31+$0xFFFFFEA0] =	vst v8  }
0x170: {  	v8 =	vld [tilespmem:s31+$0xFFFFFF60];
	v7 =	vmul.f32 v4, v10;
	[tilespmem:s31+$0xFFFFFEE0] =	vst v6  }
0x171: {  	v10 =	vld [tilespmem:s31+$0xFFFFFF50];
	v6 =	vmul.f32 v11, v4;
	[tilespmem:s31+$0xFFFFFEF0] =	vst v5  }
0x172: {  	v56 =	vld [tilespmem:s31+$0xFFFFFFF0];
	v5 =	vmul.f32 v48, v4;
	[tilespmem:s31+$0xFFFFFF00] =	vst v7  }
0x173: {  	v15 =	vmul.f32 v50, v4;
	v7 =	vld.msk [tilespmem:s17+$0xFFFFFFFF ss:$0x0], $0xffff;
	[tilespmem:s31+$0xFFFFFF10] =	vst v6  }
0x174: {  	v9 =	vld [tilespmem:s31+$0xFFFFFF90];
	v6 =	vmul.f32 v49, v4;
	[tilespmem:s31+$0xFFFFFF20] =	vst v5  }
0x175: {  	v11 =	vld [tilespmem:s31+$0xFFFFFFA0];
	[tilespmem:s31+$0xFFFFFF40] =	vst v15;
	v8 =	vmul.f32 v8, v4  }
0x176: {  	v57 =	vld [tilespmem:s31+$0x30];
	[tilespmem:s31+$0xFFFFFF30] =	vst v6;
	v10 =	vmul.f32 v10, v4  }
0x177: {  	v58 =	vld [tilespmem:s31+$0x40];
	v4 =	vmul.f32 v51, v4;
	[tilespmem:s31+$0xFFFFFF60] =	vst v8  }
0x178: {  	v59 =	vld.msk [tilespmem:s17+$0x1 ss:$0x0], $0xffff;
	v5 =	vmul.f32 v7, v52;
	[tilespmem:s31+$0xFFFFFF50] =	vst v10  }
0x179: {  	v6 =	vld [tilespmem:s31+$0xFFFFFFE0];
	v8 =	vmul.f32 v9, v7;
	[tilespmem:s31+$0xFFFFFF70] =	vst v4  }
0x17a: {  	v10 =	vld [tilespmem:s31+$0x0];
	v4 =	vmul.f32 v11, v7;
	[tilespmem:s31+$0xFFFFFF80] =	vst v5  }
0x17b: {  	v14 =	vmul.f32 v55, v7;
	v5 =	vld.msk [tilespmem:s17+$0x0 ss:$0x0], $0xffff;
	[tilespmem:s31+$0xFFFFFF90] =	vst v8  }
0x17c: {  	v9 =	vld [tilespmem:s31+$0x10];
	v8 =	vmul.f32 v53, v7;
	[tilespmem:s31+$0xFFFFFFA0] =	vst v4  }
0x17d: {  	v11 =	vld [tilespmem:s31+$0x20];
	v4 =	vmul.f32 v54, v7;
	[tilespmem:s31+$0xFFFFFFD0] =	vst v14  }
0x17e: {  	v60 =	vld [tilespmem:s31+$0xA0];
	v6 =	vmul.f32 v6, v7;
	[tilespmem:s31+$0xFFFFFFB0] =	vst v8  }
0x17f: {  	v7 =	vmul.f32 v56, v7;
	[tilespmem:s31+$0xFFFFFFC0] =	vst v4;
	v4 =	vld [tilespmem:s31+$0x60]  }
0x180: {  	[tilespmem:s31+$0xFFFFFFE0] =	vst v6;
	v8 =	vmul.f32 v5, v10;
	v10 =	vld [tilespmem:s31+$0x50]  }
0x181: {  	[tilespmem:s31+$0xFFFFFFF0] =	vst v7;
	v6 =	vmul.f32 v9, v5;
	v9 =	vld [tilespmem:s31+$0x80]  }
0x182: {  	v61 =	vld [tilespmem:s31+$0xB0];
	v7 =	vmul.f32 v11, v5;
	[tilespmem:s31+$0x0] =	vst v8  }
0x183: {  	v11 =	vld [tilespmem:s31+$0x90];
	[tilespmem:s31+$0x10] =	vst v6;
	v6 =	vmul.f32 v57, v5  }
0x184: {  	v8 =	vld [tilespmem:s31+$0x70];
	[tilespmem:s31+$0x20] =	vst v7;
	v7 =	vmul.f32 v58, v5  }
0x185: {  	v62 =	vld.msk [tilespmem:s17+$0x2 ss:$0x0], $0xffff;
	v4 =	vmul.f32 v4, v5;
	[tilespmem:s31+$0x30] =	vst v6  }
0x186: {  	[tilespmem:s31+$0x40] =	vst v7;
	v6 =	vmul.f32 v10, v5;
	v10 =	vld [tilespmem:s31+$0xC0];
	v7 =	vmul.f32 v59, v9  }
0x187: {  	[tilespmem:s31+$0x60] =	vst v4;
	v9 =	vld [tilespmem:s31+$0xD0]  }
0x188: {  	v4 =	vmul.f32 v11, v59;
	[tilespmem:s31+$0x80] =	vst v7;
	v7 =	vld [tilespmem:s31+$0xF0]  }
0x189: {  	[tilespmem:s31+$0x50] =	vst v6;
	v5 =	vmul.f32 v8, v5;
	v8 =	vld [tilespmem:s31+$0x100]  }
0x18a: {  	v6 =	vld [tilespmem:s31+$0xE0];
	[tilespmem:s31+$0x90] =	vst v4;
	v4 =	vmul.f32 v61, v59  }
0x18b: {  	v11 =	vld [tilespmem:s31+$0x110];
	[tilespmem:s31+$0x70] =	vst v5;
	v5 =	vmul.f32 v60, v59  }
0x18c: {  	[tilespmem:s31+$0xB0] =	vst v4;
	v4 =	vmul.f32 v9, v59;
	v9 =	vld [tilespmem:s31+$0x130]  }
0x18d: {  	[tilespmem:s31+$0xA0] =	vst v5;
	v5 =	vmul.f32 v10, v59;
	v10 =	vld [tilespmem:s31+$0x120]  }
0x18e: {  	[tilespmem:s31+$0xD0] =	vst v4;
	v4 =	vmul.f32 v62, v8;
	v8 =	vld [tilespmem:s31+$0x150];
	v7 =	vmul.f32 v7, v59  }
0x18f: {  	[tilespmem:s31+$0xC0] =	vst v5;
	v5 =	vmul.f32 v6, v59;
	v6 =	vld [tilespmem:s31+$0x140]  }
0x190: {  	[tilespmem:s31+$0xF0] =	vst v7;
	v7 =	vld [tilespmem:s31+$0x170]  }
0x191: {  	v11 =	vmul.f32 v11, v62;
	[tilespmem:s31+$0xE0] =	vst v5;
	v5 =	vld [tilespmem:s31+$0x160]  }
0x192: {  	[tilespmem:s31+$0x100] =	vst v4;
	v4 =	vmul.f32 v10, v62  }
0x193: {  	[tilespmem:s31+$0x110] =	vst v11;
	v9 =	vmul.f32 v9, v62;
	v10 =	vld [tilespmem:s31+$0x180]  }
0x194: {  	v11 =	vld [tilespmem:s31+$0x190];
	[tilespmem:s31+$0x120] =	vst v4;
	v4 =	vmul.f32 v6, v62  }
0x195: {  	v63 =	vld [tilespmem:s31+$0x1A0];
	[tilespmem:s31+$0x130] =	vst v9;
	v6 =	vmul.f32 v8, v62  }
0x196: {  	v7 =	vmul.f32 v7, v62;
	[tilespmem:s31+$0x140] =	vst v4;
	v8 =	vmul.f32 v5, v62;
	v5 =	vld [tilespmem:s31+$0x1B0]  }
0x197: {  	[tilespmem:s31+$0x150] =	vst v6;
	v4 =	vld [tilespmem:s31+$0x1C0]  }
0x198: {  	v6 =	vld [tilespmem:s31+$0x1D0];
	v10 =	vmul.f32 v2, v10;
	[tilespmem:s31+$0x170] =	vst v7  }
0x199: {  	v9 =	vmul.f32 v11, v2;
	v7 =	vld [tilespmem:s31+$0x1E0];
	[tilespmem:s31+$0x160] =	vst v8  }
0x19a: {  	s4 =	simm.s32 $0x30C;
	s0 =	simm.s32 $0x0;
	s17 =	simm.s32 $0x580;
	v8 =	vld [tilespmem:s31+$0xFFFFFE00];
	[tilespmem:s31+$0x180] =	vst v10;
	v10 =	vmul.f32 v63, v2  }
.LBB2_5:
0x19b: {  	v11 =	vld.msk [tilespmem:s4+$0x3 ss:$0x0], $0xffff;
	s0 =	sadd.s32 $0x8, s0;
	[tilespmem:s31+$0x190] =	vst v9;
	v5 =	vmul.f32 v5, v2;
	s17 =	sadd.s32 $0x400, s17  }
0x19c: {  	v9 =	vld [tilespmem:s17+$0x1F0];
	p0 =	slt.u32 s0, $0x48;
	[tilespmem:s31+$0x1A0] =	vst v10;
	v4 =	vmul.f32 v4, v2  }
0x19d: {  	v10 =	vld.msk [tilespmem:s4+$0xFFFFFFFC ss:$0x0], $0xffff;
	[tilespmem:s31+$0x1B0] =	vst v5;
	v5 =	vmul.f32 v6, v2  }
0x19e: {  	v12 =	vld.msk [tilespmem:s4+$0xFFFFFFFD ss:$0x0], $0xffff;
	[tilespmem:s31+$0x1C0] =	vst v4;
	v4 =	vmul.f32 v7, v2  }
0x19f: {  	v13 =	vld.msk [tilespmem:s4+$0xFFFFFFFE ss:$0x0], $0xffff;
	v3 =	vmul.f32 v3, v8;
	[tilespmem:s31+$0x1D0] =	vst v5  }
0x1a0: {  	v7 =	vld.msk [tilespmem:s4+$0xFFFFFFFF ss:$0x0], $0xffff;
	[tilespmem:s31+$0x1E0] =	vst v4  }
0x1a1: {  	v2 =	vmov v11;
	v6 =	vld.msk [tilespmem:s4+$0x0 ss:$0x0], $0xffff;
	v8 =	vmul.f32 v9, v11;
	[tilespmem:s31+$0xFFFFFE00] =	vst v3;
	s31 =	smov.u32 s17  }
0x1a2: {  	v5 =	vld.msk [tilespmem:s4+$0x1 ss:$0x0], $0xffff  }
0x1a3: {  	v4 =	vld.msk [tilespmem:s4+$0x2 ss:$0x0], $0xffff;
	[tilespmem:s17+$0x1F0] =	vst v8;
	v3 =	vmov v10  }
0x1a4: {  	v8 =	vld [tilespmem:s17+$0xFFFFFE10]  }
0x1a5: {  	v9 =	vld [tilespmem:s17+$0xFFFFFE20]  }
0x1a6: {  	v10 =	vld [tilespmem:s17+$0xFFFFFE30]  }
0x1a7: {  	v11 =	vld [tilespmem:s17+$0xFFFFFE40]  }
0x1a8: {  	v14 =	vld [tilespmem:s17+$0xFFFFFE50]  }
0x1a9: {  	v8 =	vmul.f32 v8, v3;
	v15 =	vld [tilespmem:s17+$0xFFFFFE60]  }
0x1aa: {  	v9 =	vmul.f32 v9, v3;
	v16 =	vld [tilespmem:s17+$0xFFFFFE70]  }
0x1ab: {  	[tilespmem:s17+$0xFFFFFE10] =	vst v8;
	v8 =	vmul.f32 v10, v3;
	v10 =	vld [tilespmem:s17+$0xFFFFFE80]  }
0x1ac: {  	[tilespmem:s17+$0xFFFFFE20] =	vst v9;
	v9 =	vmul.f32 v11, v3;
	v11 =	vld [tilespmem:s17+$0xFFFFFE90]  }
0x1ad: {  	[tilespmem:s17+$0xFFFFFE30] =	vst v8;
	v8 =	vmul.f32 v14, v3;
	v14 =	vld [tilespmem:s17+$0xFFFFFEA0]  }
0x1ae: {  	[tilespmem:s17+$0xFFFFFE40] =	vst v9;
	v9 =	vmul.f32 v15, v3;
	v15 =	vld [tilespmem:s17+$0xFFFFFEB0]  }
0x1af: {  	[tilespmem:s17+$0xFFFFFE50] =	vst v8;
	v8 =	vmul.f32 v16, v3;
	v16 =	vld [tilespmem:s17+$0xFFFFFEC0]  }
0x1b0: {  	[tilespmem:s17+$0xFFFFFE60] =	vst v9;
	v9 =	vmul.f32 v12, v10;
	v10 =	vld [tilespmem:s17+$0xFFFFFED0]  }
0x1b1: {  	[tilespmem:s17+$0xFFFFFE70] =	vst v8;
	v8 =	vmul.f32 v11, v12;
	v11 =	vld [tilespmem:s17+$0xFFFFFEE0]  }
0x1b2: {  	[tilespmem:s17+$0xFFFFFE80] =	vst v9;
	v9 =	vmul.f32 v14, v12;
	v14 =	vld [tilespmem:s17+$0xFFFFFEF0]  }
0x1b3: {  	[tilespmem:s17+$0xFFFFFE90] =	vst v8;
	v8 =	vmul.f32 v15, v12;
	v15 =	vld [tilespmem:s17+$0xFFFFFF00]  }
0x1b4: {  	[tilespmem:s17+$0xFFFFFEA0] =	vst v9;
	v9 =	vmul.f32 v16, v12;
	v16 =	vld [tilespmem:s17+$0xFFFFFF10]  }
0x1b5: {  	[tilespmem:s17+$0xFFFFFEB0] =	vst v8;
	v8 =	vmul.f32 v10, v12;
	v10 =	vld [tilespmem:s17+$0xFFFFFF20]  }
0x1b6: {  	[tilespmem:s17+$0xFFFFFEC0] =	vst v9;
	v9 =	vmul.f32 v11, v12;
	v11 =	vld [tilespmem:s17+$0xFFFFFF30]  }
0x1b7: {  	[tilespmem:s17+$0xFFFFFED0] =	vst v8;
	v8 =	vmul.f32 v14, v12;
	v12 =	vld [tilespmem:s17+$0xFFFFFF40]  }
0x1b8: {  	[tilespmem:s17+$0xFFFFFEE0] =	vst v9;
	v9 =	vmul.f32 v13, v15;
	v14 =	vld [tilespmem:s17+$0xFFFFFF50]  }
0x1b9: {  	[tilespmem:s17+$0xFFFFFEF0] =	vst v8;
	v8 =	vmul.f32 v16, v13;
	v15 =	vld [tilespmem:s17+$0xFFFFFF60]  }
0x1ba: {  	[tilespmem:s17+$0xFFFFFF00] =	vst v9;
	v9 =	vmul.f32 v10, v13;
	v10 =	vld [tilespmem:s17+$0xFFFFFF70]  }
0x1bb: {  	[tilespmem:s17+$0xFFFFFF10] =	vst v8;
	v8 =	vmul.f32 v11, v13;
	v11 =	vld [tilespmem:s17+$0xFFFFFF80]  }
0x1bc: {  	[tilespmem:s17+$0xFFFFFF20] =	vst v9;
	v9 =	vmul.f32 v12, v13;
	v12 =	vld [tilespmem:s17+$0xFFFFFF90]  }
0x1bd: {  	[tilespmem:s17+$0xFFFFFF30] =	vst v8;
	v8 =	vmul.f32 v14, v13;
	v14 =	vld [tilespmem:s17+$0xFFFFFFA0]  }
0x1be: {  	[tilespmem:s17+$0xFFFFFF40] =	vst v9;
	v9 =	vmul.f32 v15, v13;
	v15 =	vld [tilespmem:s17+$0xFFFFFFB0]  }
0x1bf: {  	[tilespmem:s17+$0xFFFFFF50] =	vst v8;
	v8 =	vmul.f32 v10, v13;
	v10 =	vld [tilespmem:s17+$0xFFFFFFC0]  }
0x1c0: {  	[tilespmem:s17+$0xFFFFFF60] =	vst v9;
	v9 =	vmul.f32 v7, v11;
	v11 =	vld [tilespmem:s17+$0xFFFFFFD0]  }
0x1c1: {  	[tilespmem:s17+$0xFFFFFF70] =	vst v8;
	v8 =	vmul.f32 v12, v7;
	v12 =	vld [tilespmem:s17+$0xFFFFFFE0]  }
0x1c2: {  	[tilespmem:s17+$0xFFFFFF80] =	vst v9;
	v9 =	vmul.f32 v14, v7;
	v13 =	vld [tilespmem:s17+$0xFFFFFFF0]  }
0x1c3: {  	[tilespmem:s17+$0xFFFFFF90] =	vst v8;
	v8 =	vmul.f32 v15, v7;
	v14 =	vld [tilespmem:s17+$0x0]  }
0x1c4: {  	[tilespmem:s17+$0xFFFFFFA0] =	vst v9;
	v9 =	vmul.f32 v10, v7;
	v10 =	vld [tilespmem:s17+$0x10]  }
0x1c5: {  	[tilespmem:s17+$0xFFFFFFB0] =	vst v8;
	v8 =	vmul.f32 v11, v7;
	v11 =	vld [tilespmem:s17+$0x20]  }
0x1c6: {  	[tilespmem:s17+$0xFFFFFFC0] =	vst v9;
	v9 =	vmul.f32 v12, v7;
	v12 =	vld [tilespmem:s17+$0x30]  }
0x1c7: {  	[tilespmem:s17+$0xFFFFFFD0] =	vst v8;
	v7 =	vmul.f32 v13, v7;
	v8 =	vld [tilespmem:s17+$0x40]  }
0x1c8: {  	[tilespmem:s17+$0xFFFFFFE0] =	vst v9;
	v9 =	vmul.f32 v6, v14;
	v13 =	vld [tilespmem:s17+$0x50]  }
0x1c9: {  	[tilespmem:s17+$0xFFFFFFF0] =	vst v7;
	v7 =	vmul.f32 v10, v6;
	v10 =	vld [tilespmem:s17+$0x60]  }
0x1ca: {  	[tilespmem:s17+$0x0] =	vst v9;
	v9 =	vmul.f32 v11, v6;
	v11 =	vld [tilespmem:s17+$0x70]  }
0x1cb: {  	[tilespmem:s17+$0x10] =	vst v7;
	v7 =	vmul.f32 v12, v6;
	v12 =	vld [tilespmem:s17+$0x80]  }
0x1cc: {  	[tilespmem:s17+$0x20] =	vst v9;
	v8 =	vmul.f32 v8, v6;
	v9 =	vld [tilespmem:s17+$0x90]  }
0x1cd: {  	[tilespmem:s17+$0x30] =	vst v7;
	v7 =	vmul.f32 v13, v6;
	v13 =	vld [tilespmem:s17+$0xA0]  }
0x1ce: {  	[tilespmem:s17+$0x40] =	vst v8;
	v8 =	vmul.f32 v10, v6;
	v10 =	vld [tilespmem:s17+$0xB0]  }
0x1cf: {  	[tilespmem:s17+$0x50] =	vst v7;
	v6 =	vmul.f32 v11, v6;
	v7 =	vld [tilespmem:s17+$0xC0]  }
0x1d0: {  	[tilespmem:s17+$0x60] =	vst v8;
	v8 =	vmul.f32 v5, v12;
	v11 =	vld [tilespmem:s17+$0xD0]  }
0x1d1: {  	[tilespmem:s17+$0x70] =	vst v6;
	v6 =	vmul.f32 v9, v5;
	v9 =	vld [tilespmem:s17+$0xE0]  }
0x1d2: {  	[tilespmem:s17+$0x80] =	vst v8;
	v8 =	vmul.f32 v13, v5;
	v12 =	vld [tilespmem:s17+$0xF0]  }
0x1d3: {  	[tilespmem:s17+$0x90] =	vst v6;
	v6 =	vmul.f32 v10, v5;
	v10 =	vld [tilespmem:s17+$0x100]  }
0x1d4: {  	[tilespmem:s17+$0xA0] =	vst v8;
	v7 =	vmul.f32 v7, v5;
	v8 =	vld [tilespmem:s17+$0x110]  }
0x1d5: {  	[tilespmem:s17+$0xB0] =	vst v6;
	v6 =	vmul.f32 v11, v5;
	v11 =	vld [tilespmem:s17+$0x120]  }
0x1d6: {  	[tilespmem:s17+$0xC0] =	vst v7;
	v7 =	vmul.f32 v9, v5;
	v9 =	vld [tilespmem:s17+$0x130]  }
0x1d7: {  	[tilespmem:s17+$0xD0] =	vst v6;
	v5 =	vmul.f32 v12, v5;
	v6 =	vld [tilespmem:s17+$0x140]  }
0x1d8: {  	[tilespmem:s17+$0xE0] =	vst v7;
	v7 =	vmul.f32 v4, v10;
	v10 =	vld [tilespmem:s17+$0x150]  }
0x1d9: {  	[tilespmem:s17+$0xF0] =	vst v5;
	v5 =	vmul.f32 v8, v4;
	v8 =	vld [tilespmem:s17+$0x160]  }
0x1da: {  	[tilespmem:s17+$0x100] =	vst v7;
	v7 =	vmul.f32 v11, v4;
	v11 =	vld [tilespmem:s17+$0x170]  }
0x1db: {  	[tilespmem:s17+$0x110] =	vst v5;
	v5 =	vmul.f32 v9, v4;
	v9 =	vld [tilespmem:s17+$0x180]  }
0x1dc: {  	[tilespmem:s17+$0x120] =	vst v7;
	v6 =	vmul.f32 v6, v4;
	v7 =	vld [tilespmem:s17+$0x190]  }
0x1dd: {  	[tilespmem:s17+$0x130] =	vst v5;
	v10 =	vmul.f32 v10, v4;
	v12 =	vld [tilespmem:s17+$0x1A0]  }
.Ltmp1:
0x1de: {  	[tilespmem:s17+$0x140] =	vst v6;
	v6 =	vmul.f32 v8, v4;
	v5 =	vld [tilespmem:s17+$0x1B0];
	(pc) =	sbr.rel @p0 .LBB2_5-.Ltmp1, $4  }
0x1df: {  	[tilespmem:s17+$0x150] =	vst v10;
	v8 =	vmul.f32 v11, v4;
	v4 =	vld [tilespmem:s17+$0x1C0]  }
0x1e0: {  	[tilespmem:s17+$0x160] =	vst v6;
	v10 =	vmul.f32 v2, v9;
	v6 =	vld [tilespmem:s17+$0x1D0]  }
0x1e1: {  	[tilespmem:s17+$0x170] =	vst v8;
	v9 =	vmul.f32 v7, v2;
	v7 =	vld [tilespmem:s17+$0x1E0]  }
0x1e2: {  	s4 =	sadd.s32 $0x8, s4;
	v8 =	vld [tilespmem:s17+$0xFFFFFE00];
	[tilespmem:s17+$0x180] =	vst v10;
	v10 =	vmul.f32 v12, v2  }
0x1e3: {  	[tilespmem:s31+$0x190] =	vst v9;
	v5 =	vmul.f32 v5, v2  }
0x1e4: {  	[tilespmem:s31+$0x1A0] =	vst v10;
	v4 =	vmul.f32 v4, v2  }
0x1e5: {  	[tilespmem:s31+$0x1B0] =	vst v5;
	v5 =	vmul.f32 v6, v2  }
0x1e6: {  	[tilespmem:s31+$0x1C0] =	vst v4;
	v2 =	vmul.f32 v7, v2  }
0x1e7: {  	v3 =	vmul.f32 v3, v8;
	[tilespmem:s31+$0x1D0] =	vst v5  }
0x1e8: {  	[tilespmem:s31+$0x1E0] =	vst v2  }
0x1e9: {  	[tilespmem:s31+$0xFFFFFE00] =	vst v3  }
0x1ea: {  	[spmem:s3] =	stream.indirect.scatter.add.f32 [tilespmem:s25], [sflag:$0x3], $0x1, s14, s16, $0xb8;
	[tilespmem:$0x1E680] =	vst v63  }
0x1eb: {  	_ =	swait.ge [sflag:s9], $0x50  }
0x1ec: {  	[sflag:s9] =	ssyncset.done $0x0  }
0x1ed: {  	[sflag:s9] =	ssyncadd.s32 $0xFFFFFFB0  }
0x1ee: {  	[spmem:s2] =	stream.indirect.scatter.add.f32 [tilespmem:s8], [sflag:$0x3], $0x80, s14, s16, $0xb8;
	[tilespmem:$0x1E680] =	vst v63  }
0x1ef: {  	s0 =	sadd.s32 s30, s22;
	_ =	swait.ge [sflag:s9], $0x2800  }
0x1f0: {  	s0 =	sshrl.u32 s0, $0x3;
	[sflag:s9] =	ssyncset.done $0x0  }
0x1f1: {  	s4 =	sadd.s32 s6, s0;
	[sflag:s9] =	ssyncadd.s32 $0xFFFFD800  }
0x1f2: {  	[tilespmem:s5], [sflag:$0x3] =	stream.linear.gather [hbm4b:s4+s5], $0x50, $0x38;
	[tilespmem:$0x1E680] =	vst v63  }
0x1f3: {  	_ =	swait.ge [sflag:s9], $0x50  }
0x1f4: {  	[sflag:s9] =	ssyncset.done $0x0  }
0x1f5: {  	s17 =	sadd.s32 s1, s0;
	[sflag:s9] =	ssyncadd.s32 $0xFFFFFFB0  }
0x1f6: {  	[tilespmem:s14], [sflag:$0x3] =	stream.linear.gather [hbm4b:s17+s5], $0x50, $0x38;
	[tilespmem:$0x1E680] =	vst v63  }
0x1f7: {  	_ =	swait.ge [sflag:s9], $0x50  }
0x1f8: {  	[sflag:s9] =	ssyncset.done $0x0  }
0x1f9: {  	s0 =	sadd.s32 s7, s0;
	[sflag:s9] =	ssyncadd.s32 $0xFFFFFFB0  }
0x1fa: {  	[tilespmem:s15], [sflag:$0x3] =	stream.linear.gather [hbm4b:s0+s5], $0x50, $0x38;
	[tilespmem:$0x1E680] =	vst v63  }
0x1fb: {  	_ =	swait.ge [sflag:s9], $0x50  }
0x1fc: {  	[sflag:s9] =	ssyncset.done $0x0  }
0x1fd: {  	[sflag:s9] =	ssyncadd.s32 $0xFFFFFFB0  }
0x1fe: {  	[tilespmem:s8], [sflag:$0x1] =	stream.indirect.gather [hbm4b:s11+s16], $0x80, s5, s16, $0xb8;
	[tilespmem:$0x1E680] =	vst v63  }
0x1ff: {  	v2 =	vld [tilespmem:$0x80]  }
0x200: {  	v3 =	vld [tilespmem:$0x180];
	_ =	sdelay $0x6  }
0x201: {  	v2 =	vld.idx.msk [tilespmem:v2+s10+$0x0], $0xffff  }
0x202: {  	v3 =	vld.idx.msk [tilespmem:v3+s13+$0x0], $0xffff;
	_ =	sdelay $0x1  }
0x203: {  	v4 =	vld [tilespmem:$0x280];
	_ =	sdelay $0x2  }
0x204: {  	v2 =	vadd.f32 v3, v2;
	_ =	sdelay $0x1  }
0x205: {  	v3 =	vadd.f32 v3, v1;
	v2 =	vadd.f32 v4, v2;
	_ =	sdelay $0x1  }
0x206: {  	v5 =	vmul.f32 $2.000000030e-01, v3;
	v4 =	vmul.f32 $2.000000030e-01, v2  }
0x207: {  	vm1 =	vge.f32 v3, $0.0e+00;
	vm0 =	vge.f32 v2, $0.0e+00  }
0x208: {  	v3 =	vsel vm1, v3, v5;
	v2 =	vsel vm0, v2, v4  }
0x209: {  	v2 =	vsub.f32 v2, v3;
	_ =	sdelay $0x1  }
0x20a: {  	v2 =	vmul.f32 $1.442695020e+00, v2;
	_ =	sdelay $0x1  }
0x20b: {  	(erf) = vpow2.f32 v2;
	_ =	sdelay $0x2  }
0x20c: {  	v2 =	vld [tilespmem:$0x90]  }
0x20d: {  	v3 =	vld [tilespmem:$0x190];
	_ =	sdelay $0x4  }
0x20e: {  	v4 =	vpop (erf)  }
0x20f: {  	[tilespmem:$0x300] =	vst v4  }
0x210: {  	v2 =	vld.idx.msk [tilespmem:v2+s10+$0x0], $0xffff  }
0x211: {  	v3 =	vld.idx.msk [tilespmem:v3+s13+$0x0], $0xffff;
	_ =	sdelay $0x1  }
0x212: {  	v4 =	vld [tilespmem:$0x290];
	_ =	sdelay $0x2  }
0x213: {  	v2 =	vadd.f32 v3, v2;
	_ =	sdelay $0x1  }
0x214: {  	v3 =	vadd.f32 v3, v1;
	v2 =	vadd.f32 v4, v2;
	_ =	sdelay $0x1  }
0x215: {  	v5 =	vmul.f32 $2.000000030e-01, v3;
	v4 =	vmul.f32 $2.000000030e-01, v2  }
0x216: {  	vm9 =	vge.f32 v3, $0.0e+00;
	vm8 =	vge.f32 v2, $0.0e+00  }
0x217: {  	v3 =	vsel vm9, v3, v5;
	v2 =	vsel vm8, v2, v4  }
0x218: {  	v2 =	vsub.f32 v2, v3;
	_ =	sdelay $0x1  }
0x219: {  	v2 =	vmul.f32 $1.442695020e+00, v2;
	_ =	sdelay $0x1  }
0x21a: {  	(erf) = vpow2.f32 v2;
	_ =	sdelay $0x2  }
0x21b: {  	v2 =	vld [tilespmem:$0xA0]  }
0x21c: {  	v3 =	vld [tilespmem:$0x1A0];
	_ =	sdelay $0x4  }
0x21d: {  	v4 =	vpop (erf)  }
0x21e: {  	[tilespmem:$0x310] =	vst v4  }
0x21f: {  	v2 =	vld.idx.msk [tilespmem:v2+s10+$0x0], $0xffff  }
0x220: {  	v3 =	vld.idx.msk [tilespmem:v3+s13+$0x0], $0xffff;
	_ =	sdelay $0x1  }
0x221: {  	v4 =	vld [tilespmem:$0x2A0];
	_ =	sdelay $0x2  }
0x222: {  	v2 =	vadd.f32 v3, v2;
	_ =	sdelay $0x1  }
0x223: {  	v3 =	vadd.f32 v3, v1;
	v2 =	vadd.f32 v4, v2;
	_ =	sdelay $0x1  }
0x224: {  	v5 =	vmul.f32 $2.000000030e-01, v3;
	v4 =	vmul.f32 $2.000000030e-01, v2  }
0x225: {  	vm11 =	vge.f32 v3, $0.0e+00;
	vm10 =	vge.f32 v2, $0.0e+00  }
0x226: {  	v3 =	vsel vm11, v3, v5;
	v2 =	vsel vm10, v2, v4  }
0x227: {  	v2 =	vsub.f32 v2, v3;
	_ =	sdelay $0x1  }
0x228: {  	v2 =	vmul.f32 $1.442695020e+00, v2;
	_ =	sdelay $0x1  }
0x229: {  	(erf) = vpow2.f32 v2;
	_ =	sdelay $0x2  }
0x22a: {  	v2 =	vld [tilespmem:$0xB0]  }
0x22b: {  	v3 =	vld [tilespmem:$0x1B0];
	_ =	sdelay $0x4  }
0x22c: {  	v4 =	vpop (erf)  }
0x22d: {  	[tilespmem:$0x320] =	vst v4  }
0x22e: {  	v2 =	vld.idx.msk [tilespmem:v2+s10+$0x0], $0xffff  }
0x22f: {  	v3 =	vld.idx.msk [tilespmem:v3+s13+$0x0], $0xffff;
	_ =	sdelay $0x1  }
0x230: {  	v4 =	vld [tilespmem:$0x2B0];
	_ =	sdelay $0x2  }
0x231: {  	v2 =	vadd.f32 v3, v2;
	_ =	sdelay $0x1  }
0x232: {  	v3 =	vadd.f32 v3, v1;
	v2 =	vadd.f32 v4, v2;
	_ =	sdelay $0x1  }
0x233: {  	v5 =	vmul.f32 $2.000000030e-01, v3;
	v4 =	vmul.f32 $2.000000030e-01, v2  }
0x234: {  	vm13 =	vge.f32 v3, $0.0e+00;
	vm12 =	vge.f32 v2, $0.0e+00  }
0x235: {  	v3 =	vsel vm13, v3, v5;
	v2 =	vsel vm12, v2, v4  }
0x236: {  	v2 =	vsub.f32 v2, v3;
	_ =	sdelay $0x1  }
0x237: {  	v2 =	vmul.f32 $1.442695020e+00, v2;
	_ =	sdelay $0x1  }
0x238: {  	(erf) = vpow2.f32 v2;
	_ =	sdelay $0x2  }
0x239: {  	v2 =	vld [tilespmem:$0xC0]  }
0x23a: {  	v3 =	vld [tilespmem:$0x1C0];
	_ =	sdelay $0x4  }
0x23b: {  	v4 =	vpop (erf)  }
0x23c: {  	[tilespmem:$0x330] =	vst v4  }
0x23d: {  	v2 =	vld.idx.msk [tilespmem:v2+s10+$0x0], $0xffff  }
0x23e: {  	v3 =	vld.idx.msk [tilespmem:v3+s13+$0x0], $0xffff;
	_ =	sdelay $0x1  }
0x23f: {  	v4 =	vld [tilespmem:$0x2C0];
	_ =	sdelay $0x2  }
0x240: {  	v2 =	vadd.f32 v3, v2;
	_ =	sdelay $0x1  }
0x241: {  	v3 =	vadd.f32 v3, v1;
	v2 =	vadd.f32 v4, v2;
	_ =	sdelay $0x1  }
0x242: {  	v5 =	vmul.f32 $2.000000030e-01, v3;
	v4 =	vmul.f32 $2.000000030e-01, v2  }
0x243: {  	vm15 =	vge.f32 v3, $0.0e+00;
	vm14 =	vge.f32 v2, $0.0e+00  }
0x244: {  	v3 =	vsel vm15, v3, v5;
	v2 =	vsel vm14, v2, v4  }
0x245: {  	v2 =	vsub.f32 v2, v3;
	_ =	sdelay $0x1  }
0x246: {  	v2 =	vmul.f32 $1.442695020e+00, v2;
	_ =	sdelay $0x1  }
0x247: {  	(erf) = vpow2.f32 v2;
	_ =	sdelay $0x8  }
0x248: {  	v2 =	vpop (erf)  }
0x249: {  	[tilespmem:$0x340] =	vst v2  }
0x24a: {  	_ =	swait.ge [sflag:s26], $0x2800  }
0x24b: {  	[sflag:s26] =	ssyncset.done $0x0  }
0x24c: {  	s31 =	simm.s32 $0x304;
	[sflag:s26] =	ssyncadd.s32 $0xFFFFD800  }
0x24d: {  	s30 =	simm.s32 $0x2D80;
	v2 =	vld.msk [tilespmem:s31+$0x3 ss:$0x0], $0xffff  }
0x24e: {  	v4 =	vld [tilespmem:s30+$0x1F0]  }
0x24f: {  	v3 =	vld.msk [tilespmem:s31+$0xFFFFFFFC ss:$0x0], $0xffff  }
0x250: {  	v5 =	vld.msk [tilespmem:s31+$0xFFFFFFFD ss:$0x0], $0xffff  }
0x251: {  	v6 =	vld [tilespmem:s30+$0xFFFFFE10]  }
0x252: {  	v7 =	vld [tilespmem:s30+$0xFFFFFE20]  }
0x253: {  	v8 =	vld [tilespmem:s30+$0xFFFFFE30]  }
0x254: {  	v9 =	vld [tilespmem:s30+$0xFFFFFE40]  }
0x255: {  	v10 =	vld [tilespmem:s30+$0xFFFFFE50]  }
0x256: {  	v11 =	vld [tilespmem:s30+$0xFFFFFE60]  }
0x257: {  	v12 =	vld [tilespmem:s30+$0xFFFFFE70]  }
0x258: {  	v13 =	vld [tilespmem:s30+$0xFFFFFE80]  }
0x259: {  	v14 =	vld [tilespmem:s30+$0xFFFFFE90]  }
0x25a: {  	v16 =	vld [tilespmem:s30+$0xFFFFFEB0]  }
0x25b: {  	v17 =	vld [tilespmem:s30+$0xFFFFFEC0];
	v4 =	vmul.f32 v4, v2  }
0x25c: {  	v15 =	vld [tilespmem:s30+$0xFFFFFEA0];
	v6 =	vmul.f32 v6, v3  }
0x25d: {  	v47 =	vld [tilespmem:s30+$0xFFFFFED0];
	v7 =	vmul.f32 v7, v3;
	[tilespmem:s30+$0x1F0] =	vst v4  }
0x25e: {  	v48 =	vld [tilespmem:s30+$0xFFFFFF20];
	v8 =	vmul.f32 v8, v3;
	[tilespmem:s30+$0xFFFFFE10] =	vst v6  }
0x25f: {  	v49 =	vld [tilespmem:s30+$0xFFFFFF30];
	v16 =	vmul.f32 v16, v5;
	[tilespmem:s30+$0xFFFFFE20] =	vst v7  }
0x260: {  	v50 =	vld [tilespmem:s30+$0xFFFFFF40];
	v17 =	vmul.f32 v17, v5;
	[tilespmem:s30+$0xFFFFFE30] =	vst v8  }
0x261: {  	v51 =	vld [tilespmem:s30+$0xFFFFFF70];
	v4 =	vmul.f32 v5, v13;
	[tilespmem:s30+$0xFFFFFEB0] =	vst v16  }
0x262: {  	v52 =	vld [tilespmem:s30+$0xFFFFFF80];
	v7 =	vmul.f32 v9, v3;
	[tilespmem:s30+$0xFFFFFEC0] =	vst v17  }
0x263: {  	v6 =	vld [tilespmem:s30+$0xFFFFFEE0];
	v8 =	vmul.f32 v10, v3;
	[tilespmem:s30+$0xFFFFFE80] =	vst v4  }
0x264: {  	v9 =	vld [tilespmem:s30+$0xFFFFFEF0];
	v13 =	vmul.f32 v47, v5;
	[tilespmem:s30+$0xFFFFFE40] =	vst v7  }
0x265: {  	v10 =	vld [tilespmem:s30+$0xFFFFFF00];
	v7 =	vmul.f32 v11, v3;
	[tilespmem:s30+$0xFFFFFE50] =	vst v8  }
0x266: {  	v4 =	vld.msk [tilespmem:s31+$0xFFFFFFFE ss:$0x0], $0xffff;
	v8 =	vmul.f32 v12, v3;
	[tilespmem:s30+$0xFFFFFED0] =	vst v13  }
0x267: {  	v11 =	vld [tilespmem:s30+$0xFFFFFF10];
	[tilespmem:s30+$0xFFFFFE60] =	vst v7;
	v7 =	vmul.f32 v14, v5  }
0x268: {  	v53 =	vld [tilespmem:s30+$0xFFFFFFB0];
	[tilespmem:s30+$0xFFFFFE70] =	vst v8;
	v8 =	vmul.f32 v15, v5  }
0x269: {  	v54 =	vld [tilespmem:s30+$0xFFFFFFC0];
	v6 =	vmul.f32 v6, v5;
	[tilespmem:s30+$0xFFFFFE90] =	vst v7  }
0x26a: {  	v55 =	vld [tilespmem:s30+$0xFFFFFFD0];
	v5 =	vmul.f32 v9, v5;
	[tilespmem:s30+$0xFFFFFEA0] =	vst v8  }
0x26b: {  	v8 =	vld [tilespmem:s30+$0xFFFFFF60];
	v7 =	vmul.f32 v4, v10;
	[tilespmem:s30+$0xFFFFFEE0] =	vst v6  }
0x26c: {  	v10 =	vld [tilespmem:s30+$0xFFFFFF50];
	v6 =	vmul.f32 v11, v4;
	[tilespmem:s30+$0xFFFFFEF0] =	vst v5  }
0x26d: {  	v56 =	vld [tilespmem:s30+$0xFFFFFFF0];
	v5 =	vmul.f32 v48, v4;
	[tilespmem:s30+$0xFFFFFF00] =	vst v7  }
0x26e: {  	v15 =	vmul.f32 v50, v4;
	v7 =	vld.msk [tilespmem:s31+$0xFFFFFFFF ss:$0x0], $0xffff;
	[tilespmem:s30+$0xFFFFFF10] =	vst v6  }
0x26f: {  	v9 =	vld [tilespmem:s30+$0xFFFFFF90];
	v6 =	vmul.f32 v49, v4;
	[tilespmem:s30+$0xFFFFFF20] =	vst v5  }
0x270: {  	v11 =	vld [tilespmem:s30+$0xFFFFFFA0];
	[tilespmem:s30+$0xFFFFFF40] =	vst v15;
	v8 =	vmul.f32 v8, v4  }
0x271: {  	v57 =	vld [tilespmem:s30+$0x30];
	[tilespmem:s30+$0xFFFFFF30] =	vst v6;
	v10 =	vmul.f32 v10, v4  }
0x272: {  	v58 =	vld [tilespmem:s30+$0x40];
	v4 =	vmul.f32 v51, v4;
	[tilespmem:s30+$0xFFFFFF60] =	vst v8  }
0x273: {  	v59 =	vld.msk [tilespmem:s31+$0x1 ss:$0x0], $0xffff;
	v5 =	vmul.f32 v7, v52;
	[tilespmem:s30+$0xFFFFFF50] =	vst v10  }
0x274: {  	v6 =	vld [tilespmem:s30+$0xFFFFFFE0];
	v8 =	vmul.f32 v9, v7;
	[tilespmem:s30+$0xFFFFFF70] =	vst v4  }
0x275: {  	v10 =	vld [tilespmem:s30+$0x0];
	v4 =	vmul.f32 v11, v7;
	[tilespmem:s30+$0xFFFFFF80] =	vst v5  }
0x276: {  	v14 =	vmul.f32 v55, v7;
	v5 =	vld.msk [tilespmem:s31+$0x0 ss:$0x0], $0xffff;
	[tilespmem:s30+$0xFFFFFF90] =	vst v8  }
0x277: {  	v9 =	vld [tilespmem:s30+$0x10];
	v8 =	vmul.f32 v53, v7;
	[tilespmem:s30+$0xFFFFFFA0] =	vst v4  }
0x278: {  	v11 =	vld [tilespmem:s30+$0x20];
	v4 =	vmul.f32 v54, v7;
	[tilespmem:s30+$0xFFFFFFD0] =	vst v14  }
0x279: {  	v60 =	vld [tilespmem:s30+$0xA0];
	v6 =	vmul.f32 v6, v7;
	[tilespmem:s30+$0xFFFFFFB0] =	vst v8  }
0x27a: {  	v7 =	vmul.f32 v56, v7;
	[tilespmem:s30+$0xFFFFFFC0] =	vst v4;
	v4 =	vld [tilespmem:s30+$0x60]  }
0x27b: {  	[tilespmem:s30+$0xFFFFFFE0] =	vst v6;
	v8 =	vmul.f32 v5, v10;
	v10 =	vld [tilespmem:s30+$0x50]  }
0x27c: {  	[tilespmem:s30+$0xFFFFFFF0] =	vst v7;
	v6 =	vmul.f32 v9, v5;
	v9 =	vld [tilespmem:s30+$0x80]  }
0x27d: {  	v61 =	vld [tilespmem:s30+$0xB0];
	v7 =	vmul.f32 v11, v5;
	[tilespmem:s30+$0x0] =	vst v8  }
0x27e: {  	v11 =	vld [tilespmem:s30+$0x90];
	[tilespmem:s30+$0x10] =	vst v6;
	v6 =	vmul.f32 v57, v5  }
0x27f: {  	v8 =	vld [tilespmem:s30+$0x70];
	[tilespmem:s30+$0x20] =	vst v7;
	v7 =	vmul.f32 v58, v5  }
0x280: {  	v62 =	vld.msk [tilespmem:s31+$0x2 ss:$0x0], $0xffff;
	v4 =	vmul.f32 v4, v5;
	[tilespmem:s30+$0x30] =	vst v6  }
0x281: {  	[tilespmem:s30+$0x40] =	vst v7;
	v6 =	vmul.f32 v10, v5;
	v10 =	vld [tilespmem:s30+$0xC0];
	v7 =	vmul.f32 v59, v9  }
0x282: {  	[tilespmem:s30+$0x60] =	vst v4;
	v9 =	vld [tilespmem:s30+$0xD0]  }
0x283: {  	v4 =	vmul.f32 v11, v59;
	[tilespmem:s30+$0x80] =	vst v7;
	v7 =	vld [tilespmem:s30+$0xF0]  }
0x284: {  	[tilespmem:s30+$0x50] =	vst v6;
	v5 =	vmul.f32 v8, v5;
	v8 =	vld [tilespmem:s30+$0x100]  }
0x285: {  	v6 =	vld [tilespmem:s30+$0xE0];
	[tilespmem:s30+$0x90] =	vst v4;
	v4 =	vmul.f32 v61, v59  }
0x286: {  	v11 =	vld [tilespmem:s30+$0x110];
	[tilespmem:s30+$0x70] =	vst v5;
	v5 =	vmul.f32 v60, v59  }
0x287: {  	[tilespmem:s30+$0xB0] =	vst v4;
	v4 =	vmul.f32 v9, v59;
	v9 =	vld [tilespmem:s30+$0x130]  }
0x288: {  	[tilespmem:s30+$0xA0] =	vst v5;
	v5 =	vmul.f32 v10, v59;
	v10 =	vld [tilespmem:s30+$0x120]  }
0x289: {  	[tilespmem:s30+$0xD0] =	vst v4;
	v4 =	vmul.f32 v62, v8;
	v8 =	vld [tilespmem:s30+$0x150];
	v7 =	vmul.f32 v7, v59  }
0x28a: {  	[tilespmem:s30+$0xC0] =	vst v5;
	v5 =	vmul.f32 v6, v59;
	v6 =	vld [tilespmem:s30+$0x140]  }
0x28b: {  	[tilespmem:s30+$0xF0] =	vst v7;
	v7 =	vld [tilespmem:s30+$0x170]  }
0x28c: {  	v11 =	vmul.f32 v11, v62;
	[tilespmem:s30+$0xE0] =	vst v5;
	v5 =	vld [tilespmem:s30+$0x160]  }
0x28d: {  	[tilespmem:s30+$0x100] =	vst v4;
	v4 =	vmul.f32 v10, v62  }
0x28e: {  	[tilespmem:s30+$0x110] =	vst v11;
	v9 =	vmul.f32 v9, v62;
	v10 =	vld [tilespmem:s30+$0x180]  }
0x28f: {  	v11 =	vld [tilespmem:s30+$0x190];
	[tilespmem:s30+$0x120] =	vst v4;
	v4 =	vmul.f32 v6, v62  }
0x290: {  	v63 =	vld [tilespmem:s30+$0x1A0];
	[tilespmem:s30+$0x130] =	vst v9;
	v6 =	vmul.f32 v8, v62  }
0x291: {  	v7 =	vmul.f32 v7, v62;
	[tilespmem:s30+$0x140] =	vst v4;
	v8 =	vmul.f32 v5, v62;
	v5 =	vld [tilespmem:s30+$0x1B0]  }
0x292: {  	[tilespmem:s30+$0x150] =	vst v6;
	v4 =	vld [tilespmem:s30+$0x1C0]  }
0x293: {  	v6 =	vld [tilespmem:s30+$0x1D0];
	v10 =	vmul.f32 v2, v10;
	[tilespmem:s30+$0x170] =	vst v7  }
0x294: {  	v9 =	vmul.f32 v11, v2;
	v7 =	vld [tilespmem:s30+$0x1E0];
	[tilespmem:s30+$0x160] =	vst v8  }
0x295: {  	s4 =	simm.s32 $0x30C;
	s17 =	simm.s32 $0x2D80;
	s0 =	simm.s32 $0x0;
	v8 =	vld [tilespmem:s30+$0xFFFFFE00];
	[tilespmem:s30+$0x180] =	vst v10;
	v10 =	vmul.f32 v63, v2  }
.LBB2_7:
0x296: {  	v11 =	vld.msk [tilespmem:s4+$0x3 ss:$0x0], $0xffff;
	s0 =	sadd.s32 $0x8, s0;
	[tilespmem:s30+$0x190] =	vst v9;
	v5 =	vmul.f32 v5, v2;
	s17 =	sadd.s32 $0x400, s17  }
0x297: {  	v9 =	vld [tilespmem:s17+$0x1F0];
	p0 =	slt.u32 s0, $0x48;
	[tilespmem:s30+$0x1A0] =	vst v10;
	v4 =	vmul.f32 v4, v2  }
0x298: {  	v10 =	vld.msk [tilespmem:s4+$0xFFFFFFFC ss:$0x0], $0xffff;
	[tilespmem:s30+$0x1B0] =	vst v5;
	v5 =	vmul.f32 v6, v2  }
0x299: {  	v12 =	vld.msk [tilespmem:s4+$0xFFFFFFFD ss:$0x0], $0xffff;
	[tilespmem:s30+$0x1C0] =	vst v4;
	v4 =	vmul.f32 v7, v2  }
0x29a: {  	v13 =	vld.msk [tilespmem:s4+$0xFFFFFFFE ss:$0x0], $0xffff;
	v3 =	vmul.f32 v3, v8;
	[tilespmem:s30+$0x1D0] =	vst v5  }
0x29b: {  	v7 =	vld.msk [tilespmem:s4+$0xFFFFFFFF ss:$0x0], $0xffff;
	[tilespmem:s30+$0x1E0] =	vst v4  }
0x29c: {  	v2 =	vmov v11;
	v6 =	vld.msk [tilespmem:s4+$0x0 ss:$0x0], $0xffff;
	v8 =	vmul.f32 v9, v11;
	[tilespmem:s30+$0xFFFFFE00] =	vst v3;
	s30 =	smov.u32 s17  }
0x29d: {  	v5 =	vld.msk [tilespmem:s4+$0x1 ss:$0x0], $0xffff  }
0x29e: {  	v4 =	vld.msk [tilespmem:s4+$0x2 ss:$0x0], $0xffff;
	[tilespmem:s17+$0x1F0] =	vst v8;
	v3 =	vmov v10  }
0x29f: {  	v8 =	vld [tilespmem:s17+$0xFFFFFE10]  }
0x2a0: {  	v9 =	vld [tilespmem:s17+$0xFFFFFE20]  }
0x2a1: {  	v10 =	vld [tilespmem:s17+$0xFFFFFE30]  }
0x2a2: {  	v11 =	vld [tilespmem:s17+$0xFFFFFE40]  }
0x2a3: {  	v14 =	vld [tilespmem:s17+$0xFFFFFE50]  }
0x2a4: {  	v8 =	vmul.f32 v8, v3;
	v15 =	vld [tilespmem:s17+$0xFFFFFE60]  }
0x2a5: {  	v9 =	vmul.f32 v9, v3;
	v16 =	vld [tilespmem:s17+$0xFFFFFE70]  }
0x2a6: {  	[tilespmem:s17+$0xFFFFFE10] =	vst v8;
	v8 =	vmul.f32 v10, v3;
	v10 =	vld [tilespmem:s17+$0xFFFFFE80]  }
0x2a7: {  	[tilespmem:s17+$0xFFFFFE20] =	vst v9;
	v9 =	vmul.f32 v11, v3;
	v11 =	vld [tilespmem:s17+$0xFFFFFE90]  }
0x2a8: {  	[tilespmem:s17+$0xFFFFFE30] =	vst v8;
	v8 =	vmul.f32 v14, v3;
	v14 =	vld [tilespmem:s17+$0xFFFFFEA0]  }
0x2a9: {  	[tilespmem:s17+$0xFFFFFE40] =	vst v9;
	v9 =	vmul.f32 v15, v3;
	v15 =	vld [tilespmem:s17+$0xFFFFFEB0]  }
0x2aa: {  	[tilespmem:s17+$0xFFFFFE50] =	vst v8;
	v8 =	vmul.f32 v16, v3;
	v16 =	vld [tilespmem:s17+$0xFFFFFEC0]  }
0x2ab: {  	[tilespmem:s17+$0xFFFFFE60] =	vst v9;
	v9 =	vmul.f32 v12, v10;
	v10 =	vld [tilespmem:s17+$0xFFFFFED0]  }
0x2ac: {  	[tilespmem:s17+$0xFFFFFE70] =	vst v8;
	v8 =	vmul.f32 v11, v12;
	v11 =	vld [tilespmem:s17+$0xFFFFFEE0]  }
0x2ad: {  	[tilespmem:s17+$0xFFFFFE80] =	vst v9;
	v9 =	vmul.f32 v14, v12;
	v14 =	vld [tilespmem:s17+$0xFFFFFEF0]  }
0x2ae: {  	[tilespmem:s17+$0xFFFFFE90] =	vst v8;
	v8 =	vmul.f32 v15, v12;
	v15 =	vld [tilespmem:s17+$0xFFFFFF00]  }
0x2af: {  	[tilespmem:s17+$0xFFFFFEA0] =	vst v9;
	v9 =	vmul.f32 v16, v12;
	v16 =	vld [tilespmem:s17+$0xFFFFFF10]  }
0x2b0: {  	[tilespmem:s17+$0xFFFFFEB0] =	vst v8;
	v8 =	vmul.f32 v10, v12;
	v10 =	vld [tilespmem:s17+$0xFFFFFF20]  }
0x2b1: {  	[tilespmem:s17+$0xFFFFFEC0] =	vst v9;
	v9 =	vmul.f32 v11, v12;
	v11 =	vld [tilespmem:s17+$0xFFFFFF30]  }
0x2b2: {  	[tilespmem:s17+$0xFFFFFED0] =	vst v8;
	v8 =	vmul.f32 v14, v12;
	v12 =	vld [tilespmem:s17+$0xFFFFFF40]  }
0x2b3: {  	[tilespmem:s17+$0xFFFFFEE0] =	vst v9;
	v9 =	vmul.f32 v13, v15;
	v14 =	vld [tilespmem:s17+$0xFFFFFF50]  }
0x2b4: {  	[tilespmem:s17+$0xFFFFFEF0] =	vst v8;
	v8 =	vmul.f32 v16, v13;
	v15 =	vld [tilespmem:s17+$0xFFFFFF60]  }
0x2b5: {  	[tilespmem:s17+$0xFFFFFF00] =	vst v9;
	v9 =	vmul.f32 v10, v13;
	v10 =	vld [tilespmem:s17+$0xFFFFFF70]  }
0x2b6: {  	[tilespmem:s17+$0xFFFFFF10] =	vst v8;
	v8 =	vmul.f32 v11, v13;
	v11 =	vld [tilespmem:s17+$0xFFFFFF80]  }
0x2b7: {  	[tilespmem:s17+$0xFFFFFF20] =	vst v9;
	v9 =	vmul.f32 v12, v13;
	v12 =	vld [tilespmem:s17+$0xFFFFFF90]  }
0x2b8: {  	[tilespmem:s17+$0xFFFFFF30] =	vst v8;
	v8 =	vmul.f32 v14, v13;
	v14 =	vld [tilespmem:s17+$0xFFFFFFA0]  }
0x2b9: {  	[tilespmem:s17+$0xFFFFFF40] =	vst v9;
	v9 =	vmul.f32 v15, v13;
	v15 =	vld [tilespmem:s17+$0xFFFFFFB0]  }
0x2ba: {  	[tilespmem:s17+$0xFFFFFF50] =	vst v8;
	v8 =	vmul.f32 v10, v13;
	v10 =	vld [tilespmem:s17+$0xFFFFFFC0]  }
0x2bb: {  	[tilespmem:s17+$0xFFFFFF60] =	vst v9;
	v9 =	vmul.f32 v7, v11;
	v11 =	vld [tilespmem:s17+$0xFFFFFFD0]  }
0x2bc: {  	[tilespmem:s17+$0xFFFFFF70] =	vst v8;
	v8 =	vmul.f32 v12, v7;
	v12 =	vld [tilespmem:s17+$0xFFFFFFE0]  }
0x2bd: {  	[tilespmem:s17+$0xFFFFFF80] =	vst v9;
	v9 =	vmul.f32 v14, v7;
	v13 =	vld [tilespmem:s17+$0xFFFFFFF0]  }
0x2be: {  	[tilespmem:s17+$0xFFFFFF90] =	vst v8;
	v8 =	vmul.f32 v15, v7;
	v14 =	vld [tilespmem:s17+$0x0]  }
0x2bf: {  	[tilespmem:s17+$0xFFFFFFA0] =	vst v9;
	v9 =	vmul.f32 v10, v7;
	v10 =	vld [tilespmem:s17+$0x10]  }
0x2c0: {  	[tilespmem:s17+$0xFFFFFFB0] =	vst v8;
	v8 =	vmul.f32 v11, v7;
	v11 =	vld [tilespmem:s17+$0x20]  }
0x2c1: {  	[tilespmem:s17+$0xFFFFFFC0] =	vst v9;
	v9 =	vmul.f32 v12, v7;
	v12 =	vld [tilespmem:s17+$0x30]  }
0x2c2: {  	[tilespmem:s17+$0xFFFFFFD0] =	vst v8;
	v7 =	vmul.f32 v13, v7;
	v8 =	vld [tilespmem:s17+$0x40]  }
0x2c3: {  	[tilespmem:s17+$0xFFFFFFE0] =	vst v9;
	v9 =	vmul.f32 v6, v14;
	v13 =	vld [tilespmem:s17+$0x50]  }
0x2c4: {  	[tilespmem:s17+$0xFFFFFFF0] =	vst v7;
	v7 =	vmul.f32 v10, v6;
	v10 =	vld [tilespmem:s17+$0x60]  }
0x2c5: {  	[tilespmem:s17+$0x0] =	vst v9;
	v9 =	vmul.f32 v11, v6;
	v11 =	vld [tilespmem:s17+$0x70]  }
0x2c6: {  	[tilespmem:s17+$0x10] =	vst v7;
	v7 =	vmul.f32 v12, v6;
	v12 =	vld [tilespmem:s17+$0x80]  }
0x2c7: {  	[tilespmem:s17+$0x20] =	vst v9;
	v8 =	vmul.f32 v8, v6;
	v9 =	vld [tilespmem:s17+$0x90]  }
0x2c8: {  	[tilespmem:s17+$0x30] =	vst v7;
	v7 =	vmul.f32 v13, v6;
	v13 =	vld [tilespmem:s17+$0xA0]  }
0x2c9: {  	[tilespmem:s17+$0x40] =	vst v8;
	v8 =	vmul.f32 v10, v6;
	v10 =	vld [tilespmem:s17+$0xB0]  }
0x2ca: {  	[tilespmem:s17+$0x50] =	vst v7;
	v6 =	vmul.f32 v11, v6;
	v7 =	vld [tilespmem:s17+$0xC0]  }
0x2cb: {  	[tilespmem:s17+$0x60] =	vst v8;
	v8 =	vmul.f32 v5, v12;
	v11 =	vld [tilespmem:s17+$0xD0]  }
0x2cc: {  	[tilespmem:s17+$0x70] =	vst v6;
	v6 =	vmul.f32 v9, v5;
	v9 =	vld [tilespmem:s17+$0xE0]  }
0x2cd: {  	[tilespmem:s17+$0x80] =	vst v8;
	v8 =	vmul.f32 v13, v5;
	v12 =	vld [tilespmem:s17+$0xF0]  }
0x2ce: {  	[tilespmem:s17+$0x90] =	vst v6;
	v6 =	vmul.f32 v10, v5;
	v10 =	vld [tilespmem:s17+$0x100]  }
0x2cf: {  	[tilespmem:s17+$0xA0] =	vst v8;
	v7 =	vmul.f32 v7, v5;
	v8 =	vld [tilespmem:s17+$0x110]  }
0x2d0: {  	[tilespmem:s17+$0xB0] =	vst v6;
	v6 =	vmul.f32 v11, v5;
	v11 =	vld [tilespmem:s17+$0x120]  }
0x2d1: {  	[tilespmem:s17+$0xC0] =	vst v7;
	v7 =	vmul.f32 v9, v5;
	v9 =	vld [tilespmem:s17+$0x130]  }
0x2d2: {  	[tilespmem:s17+$0xD0] =	vst v6;
	v5 =	vmul.f32 v12, v5;
	v6 =	vld [tilespmem:s17+$0x140]  }
0x2d3: {  	[tilespmem:s17+$0xE0] =	vst v7;
	v7 =	vmul.f32 v4, v10;
	v10 =	vld [tilespmem:s17+$0x150]  }
0x2d4: {  	[tilespmem:s17+$0xF0] =	vst v5;
	v5 =	vmul.f32 v8, v4;
	v8 =	vld [tilespmem:s17+$0x160]  }
0x2d5: {  	[tilespmem:s17+$0x100] =	vst v7;
	v7 =	vmul.f32 v11, v4;
	v11 =	vld [tilespmem:s17+$0x170]  }
0x2d6: {  	[tilespmem:s17+$0x110] =	vst v5;
	v5 =	vmul.f32 v9, v4;
	v9 =	vld [tilespmem:s17+$0x180]  }
0x2d7: {  	[tilespmem:s17+$0x120] =	vst v7;
	v6 =	vmul.f32 v6, v4;
	v7 =	vld [tilespmem:s17+$0x190]  }
0x2d8: {  	[tilespmem:s17+$0x130] =	vst v5;
	v10 =	vmul.f32 v10, v4;
	v12 =	vld [tilespmem:s17+$0x1A0]  }
.Ltmp2:
0x2d9: {  	[tilespmem:s17+$0x140] =	vst v6;
	v6 =	vmul.f32 v8, v4;
	v5 =	vld [tilespmem:s17+$0x1B0];
	(pc) =	sbr.rel @p0 .LBB2_7-.Ltmp2, $4  }
0x2da: {  	[tilespmem:s17+$0x150] =	vst v10;
	v8 =	vmul.f32 v11, v4;
	v4 =	vld [tilespmem:s17+$0x1C0]  }
0x2db: {  	[tilespmem:s17+$0x160] =	vst v6;
	v10 =	vmul.f32 v2, v9;
	v6 =	vld [tilespmem:s17+$0x1D0]  }
0x2dc: {  	[tilespmem:s17+$0x170] =	vst v8;
	v9 =	vmul.f32 v7, v2;
	v7 =	vld [tilespmem:s17+$0x1E0]  }
0x2dd: {  	s4 =	sadd.s32 $0x8, s4;
	v8 =	vld [tilespmem:s17+$0xFFFFFE00];
	[tilespmem:s17+$0x180] =	vst v10;
	v10 =	vmul.f32 v12, v2  }
0x2de: {  	[tilespmem:s30+$0x190] =	vst v9;
	v5 =	vmul.f32 v5, v2  }
0x2df: {  	[tilespmem:s30+$0x1A0] =	vst v10;
	v4 =	vmul.f32 v4, v2  }
0x2e0: {  	[tilespmem:s30+$0x1B0] =	vst v5;
	v63 =	vmul.f32 v6, v2  }
0x2e1: {  	[tilespmem:s30+$0x1C0] =	vst v4;
	v2 =	vmul.f32 v7, v2  }
0x2e2: {  	v3 =	vmul.f32 v3, v8;
	[tilespmem:s30+$0x1D0] =	vst v63  }
0x2e3: {  	[tilespmem:s30+$0x1E0] =	vst v2  }
0x2e4: {  	[tilespmem:s30+$0xFFFFFE00] =	vst v3  }
0x2e5: {  	[spmem:s3] =	stream.indirect.scatter.add.f32 [tilespmem:s25], [sflag:$0x3], $0x1, s19, s16, $0xb8;
	[tilespmem:$0x1E680] =	vst v63  }
0x2e6: {  	s29 =	sadd.s32 $0x1, s29;
	_ =	swait.ge [sflag:s9], $0x50  }
0x2e7: {  	p0 =	sne.s32 s29, $0x3E;
	[sflag:s9] =	ssyncset.done $0x0  }
.Ltmp3:
0x2e8: {  	[sflag:s9] =	ssyncadd.s32 $0xFFFFFFB0;
	(pc) =	sbr.rel @p0 .LBB2_4-.Ltmp3, $4  }
0x2e9: {  	[spmem:s2] =	stream.indirect.scatter.add.f32 [tilespmem:s23], [sflag:$0x3], $0x80, s19, s16, $0xb8;
	[tilespmem:$0x1E680] =	vst v63  }
0x2ea: {  	_ =	swait.ge [sflag:s9], $0x2800  }
0x2eb: {  	[sflag:s9] =	ssyncset.done $0x0  }
0x2ec: {  	[sflag:s9] =	ssyncadd.s32 $0xFFFFD800  }
0x2ed: {  	v2 =	vld [tilespmem:$0x0]  }
0x2ee: {  	v3 =	vld [tilespmem:$0x100];
	_ =	sdelay $0x6  }
0x2ef: {  	v2 =	vld.idx.msk [tilespmem:v2+s10+$0x0], $0xffff  }
0x2f0: {  	v3 =	vld.idx.msk [tilespmem:v3+s13+$0x0], $0xffff;
	_ =	sdelay $0x1  }
0x2f1: {  	v4 =	vld [tilespmem:$0x200];
	_ =	sdelay $0x2  }
0x2f2: {  	v2 =	vadd.f32 v3, v2;
	_ =	sdelay $0x1  }
0x2f3: {  	v3 =	vadd.f32 v3, v1;
	v2 =	vadd.f32 v4, v2;
	_ =	sdelay $0x1  }
0x2f4: {  	v5 =	vmul.f32 $2.000000030e-01, v3;
	v4 =	vmul.f32 $2.000000030e-01, v2  }
0x2f5: {  	vm1 =	vge.f32 v3, $0.0e+00;
	vm0 =	vge.f32 v2, $0.0e+00  }
0x2f6: {  	v3 =	vsel vm1, v3, v5;
	v2 =	vsel vm0, v2, v4  }
0x2f7: {  	v2 =	vsub.f32 v2, v3;
	_ =	sdelay $0x1  }
0x2f8: {  	v2 =	vmul.f32 $1.442695020e+00, v2;
	_ =	sdelay $0x1  }
0x2f9: {  	(erf) = vpow2.f32 v2;
	_ =	sdelay $0x2  }
0x2fa: {  	v2 =	vld [tilespmem:$0x10]  }
0x2fb: {  	v3 =	vld [tilespmem:$0x110];
	_ =	sdelay $0x4  }
0x2fc: {  	v4 =	vpop (erf)  }
0x2fd: {  	[tilespmem:$0x300] =	vst v4  }
0x2fe: {  	v2 =	vld.idx.msk [tilespmem:v2+s10+$0x0], $0xffff  }
0x2ff: {  	v3 =	vld.idx.msk [tilespmem:v3+s13+$0x0], $0xffff;
	_ =	sdelay $0x1  }
0x300: {  	v4 =	vld [tilespmem:$0x210];
	_ =	sdelay $0x2  }
0x301: {  	v2 =	vadd.f32 v3, v2;
	_ =	sdelay $0x1  }
0x302: {  	v3 =	vadd.f32 v3, v1;
	v2 =	vadd.f32 v4, v2;
	_ =	sdelay $0x1  }
0x303: {  	v5 =	vmul.f32 $2.000000030e-01, v3;
	v4 =	vmul.f32 $2.000000030e-01, v2  }
0x304: {  	vm9 =	vge.f32 v3, $0.0e+00;
	vm8 =	vge.f32 v2, $0.0e+00  }
0x305: {  	v3 =	vsel vm9, v3, v5;
	v2 =	vsel vm8, v2, v4  }
0x306: {  	v2 =	vsub.f32 v2, v3;
	_ =	sdelay $0x1  }
0x307: {  	v2 =	vmul.f32 $1.442695020e+00, v2;
	_ =	sdelay $0x1  }
0x308: {  	(erf) = vpow2.f32 v2;
	_ =	sdelay $0x2  }
0x309: {  	v2 =	vld [tilespmem:$0x20]  }
0x30a: {  	v3 =	vld [tilespmem:$0x120];
	_ =	sdelay $0x4  }
0x30b: {  	v4 =	vpop (erf)  }
0x30c: {  	[tilespmem:$0x310] =	vst v4  }
0x30d: {  	v2 =	vld.idx.msk [tilespmem:v2+s10+$0x0], $0xffff  }
0x30e: {  	v3 =	vld.idx.msk [tilespmem:v3+s13+$0x0], $0xffff;
	_ =	sdelay $0x1  }
0x30f: {  	v4 =	vld [tilespmem:$0x220];
	_ =	sdelay $0x2  }
0x310: {  	v2 =	vadd.f32 v3, v2;
	_ =	sdelay $0x1  }
0x311: {  	v3 =	vadd.f32 v3, v1;
	v2 =	vadd.f32 v4, v2;
	_ =	sdelay $0x1  }
0x312: {  	v5 =	vmul.f32 $2.000000030e-01, v3;
	v4 =	vmul.f32 $2.000000030e-01, v2  }
0x313: {  	vm11 =	vge.f32 v3, $0.0e+00;
	vm10 =	vge.f32 v2, $0.0e+00  }
0x314: {  	v3 =	vsel vm11, v3, v5;
	v2 =	vsel vm10, v2, v4  }
0x315: {  	v2 =	vsub.f32 v2, v3;
	_ =	sdelay $0x1  }
0x316: {  	v2 =	vmul.f32 $1.442695020e+00, v2;
	_ =	sdelay $0x1  }
0x317: {  	(erf) = vpow2.f32 v2;
	_ =	sdelay $0x2  }
0x318: {  	v2 =	vld [tilespmem:$0x30]  }
0x319: {  	v3 =	vld [tilespmem:$0x130];
	_ =	sdelay $0x4  }
0x31a: {  	v4 =	vpop (erf)  }
0x31b: {  	[tilespmem:$0x320] =	vst v4  }
0x31c: {  	v2 =	vld.idx.msk [tilespmem:v2+s10+$0x0], $0xffff  }
0x31d: {  	v3 =	vld.idx.msk [tilespmem:v3+s13+$0x0], $0xffff;
	_ =	sdelay $0x1  }
0x31e: {  	v4 =	vld [tilespmem:$0x230];
	_ =	sdelay $0x2  }
0x31f: {  	v2 =	vadd.f32 v3, v2;
	_ =	sdelay $0x1  }
0x320: {  	v3 =	vadd.f32 v3, v1;
	v2 =	vadd.f32 v4, v2;
	_ =	sdelay $0x1  }
0x321: {  	v5 =	vmul.f32 $2.000000030e-01, v3;
	v4 =	vmul.f32 $2.000000030e-01, v2  }
0x322: {  	vm13 =	vge.f32 v3, $0.0e+00;
	vm12 =	vge.f32 v2, $0.0e+00  }
0x323: {  	v3 =	vsel vm13, v3, v5;
	v2 =	vsel vm12, v2, v4  }
0x324: {  	v2 =	vsub.f32 v2, v3;
	_ =	sdelay $0x1  }
0x325: {  	v2 =	vmul.f32 $1.442695020e+00, v2;
	_ =	sdelay $0x1  }
0x326: {  	(erf) = vpow2.f32 v2;
	_ =	sdelay $0x2  }
0x327: {  	v2 =	vld [tilespmem:$0x40]  }
0x328: {  	v3 =	vld [tilespmem:$0x140];
	_ =	sdelay $0x4  }
0x329: {  	v4 =	vpop (erf)  }
0x32a: {  	[tilespmem:$0x330] =	vst v4  }
0x32b: {  	v2 =	vld.idx.msk [tilespmem:v2+s10+$0x0], $0xffff  }
0x32c: {  	v3 =	vld.idx.msk [tilespmem:v3+s13+$0x0], $0xffff;
	_ =	sdelay $0x1  }
0x32d: {  	v4 =	vld [tilespmem:$0x240];
	_ =	sdelay $0x2  }
0x32e: {  	v2 =	vadd.f32 v3, v2;
	_ =	sdelay $0x1  }
0x32f: {  	v1 =	vadd.f32 v3, v1;
	v2 =	vadd.f32 v4, v2;
	_ =	sdelay $0x1  }
0x330: {  	v4 =	vmul.f32 $2.000000030e-01, v1;
	v3 =	vmul.f32 $2.000000030e-01, v2  }
0x331: {  	vm15 =	vge.f32 v1, $0.0e+00;
	vm14 =	vge.f32 v2, $0.0e+00  }
0x332: {  	v1 =	vsel vm15, v1, v4;
	v2 =	vsel vm14, v2, v3  }
0x333: {  	v1 =	vsub.f32 v2, v1;
	_ =	sdelay $0x1  }
0x334: {  	v1 =	vmul.f32 $1.442695020e+00, v1;
	_ =	sdelay $0x1  }
0x335: {  	(erf) = vpow2.f32 v1;
	_ =	sdelay $0x8  }
0x336: {  	v1 =	vpop (erf)  }
0x337: {  	[tilespmem:$0x340] =	vst v1  }
0x338: {  	_ =	swait.ge [sflag:s24], $0x2800  }
0x339: {  	[sflag:s24] =	ssyncset.done $0x0  }
0x33a: {  	s0 =	simm.s32 $0x304;
	[sflag:s24] =	ssyncadd.s32 $0xFFFFD800  }
0x33b: {  	s29 =	simm.s32 $0x580;
	v1 =	vld.msk [tilespmem:s0+$0x3 ss:$0x0], $0xffff  }
0x33c: {  	v3 =	vld [tilespmem:s29+$0x1F0]  }
0x33d: {  	v2 =	vld.msk [tilespmem:s0+$0xFFFFFFFC ss:$0x0], $0xffff  }
0x33e: {  	v4 =	vld.msk [tilespmem:s0+$0xFFFFFFFD ss:$0x0], $0xffff  }
0x33f: {  	v5 =	vld [tilespmem:s29+$0xFFFFFE10]  }
0x340: {  	v6 =	vld [tilespmem:s29+$0xFFFFFE20]  }
0x341: {  	v7 =	vld [tilespmem:s29+$0xFFFFFE30]  }
0x342: {  	v8 =	vld [tilespmem:s29+$0xFFFFFE40]  }
0x343: {  	v9 =	vld [tilespmem:s29+$0xFFFFFE50]  }
0x344: {  	v10 =	vld [tilespmem:s29+$0xFFFFFE60]  }
0x345: {  	v11 =	vld [tilespmem:s29+$0xFFFFFE70]  }
0x346: {  	v12 =	vld [tilespmem:s29+$0xFFFFFE80]  }
0x347: {  	v13 =	vld [tilespmem:s29+$0xFFFFFE90]  }
0x348: {  	v15 =	vld [tilespmem:s29+$0xFFFFFEB0]  }
0x349: {  	v16 =	vld [tilespmem:s29+$0xFFFFFEC0];
	v3 =	vmul.f32 v3, v1  }
0x34a: {  	v14 =	vld [tilespmem:s29+$0xFFFFFEA0];
	v5 =	vmul.f32 v5, v2  }
0x34b: {  	v52 =	vld [tilespmem:s29+$0xFFFFFED0];
	v6 =	vmul.f32 v6, v2;
	[tilespmem:s29+$0x1F0] =	vst v3  }
0x34c: {  	v53 =	vld [tilespmem:s29+$0xFFFFFF30];
	v7 =	vmul.f32 v7, v2;
	[tilespmem:s29+$0xFFFFFE10] =	vst v5  }
0x34d: {  	v54 =	vld [tilespmem:s29+$0xFFFFFF40];
	v15 =	vmul.f32 v15, v4;
	[tilespmem:s29+$0xFFFFFE20] =	vst v6  }
0x34e: {  	v55 =	vld [tilespmem:s29+$0xFFFFFF70];
	v16 =	vmul.f32 v16, v4;
	[tilespmem:s29+$0xFFFFFE30] =	vst v7  }
0x34f: {  	v56 =	vld [tilespmem:s29+$0xFFFFFF80];
	v3 =	vmul.f32 v4, v12;
	[tilespmem:s29+$0xFFFFFEB0] =	vst v15  }
0x350: {  	v57 =	vld [tilespmem:s29+$0xFFFFFFC0];
	v6 =	vmul.f32 v8, v2;
	[tilespmem:s29+$0xFFFFFEC0] =	vst v16  }
0x351: {  	v5 =	vld [tilespmem:s29+$0xFFFFFEE0];
	v7 =	vmul.f32 v9, v2;
	[tilespmem:s29+$0xFFFFFE80] =	vst v3  }
0x352: {  	v8 =	vld [tilespmem:s29+$0xFFFFFEF0];
	v12 =	vmul.f32 v52, v4;
	[tilespmem:s29+$0xFFFFFE40] =	vst v6  }
0x353: {  	v9 =	vld [tilespmem:s29+$0xFFFFFF00];
	v6 =	vmul.f32 v10, v2;
	[tilespmem:s29+$0xFFFFFE50] =	vst v7  }
0x354: {  	v3 =	vld.msk [tilespmem:s0+$0xFFFFFFFE ss:$0x0], $0xffff;
	v7 =	vmul.f32 v11, v2;
	[tilespmem:s29+$0xFFFFFED0] =	vst v12  }
0x355: {  	v10 =	vld [tilespmem:s29+$0xFFFFFF10];
	[tilespmem:s29+$0xFFFFFE60] =	vst v6;
	v6 =	vmul.f32 v13, v4  }
0x356: {  	v11 =	vld [tilespmem:s29+$0xFFFFFF20];
	[tilespmem:s29+$0xFFFFFE70] =	vst v7;
	v7 =	vmul.f32 v14, v4  }
0x357: {  	v58 =	vld [tilespmem:s29+$0xFFFFFFD0];
	v5 =	vmul.f32 v5, v4;
	[tilespmem:s29+$0xFFFFFE90] =	vst v6  }
0x358: {  	v59 =	vld [tilespmem:s29+$0xFFFFFFF0];
	v4 =	vmul.f32 v8, v4;
	[tilespmem:s29+$0xFFFFFEA0] =	vst v7  }
0x359: {  	v7 =	vld [tilespmem:s29+$0xFFFFFF60];
	v6 =	vmul.f32 v3, v9;
	[tilespmem:s29+$0xFFFFFEE0] =	vst v5  }
0x35a: {  	v9 =	vld [tilespmem:s29+$0xFFFFFF50];
	v5 =	vmul.f32 v10, v3;
	[tilespmem:s29+$0xFFFFFEF0] =	vst v4  }
0x35b: {  	v60 =	vld [tilespmem:s29+$0x40];
	v4 =	vmul.f32 v11, v3;
	[tilespmem:s29+$0xFFFFFF00] =	vst v6  }
0x35c: {  	v14 =	vmul.f32 v54, v3;
	v6 =	vld.msk [tilespmem:s0+$0xFFFFFFFF ss:$0x0], $0xffff;
	[tilespmem:s29+$0xFFFFFF10] =	vst v5  }
0x35d: {  	v8 =	vld [tilespmem:s29+$0xFFFFFF90];
	v5 =	vmul.f32 v53, v3;
	[tilespmem:s29+$0xFFFFFF20] =	vst v4  }
0x35e: {  	v10 =	vld [tilespmem:s29+$0xFFFFFFA0];
	[tilespmem:s29+$0xFFFFFF40] =	vst v14;
	v7 =	vmul.f32 v7, v3  }
0x35f: {  	v61 =	vld.msk [tilespmem:s0+$0x1 ss:$0x0], $0xffff;
	[tilespmem:s29+$0xFFFFFF30] =	vst v5;
	v9 =	vmul.f32 v9, v3  }
0x360: {  	v11 =	vld [tilespmem:s29+$0xFFFFFFB0];
	v3 =	vmul.f32 v55, v3;
	[tilespmem:s29+$0xFFFFFF60] =	vst v7  }
0x361: {  	v62 =	vld [tilespmem:s29+$0xB0];
	v4 =	vmul.f32 v6, v56;
	[tilespmem:s29+$0xFFFFFF50] =	vst v9  }
0x362: {  	v5 =	vld [tilespmem:s29+$0xFFFFFFE0];
	v7 =	vmul.f32 v8, v6;
	[tilespmem:s29+$0xFFFFFF70] =	vst v3  }
0x363: {  	v9 =	vld [tilespmem:s29+$0x0];
	v3 =	vmul.f32 v10, v6;
	[tilespmem:s29+$0xFFFFFF80] =	vst v4  }
0x364: {  	v13 =	vmul.f32 v58, v6;
	v4 =	vld.msk [tilespmem:s0+$0x0 ss:$0x0], $0xffff;
	[tilespmem:s29+$0xFFFFFF90] =	vst v7  }
0x365: {  	v8 =	vld [tilespmem:s29+$0x10];
	v7 =	vmul.f32 v11, v6;
	[tilespmem:s29+$0xFFFFFFA0] =	vst v3  }
0x366: {  	v10 =	vld [tilespmem:s29+$0x20];
	v3 =	vmul.f32 v57, v6;
	[tilespmem:s29+$0xFFFFFFD0] =	vst v13  }
0x367: {  	v11 =	vld [tilespmem:s29+$0x30];
	v5 =	vmul.f32 v5, v6;
	[tilespmem:s29+$0xFFFFFFB0] =	vst v7  }
0x368: {  	v6 =	vmul.f32 v59, v6;
	[tilespmem:s29+$0xFFFFFFC0] =	vst v3;
	v3 =	vld [tilespmem:s29+$0x60]  }
0x369: {  	[tilespmem:s29+$0xFFFFFFE0] =	vst v5;
	v7 =	vmul.f32 v4, v9;
	v9 =	vld [tilespmem:s29+$0x50]  }
0x36a: {  	[tilespmem:s29+$0xFFFFFFF0] =	vst v6;
	v5 =	vmul.f32 v8, v4;
	v8 =	vld [tilespmem:s29+$0x80]  }
0x36b: {  	v63 =	vld.msk [tilespmem:s0+$0x2 ss:$0x0], $0xffff;
	v6 =	vmul.f32 v10, v4;
	[tilespmem:s29+$0x0] =	vst v7  }
0x36c: {  	v10 =	vld [tilespmem:s29+$0x90];
	[tilespmem:s29+$0x10] =	vst v5;
	v5 =	vmul.f32 v11, v4  }
0x36d: {  	v7 =	vld [tilespmem:s29+$0x70];
	[tilespmem:s29+$0x20] =	vst v6;
	v6 =	vmul.f32 v60, v4  }
0x36e: {  	v11 =	vld [tilespmem:s29+$0xA0];
	v3 =	vmul.f32 v3, v4;
	[tilespmem:s29+$0x30] =	vst v5  }
0x36f: {  	[tilespmem:s29+$0x40] =	vst v6;
	v5 =	vmul.f32 v9, v4;
	v9 =	vld [tilespmem:s29+$0xC0];
	v6 =	vmul.f32 v61, v8  }
0x370: {  	[tilespmem:s29+$0x60] =	vst v3;
	v8 =	vld [tilespmem:s29+$0xD0]  }
0x371: {  	v3 =	vmul.f32 v10, v61;
	[tilespmem:s29+$0x80] =	vst v6;
	v6 =	vld [tilespmem:s29+$0xF0]  }
0x372: {  	[tilespmem:s29+$0x50] =	vst v5;
	v4 =	vmul.f32 v7, v4;
	v7 =	vld [tilespmem:s29+$0x100]  }
0x373: {  	v5 =	vld [tilespmem:s29+$0xE0];
	[tilespmem:s29+$0x90] =	vst v3;
	v3 =	vmul.f32 v62, v61  }
0x374: {  	v10 =	vld [tilespmem:s29+$0x110];
	[tilespmem:s29+$0x70] =	vst v4;
	v4 =	vmul.f32 v11, v61  }
0x375: {  	[tilespmem:s29+$0xB0] =	vst v3;
	v3 =	vmul.f32 v8, v61;
	v8 =	vld [tilespmem:s29+$0x130]  }
0x376: {  	[tilespmem:s29+$0xA0] =	vst v4;
	v4 =	vmul.f32 v9, v61;
	v9 =	vld [tilespmem:s29+$0x120]  }
0x377: {  	[tilespmem:s29+$0xD0] =	vst v3;
	v3 =	vmul.f32 v63, v7;
	v7 =	vld [tilespmem:s29+$0x150];
	v6 =	vmul.f32 v6, v61  }
0x378: {  	[tilespmem:s29+$0xC0] =	vst v4;
	v4 =	vmul.f32 v5, v61;
	v5 =	vld [tilespmem:s29+$0x140]  }
0x379: {  	[tilespmem:s29+$0xF0] =	vst v6;
	v6 =	vld [tilespmem:s29+$0x170]  }
0x37a: {  	v10 =	vmul.f32 v10, v63;
	[tilespmem:s29+$0xE0] =	vst v4;
	v4 =	vld [tilespmem:s29+$0x160]  }
0x37b: {  	[tilespmem:s29+$0x100] =	vst v3;
	v3 =	vmul.f32 v9, v63  }
0x37c: {  	[tilespmem:s29+$0x110] =	vst v10;
	v8 =	vmul.f32 v8, v63;
	v9 =	vld [tilespmem:s29+$0x180]  }
0x37d: {  	v10 =	vld [tilespmem:s29+$0x190];
	[tilespmem:s29+$0x120] =	vst v3;
	v3 =	vmul.f32 v5, v63  }
0x37e: {  	v11 =	vld [tilespmem:s29+$0x1A0];
	[tilespmem:s29+$0x130] =	vst v8;
	v5 =	vmul.f32 v7, v63  }
0x37f: {  	v6 =	vmul.f32 v6, v63;
	[tilespmem:s29+$0x140] =	vst v3;
	v7 =	vmul.f32 v4, v63;
	v4 =	vld [tilespmem:s29+$0x1B0]  }
0x380: {  	[tilespmem:s29+$0x150] =	vst v5;
	v3 =	vld [tilespmem:s29+$0x1C0]  }
0x381: {  	v5 =	vld [tilespmem:s29+$0x1D0];
	v9 =	vmul.f32 v1, v9;
	[tilespmem:s29+$0x170] =	vst v6  }
0x382: {  	v8 =	vmul.f32 v10, v1;
	v6 =	vld [tilespmem:s29+$0x1E0];
	[tilespmem:s29+$0x160] =	vst v7  }
0x383: {  	s4 =	simm.s32 $0x30C;
	s17 =	simm.s32 $0x580;
	s0 =	simm.s32 $0x0;
	v7 =	vld [tilespmem:s29+$0xFFFFFE00];
	[tilespmem:s29+$0x180] =	vst v9;
	v9 =	vmul.f32 v11, v1  }
.LBB2_10:
0x384: {  	v10 =	vld.msk [tilespmem:s4+$0x3 ss:$0x0], $0xffff;
	s0 =	sadd.s32 $0x8, s0;
	[tilespmem:s29+$0x190] =	vst v8;
	v4 =	vmul.f32 v4, v1;
	s17 =	sadd.s32 $0x400, s17  }
0x385: {  	v8 =	vld [tilespmem:s17+$0x1F0];
	p0 =	slt.u32 s0, $0x48;
	[tilespmem:s29+$0x1A0] =	vst v9;
	v3 =	vmul.f32 v3, v1  }
0x386: {  	v9 =	vld.msk [tilespmem:s4+$0xFFFFFFFC ss:$0x0], $0xffff;
	[tilespmem:s29+$0x1B0] =	vst v4;
	v4 =	vmul.f32 v5, v1  }
0x387: {  	v11 =	vld.msk [tilespmem:s4+$0xFFFFFFFD ss:$0x0], $0xffff;
	[tilespmem:s29+$0x1C0] =	vst v3;
	v3 =	vmul.f32 v6, v1  }
0x388: {  	v12 =	vld.msk [tilespmem:s4+$0xFFFFFFFE ss:$0x0], $0xffff;
	v2 =	vmul.f32 v2, v7;
	[tilespmem:s29+$0x1D0] =	vst v4  }
0x389: {  	v6 =	vld.msk [tilespmem:s4+$0xFFFFFFFF ss:$0x0], $0xffff;
	[tilespmem:s29+$0x1E0] =	vst v3  }
0x38a: {  	v1 =	vmov v10;
	v5 =	vld.msk [tilespmem:s4+$0x0 ss:$0x0], $0xffff;
	v7 =	vmul.f32 v8, v10;
	[tilespmem:s29+$0xFFFFFE00] =	vst v2;
	s29 =	smov.u32 s17  }
0x38b: {  	v4 =	vld.msk [tilespmem:s4+$0x1 ss:$0x0], $0xffff  }
0x38c: {  	v3 =	vld.msk [tilespmem:s4+$0x2 ss:$0x0], $0xffff;
	[tilespmem:s17+$0x1F0] =	vst v7;
	v2 =	vmov v9  }
0x38d: {  	v7 =	vld [tilespmem:s17+$0xFFFFFE10]  }
0x38e: {  	v8 =	vld [tilespmem:s17+$0xFFFFFE20]  }
0x38f: {  	v9 =	vld [tilespmem:s17+$0xFFFFFE30]  }
0x390: {  	v10 =	vld [tilespmem:s17+$0xFFFFFE40]  }
0x391: {  	v13 =	vld [tilespmem:s17+$0xFFFFFE50]  }
0x392: {  	v7 =	vmul.f32 v7, v2;
	v14 =	vld [tilespmem:s17+$0xFFFFFE60]  }
0x393: {  	v8 =	vmul.f32 v8, v2;
	v15 =	vld [tilespmem:s17+$0xFFFFFE70]  }
0x394: {  	[tilespmem:s17+$0xFFFFFE10] =	vst v7;
	v7 =	vmul.f32 v9, v2;
	v9 =	vld [tilespmem:s17+$0xFFFFFE80]  }
0x395: {  	[tilespmem:s17+$0xFFFFFE20] =	vst v8;
	v8 =	vmul.f32 v10, v2;
	v10 =	vld [tilespmem:s17+$0xFFFFFE90]  }
0x396: {  	[tilespmem:s17+$0xFFFFFE30] =	vst v7;
	v7 =	vmul.f32 v13, v2;
	v13 =	vld [tilespmem:s17+$0xFFFFFEA0]  }
0x397: {  	[tilespmem:s17+$0xFFFFFE40] =	vst v8;
	v8 =	vmul.f32 v14, v2;
	v14 =	vld [tilespmem:s17+$0xFFFFFEB0]  }
0x398: {  	[tilespmem:s17+$0xFFFFFE50] =	vst v7;
	v7 =	vmul.f32 v15, v2;
	v15 =	vld [tilespmem:s17+$0xFFFFFEC0]  }
0x399: {  	[tilespmem:s17+$0xFFFFFE60] =	vst v8;
	v8 =	vmul.f32 v11, v9;
	v9 =	vld [tilespmem:s17+$0xFFFFFED0]  }
0x39a: {  	[tilespmem:s17+$0xFFFFFE70] =	vst v7;
	v7 =	vmul.f32 v10, v11;
	v10 =	vld [tilespmem:s17+$0xFFFFFEE0]  }
0x39b: {  	[tilespmem:s17+$0xFFFFFE80] =	vst v8;
	v8 =	vmul.f32 v13, v11;
	v13 =	vld [tilespmem:s17+$0xFFFFFEF0]  }
0x39c: {  	[tilespmem:s17+$0xFFFFFE90] =	vst v7;
	v7 =	vmul.f32 v14, v11;
	v14 =	vld [tilespmem:s17+$0xFFFFFF00]  }
0x39d: {  	[tilespmem:s17+$0xFFFFFEA0] =	vst v8;
	v8 =	vmul.f32 v15, v11;
	v15 =	vld [tilespmem:s17+$0xFFFFFF10]  }
0x39e: {  	[tilespmem:s17+$0xFFFFFEB0] =	vst v7;
	v7 =	vmul.f32 v9, v11;
	v9 =	vld [tilespmem:s17+$0xFFFFFF20]  }
0x39f: {  	[tilespmem:s17+$0xFFFFFEC0] =	vst v8;
	v8 =	vmul.f32 v10, v11;
	v10 =	vld [tilespmem:s17+$0xFFFFFF30]  }
0x3a0: {  	[tilespmem:s17+$0xFFFFFED0] =	vst v7;
	v7 =	vmul.f32 v13, v11;
	v11 =	vld [tilespmem:s17+$0xFFFFFF40]  }
0x3a1: {  	[tilespmem:s17+$0xFFFFFEE0] =	vst v8;
	v8 =	vmul.f32 v12, v14;
	v13 =	vld [tilespmem:s17+$0xFFFFFF50]  }
0x3a2: {  	[tilespmem:s17+$0xFFFFFEF0] =	vst v7;
	v7 =	vmul.f32 v15, v12;
	v14 =	vld [tilespmem:s17+$0xFFFFFF60]  }
0x3a3: {  	[tilespmem:s17+$0xFFFFFF00] =	vst v8;
	v8 =	vmul.f32 v9, v12;
	v9 =	vld [tilespmem:s17+$0xFFFFFF70]  }
0x3a4: {  	[tilespmem:s17+$0xFFFFFF10] =	vst v7;
	v7 =	vmul.f32 v10, v12;
	v10 =	vld [tilespmem:s17+$0xFFFFFF80]  }
0x3a5: {  	[tilespmem:s17+$0xFFFFFF20] =	vst v8;
	v8 =	vmul.f32 v11, v12;
	v11 =	vld [tilespmem:s17+$0xFFFFFF90]  }
0x3a6: {  	[tilespmem:s17+$0xFFFFFF30] =	vst v7;
	v7 =	vmul.f32 v13, v12;
	v13 =	vld [tilespmem:s17+$0xFFFFFFA0]  }
0x3a7: {  	[tilespmem:s17+$0xFFFFFF40] =	vst v8;
	v8 =	vmul.f32 v14, v12;
	v14 =	vld [tilespmem:s17+$0xFFFFFFB0]  }
0x3a8: {  	[tilespmem:s17+$0xFFFFFF50] =	vst v7;
	v7 =	vmul.f32 v9, v12;
	v9 =	vld [tilespmem:s17+$0xFFFFFFC0]  }
0x3a9: {  	[tilespmem:s17+$0xFFFFFF60] =	vst v8;
	v8 =	vmul.f32 v6, v10;
	v10 =	vld [tilespmem:s17+$0xFFFFFFD0]  }
0x3aa: {  	[tilespmem:s17+$0xFFFFFF70] =	vst v7;
	v7 =	vmul.f32 v11, v6;
	v11 =	vld [tilespmem:s17+$0xFFFFFFE0]  }
0x3ab: {  	[tilespmem:s17+$0xFFFFFF80] =	vst v8;
	v8 =	vmul.f32 v13, v6;
	v12 =	vld [tilespmem:s17+$0xFFFFFFF0]  }
0x3ac: {  	[tilespmem:s17+$0xFFFFFF90] =	vst v7;
	v7 =	vmul.f32 v14, v6;
	v13 =	vld [tilespmem:s17+$0x0]  }
0x3ad: {  	[tilespmem:s17+$0xFFFFFFA0] =	vst v8;
	v8 =	vmul.f32 v9, v6;
	v9 =	vld [tilespmem:s17+$0x10]  }
0x3ae: {  	[tilespmem:s17+$0xFFFFFFB0] =	vst v7;
	v7 =	vmul.f32 v10, v6;
	v10 =	vld [tilespmem:s17+$0x20]  }
0x3af: {  	[tilespmem:s17+$0xFFFFFFC0] =	vst v8;
	v8 =	vmul.f32 v11, v6;
	v11 =	vld [tilespmem:s17+$0x30]  }
0x3b0: {  	[tilespmem:s17+$0xFFFFFFD0] =	vst v7;
	v6 =	vmul.f32 v12, v6;
	v7 =	vld [tilespmem:s17+$0x40]  }
0x3b1: {  	[tilespmem:s17+$0xFFFFFFE0] =	vst v8;
	v8 =	vmul.f32 v5, v13;
	v12 =	vld [tilespmem:s17+$0x50]  }
0x3b2: {  	[tilespmem:s17+$0xFFFFFFF0] =	vst v6;
	v6 =	vmul.f32 v9, v5;
	v9 =	vld [tilespmem:s17+$0x60]  }
0x3b3: {  	[tilespmem:s17+$0x0] =	vst v8;
	v8 =	vmul.f32 v10, v5;
	v10 =	vld [tilespmem:s17+$0x70]  }
0x3b4: {  	[tilespmem:s17+$0x10] =	vst v6;
	v6 =	vmul.f32 v11, v5;
	v11 =	vld [tilespmem:s17+$0x80]  }
0x3b5: {  	[tilespmem:s17+$0x20] =	vst v8;
	v7 =	vmul.f32 v7, v5;
	v8 =	vld [tilespmem:s17+$0x90]  }
0x3b6: {  	[tilespmem:s17+$0x30] =	vst v6;
	v6 =	vmul.f32 v12, v5;
	v12 =	vld [tilespmem:s17+$0xA0]  }
0x3b7: {  	[tilespmem:s17+$0x40] =	vst v7;
	v7 =	vmul.f32 v9, v5;
	v9 =	vld [tilespmem:s17+$0xB0]  }
0x3b8: {  	[tilespmem:s17+$0x50] =	vst v6;
	v5 =	vmul.f32 v10, v5;
	v6 =	vld [tilespmem:s17+$0xC0]  }
0x3b9: {  	[tilespmem:s17+$0x60] =	vst v7;
	v7 =	vmul.f32 v4, v11;
	v10 =	vld [tilespmem:s17+$0xD0]  }
0x3ba: {  	[tilespmem:s17+$0x70] =	vst v5;
	v5 =	vmul.f32 v8, v4;
	v8 =	vld [tilespmem:s17+$0xE0]  }
0x3bb: {  	[tilespmem:s17+$0x80] =	vst v7;
	v7 =	vmul.f32 v12, v4;
	v11 =	vld [tilespmem:s17+$0xF0]  }
0x3bc: {  	[tilespmem:s17+$0x90] =	vst v5;
	v5 =	vmul.f32 v9, v4;
	v9 =	vld [tilespmem:s17+$0x100]  }
0x3bd: {  	[tilespmem:s17+$0xA0] =	vst v7;
	v6 =	vmul.f32 v6, v4;
	v7 =	vld [tilespmem:s17+$0x110]  }
0x3be: {  	[tilespmem:s17+$0xB0] =	vst v5;
	v5 =	vmul.f32 v10, v4;
	v10 =	vld [tilespmem:s17+$0x120]  }
0x3bf: {  	[tilespmem:s17+$0xC0] =	vst v6;
	v6 =	vmul.f32 v8, v4;
	v8 =	vld [tilespmem:s17+$0x130]  }
0x3c0: {  	[tilespmem:s17+$0xD0] =	vst v5;
	v4 =	vmul.f32 v11, v4;
	v5 =	vld [tilespmem:s17+$0x140]  }
0x3c1: {  	[tilespmem:s17+$0xE0] =	vst v6;
	v6 =	vmul.f32 v3, v9;
	v9 =	vld [tilespmem:s17+$0x150]  }
0x3c2: {  	[tilespmem:s17+$0xF0] =	vst v4;
	v4 =	vmul.f32 v7, v3;
	v7 =	vld [tilespmem:s17+$0x160]  }
0x3c3: {  	[tilespmem:s17+$0x100] =	vst v6;
	v6 =	vmul.f32 v10, v3;
	v10 =	vld [tilespmem:s17+$0x170]  }
0x3c4: {  	[tilespmem:s17+$0x110] =	vst v4;
	v4 =	vmul.f32 v8, v3;
	v8 =	vld [tilespmem:s17+$0x180]  }
0x3c5: {  	[tilespmem:s17+$0x120] =	vst v6;
	v5 =	vmul.f32 v5, v3;
	v6 =	vld [tilespmem:s17+$0x190]  }
0x3c6: {  	[tilespmem:s17+$0x130] =	vst v4;
	v9 =	vmul.f32 v9, v3;
	v11 =	vld [tilespmem:s17+$0x1A0]  }
.Ltmp4:
0x3c7: {  	[tilespmem:s17+$0x140] =	vst v5;
	v5 =	vmul.f32 v7, v3;
	v4 =	vld [tilespmem:s17+$0x1B0];
	(pc) =	sbr.rel @p0 .LBB2_10-.Ltmp4, $4  }
0x3c8: {  	[tilespmem:s17+$0x150] =	vst v9;
	v7 =	vmul.f32 v10, v3;
	v3 =	vld [tilespmem:s17+$0x1C0]  }
0x3c9: {  	[tilespmem:s17+$0x160] =	vst v5;
	v9 =	vmul.f32 v1, v8;
	v5 =	vld [tilespmem:s17+$0x1D0]  }
0x3ca: {  	[tilespmem:s17+$0x170] =	vst v7;
	v8 =	vmul.f32 v6, v1;
	v6 =	vld [tilespmem:s17+$0x1E0]  }
0x3cb: {  	s4 =	sadd.s32 $0x8, s4;
	v7 =	vld [tilespmem:s17+$0xFFFFFE00];
	[tilespmem:s17+$0x180] =	vst v9;
	v9 =	vmul.f32 v11, v1  }
0x3cc: {  	[tilespmem:s29+$0x190] =	vst v8;
	v4 =	vmul.f32 v4, v1  }
0x3cd: {  	[tilespmem:s29+$0x1A0] =	vst v9;
	v3 =	vmul.f32 v3, v1  }
0x3ce: {  	[tilespmem:s29+$0x1B0] =	vst v4;
	v63 =	vmul.f32 v5, v1  }
0x3cf: {  	[tilespmem:s29+$0x1C0] =	vst v3;
	v1 =	vmul.f32 v6, v1  }
0x3d0: {  	v2 =	vmul.f32 v2, v7;
	[tilespmem:s29+$0x1D0] =	vst v63  }
0x3d1: {  	[tilespmem:s29+$0x1E0] =	vst v1  }
0x3d2: {  	[tilespmem:s29+$0xFFFFFE00] =	vst v2  }
0x3d3: {  	[spmem:s3] =	stream.indirect.scatter.add.f32 [tilespmem:s25], [sflag:$0x3], $0x1, s14, s16, $0xb8;
	[tilespmem:$0x1E680] =	vst v63  }
0x3d4: {  	_ =	swait.ge [sflag:s9], $0x50  }
0x3d5: {  	[sflag:s9] =	ssyncset.done $0x0  }
0x3d6: {  	[sflag:s9] =	ssyncadd.s32 $0xFFFFFFB0  }
0x3d7: {  	[spmem:s2] =	stream.indirect.scatter.add.f32 [tilespmem:s8], [sflag:$0x3], $0x80, s14, s16, $0xb8;
	[tilespmem:$0x1E680] =	vst v63  }
0x3d8: {  	_ =	swait.ge [sflag:s9], $0x2800  }
0x3d9: {  	[sflag:s9] =	ssyncset.done $0x0  }
0x3da: {  	[sflag:s9] =	ssyncadd.s32 $0xFFFFD800  }
0x3db: {  	s0 =	stileid.u32;
	[bflag:$0x0] =	sbarrier.arrive $0xFFFF  }
0x3dc: {  	s0 =	sshll.u32 s0, $0x6;
	s29 =	rddreg [dreg:$0xc]  }
0x3dd: {  	s0 =	sor.u32 $0x1C03, s0;
	s17 =	rddreg [dreg:$0x10];
	s4 =	sshrl.u32 s29, $0x3  }
0x3de: {  	[hbm:s17], [sflag:s0] =	dma.local [spmem:s4], $0x2800  }
0x3df: {  	s30 =	simm.s32 $0x20;
	_ =	swait.ge [sflag:s9], $0x2800  }
0x3e0: {  	s31 =	simm.s32 $0x10;
	s17 =	smov.u32 s12;
	[sflag:s9] =	ssyncset.done $0x0  }
0x3e1: {  	s4 =	sshrl.u32 s12, $0x3;
	s12 =	rddreg [dreg:$0x11];
	[sflag:s9] =	ssyncadd.s32 $0xFFFFD800  }
0x3e2: {  	[hbm:s12@s30], [sflag:s0] =	dma.strided [spmem:s4@s31], $0x50, s24, $0x10   }
0x3e3: {  	_ =	swait.ge [sflag:s9], $0x50  }
0x3e4: {  	s28 =	sadd.s32 $0x1, s28;
	s31 =	rddreg [dreg:$0x12]  }
0x3e5: {  	p0 =	sne.s32 s28, s31  }
.Ltmp5:
0x3e6: {  	_ = 	snop;
	(pc) =	sbr.rel @p0 .LBB2_1-.Ltmp5, $3  }
0x3e7: {  	_ =	sdelay $0x1  }
0x3e8: {  	[sflag:s9] =	ssyncset.done $0x0  }
0x3e9: {  	[sflag:s9] =	ssyncadd.s32 $0xFFFFFFB0  }
0x3ea: {  	_ =	sfence.sel $0x180000  }
0x3eb: {  	[bflag:$0x0] =	sbarrier.arrive $0xFFFF  }
0x3ec: {  	_ =	strace $0x90000047  }
0x3ed: {  	s0 =	stileid.u32;
	[bflag:$0x2] =	sbarrier.arrive $0xFFFF  }
0x3ee: {  	p0 =	sne.s32 s0, $0x0;
	s0 =	rddreg [dreg:$0x4]  }
0x3ef: {  	s0 =	sadd.s32 @!p0 $0x100000, s0  }
0x3f0: {  	[sflag:s0] =	ssyncadd.tile.s32 @!p0 $0x1;
	_ =	shalt  }
.Lfunc_end2:
_tile_overlayer_lowered:
.L_overlay_start_2:
0x3f1: {  	(tag) =	ssettag $0x2  }
0x3f2: {  	s0 =	rddreg [dreg:$0x0];
	s2 =	stileid.u32  }
0x3f3: {  	s1 =	rddreg [dreg:$0x1];
	p0 =	sne.s32 s2, $0x0  }
0x3f4: {  	s3 =	rddreg [dreg:$0x2];
	[bflag:$0x3] =	sbarrier.arrive $0xFFFF;
	s2 =	simm.s32 @!p0 $0x1C03  }
0x3f5: {  	[timem:s3], [sflag:s2] =	dma.local @!p0 [hbm:s0], s1  }
0x3f6: {  	s0 =	simm.s32 @!p0 $0x3  }
0x3f7: {  	_ =	swait.ge @!p0 [sflag:s0], s1  }
0x3f8: {  	s1 =	ssub.s32 @!p0 $0x0, s1;
	[sflag:s0] =	ssyncset.done @!p0 $0x0  }
0x3f9: {  	[sflag:s0] =	ssyncadd.s32 @!p0 s1  }
0x3fa: {  	[bflag:$0x3] =	sbarrier.arrive $0xFFFF  }
0x3fb: {  	_ =	shalt  }

</sc_bundles>
